<compile_context>
chip_gen: v7x
topology: tpu7x:2x2x1
jax: 0.10.2.dev20260603
libtpu: 0.0.44.dev20260713+nightly
codegen_flags: <defaults>
</compile_context>

<pallas_src>
import functools

import jax
import jax.numpy as jnp
from jax import lax
from jax.experimental import pallas as pl
from jax.experimental.pallas import tpu as pltpu
from jax.experimental.pallas import tpu_sc as plsc

N = 10000
E = 320000
D = 128

NC = 2
NS = 16
NW = NC * NS

NBLK = 79
NPAD = NBLK * 128
CHUNK = 80
NCHUNK = 128
EPT = NCHUNK * CHUNK
EPAD = NW * EPT
RPT = NPAD // NS
NBUF = 4
NIDX = 8

_MESH = plsc.VectorSubcoreMesh(
    core_axis_name="c", subcore_axis_name="s", num_cores=NC, num_subcores=NS
)


@functools.partial(
    pl.kernel,
    out_type=jax.ShapeDtypeStruct((NC * NPAD,), jnp.float32),
    mesh=_MESH,
    scratch_types=[
        pltpu.VMEM_SHARED((NPAD,), jnp.float32),
        pltpu.VMEM((NCHUNK, 2, CHUNK), jnp.int32),
        pltpu.VMEM((CHUNK,), jnp.float32),
        pltpu.VMEM((RPT,), jnp.float32),
        pltpu.SemaphoreType.DMA,
        pltpu.SemaphoreType.DMA,
    ],
)
def _sc_degree(eidx_hbm, zeros_hbm, degp_hbm, acc, eidx, onesv, stg, s0, s1):
    cid = lax.axis_index("c")
    sid = lax.axis_index("s")
    wid = cid * NS + sid

    pltpu.sync_copy(eidx_hbm.at[pl.ds(wid * NCHUNK, NCHUNK)], eidx)
    for j in range(CHUNK // 16):
        onesv[pl.ds(16 * j, 16)] = jnp.ones((16,), jnp.float32)
    pltpu.sync_copy(zeros_hbm, stg)
    pltpu.sync_copy(stg, acc.at[pl.ds(sid * RPT, RPT)])
    plsc.subcore_barrier()

    sems = (s0, s1)

    def fire(g, b):
        pltpu.async_copy(onesv, acc.at[eidx.at[g].at[1]], sems[b], add=True)

    def wait(g, b):
        pltpu.make_async_copy(onesv, acc.at[eidx.at[g].at[1]], sems[b]).wait()

    fire(0, 0)

    def body(i, carry):
        g = i * 2
        fire(g + 1, 1)
        wait(g, 0)

        @pl.when(g + 2 < NCHUNK)
        def _():
            fire(g + 2, 0)

        wait(g + 1, 1)
        return carry

    lax.fori_loop(0, NCHUNK // 2, body, 0)
    plsc.subcore_barrier()

    pltpu.sync_copy(acc.at[pl.ds(sid * RPT, RPT)], stg)
    pltpu.sync_copy(stg, degp_hbm.at[pl.ds(cid * NPAD + sid * RPT, RPT)])


@functools.partial(
    pl.kernel,
    out_type=jax.ShapeDtypeStruct((NC * NPAD, D), jnp.float32),
    mesh=_MESH,
    scratch_types=[
        pltpu.VMEM_SHARED((NPAD, D), jnp.float32),
        pltpu.VMEM((NIDX, 2, CHUNK), jnp.int32),
        pltpu.VMEM((NBUF, CHUNK, D), jnp.float32),
        pltpu.SemaphoreType.DMA,
        pltpu.SemaphoreType.DMA,
        pltpu.SemaphoreType.DMA,
        pltpu.SemaphoreType.DMA,
        pltpu.SemaphoreType.DMA,
        pltpu.SemaphoreType.DMA,
        pltpu.SemaphoreType.DMA,
        pltpu.SemaphoreType.DMA,
        pltpu.SemaphoreType.DMA,
        pltpu.SemaphoreType.DMA,
        pltpu.SemaphoreType.DMA,
        pltpu.SemaphoreType.DMA,
        pltpu.SemaphoreType.DMA,
        pltpu.SemaphoreType.DMA,
        pltpu.SemaphoreType.DMA,
        pltpu.SemaphoreType.DMA,
    ],
)
def _sc_aggregate(eidx_hbm, h2_hbm, accp_hbm, acc, eidx, rows,
                  i0, i1, i2, i3, i4, i5, i6, i7, r0, r1, r2, r3,
                  w0, w1, w2, w3):
    cid = lax.axis_index("c")
    sid = lax.axis_index("s")
    wid = cid * NS + sid
    qbase = wid * NCHUNK

    def zfill(r, carry):
        for j in range(D // 16):
            rows[0, r, pl.ds(16 * j, 16)] = jnp.zeros((16,), jnp.float32)
        return carry

    lax.fori_loop(0, CHUNK, zfill, 0)
    for k in range(RPT // CHUNK):
        pltpu.sync_copy(rows.at[0],
                        acc.at[pl.ds(sid * RPT + k * CHUNK, CHUNK)])
    rem = RPT % CHUNK
    pltpu.sync_copy(rows.at[0].at[pl.ds(0, rem)],
                    acc.at[pl.ds(sid * RPT + (RPT // CHUNK) * CHUNK, rem)])
    plsc.subcore_barrier()

    isems = (i0, i1, i2, i3, i4, i5, i6, i7)
    rsems = (r0, r1, r2, r3)
    wsems = (w0, w1, w2, w3)

    def fire_idx(g, s):
        pltpu.async_copy(eidx_hbm.at[qbase + g], eidx.at[s], isems[s])

    def fire_gather(g, s, b):
        pltpu.make_async_copy(eidx_hbm.at[qbase + g], eidx.at[s],
                              isems[s]).wait()
        pltpu.async_copy(h2_hbm.at[eidx.at[s].at[0]], rows.at[b], rsems[b])

    def wait_scatter(g, s, b):
        pltpu.make_async_copy(rows.at[b], acc.at[eidx.at[s].at[1]],
                              wsems[b]).wait()

    def drain(g, s, b):
        pltpu.make_async_copy(h2_hbm.at[eidx.at[s].at[0]], rows.at[b],
                              rsems[b]).wait()
        pltpu.async_copy(rows.at[b], acc.at[eidx.at[s].at[1]], wsems[b],
                         add=True)

    for j in range(NBUF + 2):
        fire_idx(j, j)
    for b in range(NBUF - 1):
        fire_gather(b, b, b)

    def body(i, carry):
        for u in range(NIDX):
            g = i * NIDX + u

            @pl.when(g + NBUF + 2 < NCHUNK)
            def _():
                fire_idx(g + NBUF + 2, (u + NBUF + 2) % NIDX)

            @pl.when(g + NBUF - 1 < NCHUNK)
            def _():
                @pl.when(g >= 1)
                def _():
                    wait_scatter(g - 1, (u + NBUF - 1) % NIDX,
                                 (u + NBUF - 1) % NBUF)

                fire_gather(g + NBUF - 1, (u + NBUF - 1) % NIDX,
                            (u + NBUF - 1) % NBUF)

            drain(g, u % NIDX, u % NBUF)
        return carry

    lax.fori_loop(0, NCHUNK // NIDX, body, 0)
    for b in range(NBUF):
        wait_scatter(NCHUNK - NBUF + b, (NCHUNK - NBUF + b) % NIDX, b)
    plsc.subcore_barrier()

    pltpu.sync_copy(
        acc.at[pl.ds(sid * RPT, RPT)],
        accp_hbm.at[pl.ds(cid * NPAD + sid * RPT, RPT)],
    )


def _dinv_diag(degp_ref, i):
    deg = degp_ref[pl.ds(i, 1), :] + degp_ref[pl.ds(NBLK + i, 1), :] + 1.0
    dinv = lax.rsqrt(deg)
    r = lax.broadcasted_iota(jnp.int32, (128, 128), 0)
    c = lax.broadcasted_iota(jnp.int32, (128, 128), 1)
    return jnp.where(r == c, dinv, 0.0)


def _tc_prescale_body(x_ref, w_ref, degp_ref, h2_ref):
    i = pl.program_id(0)
    rowid = lax.broadcasted_iota(jnp.int32, (128, D), 0) + i * 128
    xv = jnp.where(rowid < N, x_ref[...], 0.0)
    h = jnp.dot(xv, w_ref[...], preferred_element_type=jnp.float32)
    h2_ref[...] = jnp.dot(_dinv_diag(degp_ref, i), h,
                          preferred_element_type=jnp.float32)


def _tc_combine_body(accp_ref, h2_ref, degp_ref, out_ref):
    i = pl.program_id(0)
    s = accp_ref[0] + accp_ref[1] + h2_ref[...]
    out_ref[...] = jnp.dot(_dinv_diag(degp_ref, i), s,
                           preferred_element_type=jnp.float32)


_tc_prescale = pl.pallas_call(
    _tc_prescale_body,
    grid=(NBLK,),
    in_specs=[
        pl.BlockSpec((128, D), lambda i: (i, 0)),
        pl.BlockSpec((D, D), lambda i: (0, 0)),
        pl.BlockSpec((2 * NBLK, 128), lambda i: (0, 0)),
    ],
    out_specs=pl.BlockSpec((128, D), lambda i: (i, 0)),
    out_shape=jax.ShapeDtypeStruct((NPAD, D), jnp.float32),
)

_tc_combine = pl.pallas_call(
    _tc_combine_body,
    grid=(NBLK,),
    in_specs=[
        pl.BlockSpec((NC, 128, D), lambda i: (0, i, 0)),
        pl.BlockSpec((128, D), lambda i: (i, 0)),
        pl.BlockSpec((2 * NBLK, 128), lambda i: (0, 0)),
    ],
    out_specs=pl.BlockSpec((128, D), lambda i: (i, 0)),
    out_shape=jax.ShapeDtypeStruct((N, D), jnp.float32),
)


def kernel(x, edge_index, W):
    src = edge_index[0].astype(jnp.int32)
    dst = edge_index[1].astype(jnp.int32)
    npadrows = NPAD - N
    pad = N + (lax.iota(jnp.int32, EPAD - E) % npadrows)
    srcp = jnp.concatenate([src, pad])
    dstp = jnp.concatenate([dst, pad])
    eidx = jnp.stack(
        [srcp.reshape(NW * NCHUNK, CHUNK), dstp.reshape(NW * NCHUNK, CHUNK)],
        axis=1,
    )
    za = jnp.zeros((RPT,), jnp.float32)

    degp = _sc_degree(eidx, za).reshape(2 * NBLK, 128)
    h2 = _tc_prescale(x, W, degp)
    accp = _sc_aggregate(eidx, h2).reshape(NC, NPAD, D)
    return _tc_combine(accp, h2, degp)

# --- scband reference (transcript-rebuilt; emitter-appended) ---
"""Pipeline reference for scband-gcnconv-32487132627452 (READ-ONLY COPY).

The authoritative reference and input builder live on the scoring server;
editing this copy changes nothing except your own understanding.
"""

import jax, jax.numpy as jnp
import numpy as np

N = 10000
E = 320000
D_IN = 128
D_OUT = 128

def setup_inputs(seed: int = 0) -> dict:
    key = jax.random.key(seed)
    k1, k2, k3 = jax.random.split(key, 3)
    x = jax.random.normal(k1, (N, D_IN), dtype=jnp.float32)
    edge_index = jax.random.randint(k2, (2, E), 0, N, dtype=jnp.int64)
    W = jax.random.normal(k3, (D_IN, D_OUT), dtype=jnp.float32) * (1.0 / np.sqrt(D_IN))
    return {"x": x, "edge_index": edge_index, "W": W}

def reference(x, edge_index, W):
    # PyG GCNConv (bias=False): add self-loops, symmetric normalization,
    # out = D^{-1/2} (A + I) D^{-1/2} X W
    n = x.shape[0]
    src = edge_index[0]
    dst = edge_index[1]
    loop = jnp.arange(n, dtype=src.dtype)
    src = jnp.concatenate([src, loop])
    dst = jnp.concatenate([dst, loop])
    ones = jnp.ones(src.shape[0], dtype=x.dtype)
    deg = jax.ops.segment_sum(ones, dst, num_segments=n)
    deg_inv_sqrt = jnp.where(deg > 0, deg ** -0.5, 0.0)
    norm = deg_inv_sqrt[src] * deg_inv_sqrt[dst]
    h = x @ W
    msg = jnp.take(h, src, axis=0) * norm[:, None]
    out = jax.ops.segment_sum(msg, dst, num_segments=n)
    return out

if __name__ == "__main__":
    import jax
    _d = setup_inputs()
    print(jax.jit(kernel)(*tuple(_d.values())))

</pallas_src>

<mosaic_0001>
#map = affine_map<(d0, d1) -> (0, 0, 0)>
#map1 = affine_map<(d0, d1) -> (0)>
module attributes {stable_mosaic.version = 14 : i64} {
  func.func @_sc_degree(%arg0: i32, %arg1: i32, %arg2: memref<4096x2x80xi32, #tpu.memory_space<hbm>>, %arg3: memref<632xf32, #tpu.memory_space<hbm>>, %arg4: memref<20224xf32, #tpu.memory_space<hbm>>, %arg5: memref<10112xf32, #tpu.memory_space<vmem_shared>>, %arg6: memref<128x2x80xi32, #tpu.memory_space<vmem>>, %arg7: memref<80xf32, #tpu.memory_space<vmem>>, %arg8: memref<632xf32, #tpu.memory_space<vmem>>, %arg9: memref<!tpu.dma_semaphore, #tpu.memory_space<semaphore_mem>>, %arg10: memref<!tpu.dma_semaphore, #tpu.memory_space<semaphore_mem>>) attributes {dimension_semantics = [#tpu.dimension_semantics<core_parallel>, #tpu.dimension_semantics<subcore_parallel>], iteration_bounds = array<i64: 2, 16>, scalar_prefetch = 0 : i64, scratch_operands = 6 : i64, tpu.core_type = #tpu.core_type<sc_vector_subcore>, window_params = [{transform_indices = #map}, {transform_indices = #map1}, {transform_indices = #map1}]} {
    %mul3A = arith.constant 16 : i32
    %mul3A_0 = arith.muli %arg0, %mul3A : i32
    %add3A = arith.addi %mul3A_0, %arg1 : i32
    %mul3A_1 = arith.constant 128 : i32
    %mul3A_2 = arith.muli %add3A, %mul3A_1 : i32
    "tpu.region"() ({
      %run_scoped3A = tpu.sem_alloc : memref<!tpu.dma_semaphore, #tpu.memory_space<semaphore_mem>>
      %dma_start3A_56 = arith.constant 0 : i32
      %dma_start3A_57 = arith.constant 0 : i32
      %dma_start3A_58 = tpu.memref_slice %arg2[%mul3A_2, %dma_start3A_56, %dma_start3A_57] : memref<4096x2x80xi32, #tpu.memory_space<hbm>> -> memref<128x2x80xi32, #tpu.memory_space<hbm>>
      %dma_start3A_59 = arith.constant 0 : i32
      %dma_start3A_60 = arith.constant 0 : i32
      %dma_start3A_61 = tpu.memref_slice %arg2[%mul3A_2, %dma_start3A_59, %dma_start3A_60] : memref<4096x2x80xi32, #tpu.memory_space<hbm>> -> memref<128x2x80xi32, #tpu.memory_space<hbm>>
      tpu.enqueue_dma source(%dma_start3A_61 : memref<128x2x80xi32, #tpu.memory_space<hbm>>) target(%arg6 : memref<128x2x80xi32, #tpu.memory_space<vmem>>) target_semaphore(%run_scoped3A : memref<!tpu.dma_semaphore, #tpu.memory_space<semaphore_mem>>)
      %dma_wait3A = arith.constant 0 : i32
      %dma_wait3A_62 = arith.constant 0 : i32
      %dma_wait3A_63 = tpu.memref_slice %arg2[%mul3A_2, %dma_wait3A, %dma_wait3A_62] : memref<4096x2x80xi32, #tpu.memory_space<hbm>> -> memref<128x2x80xi32, #tpu.memory_space<hbm>>
      %dma_wait3A_64 = arith.constant 0 : i32
      %dma_wait3A_65 = arith.constant 0 : i32
      %dma_wait3A_66 = tpu.memref_slice %arg2[%mul3A_2, %dma_wait3A_64, %dma_wait3A_65] : memref<4096x2x80xi32, #tpu.memory_space<hbm>> -> memref<128x2x80xi32, #tpu.memory_space<hbm>>
      tpu.wait_dma2 semaphore(%run_scoped3A : memref<!tpu.dma_semaphore, #tpu.memory_space<semaphore_mem>>) src(%dma_wait3A_66 : memref<128x2x80xi32, #tpu.memory_space<hbm>>) dst(%arg6 : memref<128x2x80xi32, #tpu.memory_space<vmem>>)
      tpu.yield
    }) : () -> ()
    %broadcast_in_dim3A = arith.constant 1.000000e+00 : f32
    %broadcast_in_dim3A_3 = vector.broadcast %broadcast_in_dim3A : f32 to vector<16xf32>
    %swap3A = arith.constant 0 : index
    %swap3A_4 = tpu.vector_load %arg7[%swap3A] {strides = array<i32>} : memref<80xf32, #tpu.memory_space<vmem>>, vector<16xf32>,
    %swap3A_5 = vector.shape_cast %swap3A_4 : vector<16xf32> to vector<16xf32>
    %swap3A_6 = vector.shape_cast %broadcast_in_dim3A_3 : vector<16xf32> to vector<16xf32>
    tpu.vector_store %arg7[%swap3A], %swap3A_6 {strides = array<i32>} : memref<80xf32, #tpu.memory_space<vmem>>, vector<16xf32>,
    %broadcast_in_dim3A_7 = arith.constant 1.000000e+00 : f32
    %broadcast_in_dim3A_8 = vector.broadcast %broadcast_in_dim3A_7 : f32 to vector<16xf32>
    %swap3A_9 = arith.constant 16 : index
    %swap3A_10 = tpu.vector_load %arg7[%swap3A_9] {strides = array<i32>} : memref<80xf32, #tpu.memory_space<vmem>>, vector<16xf32>,
    %swap3A_11 = vector.shape_cast %swap3A_10 : vector<16xf32> to vector<16xf32>
    %swap3A_12 = vector.shape_cast %broadcast_in_dim3A_8 : vector<16xf32> to vector<16xf32>
    tpu.vector_store %arg7[%swap3A_9], %swap3A_12 {strides = array<i32>} : memref<80xf32, #tpu.memory_space<vmem>>, vector<16xf32>,
    %broadcast_in_dim3A_13 = arith.constant 1.000000e+00 : f32
    %broadcast_in_dim3A_14 = vector.broadcast %broadcast_in_dim3A_13 : f32 to vector<16xf32>
    %swap3A_15 = arith.constant 32 : index
    %swap3A_16 = tpu.vector_load %arg7[%swap3A_15] {strides = array<i32>} : memref<80xf32, #tpu.memory_space<vmem>>, vector<16xf32>,
    %swap3A_17 = vector.shape_cast %swap3A_16 : vector<16xf32> to vector<16xf32>
    %swap3A_18 = vector.shape_cast %broadcast_in_dim3A_14 : vector<16xf32> to vector<16xf32>
    tpu.vector_store %arg7[%swap3A_15], %swap3A_18 {strides = array<i32>} : memref<80xf32, #tpu.memory_space<vmem>>, vector<16xf32>,
    %broadcast_in_dim3A_19 = arith.constant 1.000000e+00 : f32
    %broadcast_in_dim3A_20 = vector.broadcast %broadcast_in_dim3A_19 : f32 to vector<16xf32>
    %swap3A_21 = arith.constant 48 : index
    %swap3A_22 = tpu.vector_load %arg7[%swap3A_21] {strides = array<i32>} : memref<80xf32, #tpu.memory_space<vmem>>, vector<16xf32>,
    %swap3A_23 = vector.shape_cast %swap3A_22 : vector<16xf32> to vector<16xf32>
    %swap3A_24 = vector.shape_cast %broadcast_in_dim3A_20 : vector<16xf32> to vector<16xf32>
    tpu.vector_store %arg7[%swap3A_21], %swap3A_24 {strides = array<i32>} : memref<80xf32, #tpu.memory_space<vmem>>, vector<16xf32>,
    %broadcast_in_dim3A_25 = arith.constant 1.000000e+00 : f32
    %broadcast_in_dim3A_26 = vector.broadcast %broadcast_in_dim3A_25 : f32 to vector<16xf32>
    %swap3A_27 = arith.constant 64 : index
    %swap3A_28 = tpu.vector_load %arg7[%swap3A_27] {strides = array<i32>} : memref<80xf32, #tpu.memory_space<vmem>>, vector<16xf32>,
    %swap3A_29 = vector.shape_cast %swap3A_28 : vector<16xf32> to vector<16xf32>
    %swap3A_30 = vector.shape_cast %broadcast_in_dim3A_26 : vector<16xf32> to vector<16xf32>
    tpu.vector_store %arg7[%swap3A_27], %swap3A_30 {strides = array<i32>} : memref<80xf32, #tpu.memory_space<vmem>>, vector<16xf32>,
    "tpu.region"() ({
      %run_scoped3A = tpu.sem_alloc : memref<!tpu.dma_semaphore, #tpu.memory_space<semaphore_mem>>
      tpu.enqueue_dma source(%arg3 : memref<632xf32, #tpu.memory_space<hbm>>) target(%arg8 : memref<632xf32, #tpu.memory_space<vmem>>) target_semaphore(%run_scoped3A : memref<!tpu.dma_semaphore, #tpu.memory_space<semaphore_mem>>)
      tpu.wait_dma2 semaphore(%run_scoped3A : memref<!tpu.dma_semaphore, #tpu.memory_space<semaphore_mem>>) src(%arg3 : memref<632xf32, #tpu.memory_space<hbm>>) dst(%arg8 : memref<632xf32, #tpu.memory_space<vmem>>)
      tpu.yield
    }) : () -> ()
    %mul3A_31 = arith.constant 632 : i32
    %mul3A_32 = arith.muli %arg1, %mul3A_31 : i32
    "tpu.region"() ({
      %run_scoped3A = tpu.sem_alloc : memref<!tpu.dma_semaphore, #tpu.memory_space<semaphore_mem>>
      %dma_start3A_56 = tpu.memref_slice %arg5[%mul3A_32] : memref<10112xf32, #tpu.memory_space<vmem_shared>> -> memref<632xf32, #tpu.memory_space<vmem_shared>>
      %dma_start3A_57 = tpu.memref_slice %arg5[%mul3A_32] : memref<10112xf32, #tpu.memory_space<vmem_shared>> -> memref<632xf32, #tpu.memory_space<vmem_shared>>
      tpu.enqueue_dma source(%arg8 : memref<632xf32, #tpu.memory_space<vmem>>) target(%dma_start3A_57 : memref<632xf32, #tpu.memory_space<vmem_shared>>) target_semaphore(%run_scoped3A : memref<!tpu.dma_semaphore, #tpu.memory_space<semaphore_mem>>)
      %dma_wait3A = tpu.memref_slice %arg5[%mul3A_32] : memref<10112xf32, #tpu.memory_space<vmem_shared>> -> memref<632xf32, #tpu.memory_space<vmem_shared>>
      %dma_wait3A_58 = tpu.memref_slice %arg5[%mul3A_32] : memref<10112xf32, #tpu.memory_space<vmem_shared>> -> memref<632xf32, #tpu.memory_space<vmem_shared>>
      tpu.wait_dma2 semaphore(%run_scoped3A : memref<!tpu.dma_semaphore, #tpu.memory_space<semaphore_mem>>) src(%arg8 : memref<632xf32, #tpu.memory_space<vmem>>) dst(%dma_wait3A_58 : memref<632xf32, #tpu.memory_space<vmem_shared>>)
      tpu.yield
    }) : () -> ()
    %barrier3A = arith.constant 0 : index
    tpu.barrier barrier_id(%barrier3A)
    %dma_start3A = arith.constant 0 : i32
    %dma_start3A_33 = arith.constant 1 : i32
    %dma_start3A_34 = arith.constant 0 : i32
    %dma_start3A_35 = arith.constant 0 : i32
    %dma_start3A_36 = tpu.memref_slice %arg6[%dma_start3A, %dma_start3A_34, %dma_start3A_35] : memref<128x2x80xi32, #tpu.memory_space<vmem>> -> memref<1x2x80xi32, #tpu.memory_space<vmem>>
    %dma_start3A_37 = tpu.memref_squeeze %dma_start3A_36 : memref<1x2x80xi32, #tpu.memory_space<vmem>> -> memref<2x80xi32, #tpu.memory_space<vmem>>
    %dma_start3A_38 = arith.constant 0 : i32
    %dma_start3A_39 = tpu.memref_slice %dma_start3A_37[%dma_start3A_33, %dma_start3A_38] : memref<2x80xi32, #tpu.memory_space<vmem>> -> memref<1x80xi32, #tpu.memory_space<vmem>>
    %dma_start3A_40 = tpu.memref_squeeze %dma_start3A_39 : memref<1x80xi32, #tpu.memory_space<vmem>> -> memref<80xi32, #tpu.memory_space<vmem>>
    %dma_start3A_41 = arith.constant 0 : i32
    %dma_start3A_42 = tpu.memref_slice %arg5[%dma_start3A_41] : memref<10112xf32, #tpu.memory_space<vmem_shared>> -> memref<10112xf32, #tpu.memory_space<vmem_shared>>
    tpu.enqueue_indirect_dma source(%arg7 : memref<80xf32, #tpu.memory_space<vmem>>) target(%dma_start3A_42 : memref<10112xf32, #tpu.memory_space<vmem_shared>>) offsets(%dma_start3A_40 : memref<80xi32, #tpu.memory_space<vmem>>) semaphore(%arg9 : memref<!tpu.dma_semaphore, #tpu.memory_space<semaphore_mem>>) {add = true}
    %scan3A = arith.constant 0 : i32
    %scan3A_43 = arith.constant 0 : i32
    %scan3A_44 = arith.constant 64 : i32
    %scan3A_45 = arith.addi %scan3A_43, %scan3A_44 : i32
    %scan3A_46 = arith.constant 1 : i32
    scf.for %scan3A_56 = %scan3A_43 to %scan3A_45 step %scan3A_46  : i32 {
      %mul3A_57 = arith.constant 2 : i32
      %mul3A_58 = arith.muli %scan3A_56, %mul3A_57 : i32
      %add3A_59 = arith.constant 1 : i32
      %add3A_60 = arith.addi %mul3A_58, %add3A_59 : i32
      %dma_start3A_61 = arith.constant 1 : i32
      %dma_start3A_62 = arith.constant 0 : i32
      %dma_start3A_63 = arith.constant 0 : i32
      %dma_start3A_64 = tpu.memref_slice %arg6[%add3A_60, %dma_start3A_62, %dma_start3A_63] : memref<128x2x80xi32, #tpu.memory_space<vmem>> -> memref<1x2x80xi32, #tpu.memory_space<vmem>>
      %dma_start3A_65 = tpu.memref_squeeze %dma_start3A_64 : memref<1x2x80xi32, #tpu.memory_space<vmem>> -> memref<2x80xi32, #tpu.memory_space<vmem>>
      %dma_start3A_66 = arith.constant 0 : i32
      %dma_start3A_67 = tpu.memref_slice %dma_start3A_65[%dma_start3A_61, %dma_start3A_66] : memref<2x80xi32, #tpu.memory_space<vmem>> -> memref<1x80xi32, #tpu.memory_space<vmem>>
      %dma_start3A_68 = tpu.memref_squeeze %dma_start3A_67 : memref<1x80xi32, #tpu.memory_space<vmem>> -> memref<80xi32, #tpu.memory_space<vmem>>
      %dma_start3A_69 = arith.constant 0 : i32
      %dma_start3A_70 = tpu.memref_slice %arg5[%dma_start3A_69] : memref<10112xf32, #tpu.memory_space<vmem_shared>> -> memref<10112xf32, #tpu.memory_space<vmem_shared>>
      tpu.enqueue_indirect_dma source(%arg7 : memref<80xf32, #tpu.memory_space<vmem>>) target(%dma_start3A_70 : memref<10112xf32, #tpu.memory_space<vmem_shared>>) offsets(%dma_start3A_68 : memref<80xi32, #tpu.memory_space<vmem>>) semaphore(%arg10 : memref<!tpu.dma_semaphore, #tpu.memory_space<semaphore_mem>>) {add = true}
      %dma_wait3A = arith.constant 1 : i32
      %dma_wait3A_71 = arith.constant 0 : i32
      %dma_wait3A_72 = arith.constant 0 : i32
      %dma_wait3A_73 = tpu.memref_slice %arg6[%mul3A_58, %dma_wait3A_71, %dma_wait3A_72] : memref<128x2x80xi32, #tpu.memory_space<vmem>> -> memref<1x2x80xi32, #tpu.memory_space<vmem>>
      %dma_wait3A_74 = tpu.memref_squeeze %dma_wait3A_73 : memref<1x2x80xi32, #tpu.memory_space<vmem>> -> memref<2x80xi32, #tpu.memory_space<vmem>>
      %dma_wait3A_75 = arith.constant 0 : i32
      %dma_wait3A_76 = tpu.memref_slice %dma_wait3A_74[%dma_wait3A, %dma_wait3A_75] : memref<2x80xi32, #tpu.memory_space<vmem>> -> memref<1x80xi32, #tpu.memory_space<vmem>>
      %dma_wait3A_77 = tpu.memref_squeeze %dma_wait3A_76 : memref<1x80xi32, #tpu.memory_space<vmem>> -> memref<80xi32, #tpu.memory_space<vmem>>
      %dma_wait3A_78 = arith.constant 0 : i32
      %dma_wait3A_79 = tpu.memref_slice %arg5[%dma_wait3A_78] : memref<10112xf32, #tpu.memory_space<vmem_shared>> -> memref<10112xf32, #tpu.memory_space<vmem_shared>>
      tpu.wait_indirect_dma semaphore(%arg9 : memref<!tpu.dma_semaphore, #tpu.memory_space<semaphore_mem>>) src(%arg7 : memref<80xf32, #tpu.memory_space<vmem>>) dst(%dma_wait3A_79 : memref<10112xf32, #tpu.memory_space<vmem_shared>>)
      %add3A_80 = arith.constant 2 : i32
      %add3A_81 = arith.addi %mul3A_58, %add3A_80 : i32
      %lt3A = arith.constant 128 : i32
      %lt3A_82 = arith.cmpi slt, %add3A_81, %lt3A : i32
      %convert_element_type3A = arith.extui %lt3A_82 : i1 to i32
      %cond3A = arith.constant 0 : i32
      %cond3A_83 = arith.cmpi ne, %convert_element_type3A, %cond3A : i32
      scf.if %cond3A_83 {
        %add3A_96 = arith.constant 2 : i32
        %add3A_97 = arith.addi %mul3A_58, %add3A_96 : i32
        %dma_start3A_98 = arith.constant 1 : i32
        %dma_start3A_99 = arith.constant 0 : i32
        %dma_start3A_100 = arith.constant 0 : i32
        %dma_start3A_101 = tpu.memref_slice %arg6[%add3A_97, %dma_start3A_99, %dma_start3A_100] : memref<128x2x80xi32, #tpu.memory_space<vmem>> -> memref<1x2x80xi32, #tpu.memory_space<vmem>>
        %dma_start3A_102 = tpu.memref_squeeze %dma_start3A_101 : memref<1x2x80xi32, #tpu.memory_space<vmem>> -> memref<2x80xi32, #tpu.memory_space<vmem>>
        %dma_start3A_103 = arith.constant 0 : i32
        %dma_start3A_104 = tpu.memref_slice %dma_start3A_102[%dma_start3A_98, %dma_start3A_103] : memref<2x80xi32, #tpu.memory_space<vmem>> -> memref<1x80xi32, #tpu.memory_space<vmem>>
        %dma_start3A_105 = tpu.memref_squeeze %dma_start3A_104 : memref<1x80xi32, #tpu.memory_space<vmem>> -> memref<80xi32, #tpu.memory_space<vmem>>
        %dma_start3A_106 = arith.constant 0 : i32
        %dma_start3A_107 = tpu.memref_slice %arg5[%dma_start3A_106] : memref<10112xf32, #tpu.memory_space<vmem_shared>> -> memref<10112xf32, #tpu.memory_space<vmem_shared>>
        tpu.enqueue_indirect_dma source(%arg7 : memref<80xf32, #tpu.memory_space<vmem>>) target(%dma_start3A_107 : memref<10112xf32, #tpu.memory_space<vmem_shared>>) offsets(%dma_start3A_105 : memref<80xi32, #tpu.memory_space<vmem>>) semaphore(%arg9 : memref<!tpu.dma_semaphore, #tpu.memory_space<semaphore_mem>>) {add = true}
      } else {
      }
      %add3A_84 = arith.constant 1 : i32
      %add3A_85 = arith.addi %mul3A_58, %add3A_84 : i32
      %dma_wait3A_86 = arith.constant 1 : i32
      %dma_wait3A_87 = arith.constant 0 : i32
      %dma_wait3A_88 = arith.constant 0 : i32
      %dma_wait3A_89 = tpu.memref_slice %arg6[%add3A_85, %dma_wait3A_87, %dma_wait3A_88] : memref<128x2x80xi32, #tpu.memory_space<vmem>> -> memref<1x2x80xi32, #tpu.memory_space<vmem>>
      %dma_wait3A_90 = tpu.memref_squeeze %dma_wait3A_89 : memref<1x2x80xi32, #tpu.memory_space<vmem>> -> memref<2x80xi32, #tpu.memory_space<vmem>>
      %dma_wait3A_91 = arith.constant 0 : i32
      %dma_wait3A_92 = tpu.memref_slice %dma_wait3A_90[%dma_wait3A_86, %dma_wait3A_91] : memref<2x80xi32, #tpu.memory_space<vmem>> -> memref<1x80xi32, #tpu.memory_space<vmem>>
      %dma_wait3A_93 = tpu.memref_squeeze %dma_wait3A_92 : memref<1x80xi32, #tpu.memory_space<vmem>> -> memref<80xi32, #tpu.memory_space<vmem>>
      %dma_wait3A_94 = arith.constant 0 : i32
      %dma_wait3A_95 = tpu.memref_slice %arg5[%dma_wait3A_94] : memref<10112xf32, #tpu.memory_space<vmem_shared>> -> memref<10112xf32, #tpu.memory_space<vmem_shared>>
      tpu.wait_indirect_dma semaphore(%arg10 : memref<!tpu.dma_semaphore, #tpu.memory_space<semaphore_mem>>) src(%arg7 : memref<80xf32, #tpu.memory_space<vmem>>) dst(%dma_wait3A_95 : memref<10112xf32, #tpu.memory_space<vmem_shared>>)
    }
    %scan3A_47 = arith.constant 64 : i32
    %barrier3A_48 = arith.constant 0 : index
    tpu.barrier barrier_id(%barrier3A_48)
    %mul3A_49 = arith.constant 632 : i32
    %mul3A_50 = arith.muli %arg1, %mul3A_49 : i32
    "tpu.region"() ({
      %run_scoped3A = tpu.sem_alloc : memref<!tpu.dma_semaphore, #tpu.memory_space<semaphore_mem>>
      %dma_start3A_56 = tpu.memref_slice %arg5[%mul3A_50] : memref<10112xf32, #tpu.memory_space<vmem_shared>> -> memref<632xf32, #tpu.memory_space<vmem_shared>>
      %dma_start3A_57 = tpu.memref_slice %arg5[%mul3A_50] : memref<10112xf32, #tpu.memory_space<vmem_shared>> -> memref<632xf32, #tpu.memory_space<vmem_shared>>
      tpu.enqueue_dma source(%dma_start3A_57 : memref<632xf32, #tpu.memory_space<vmem_shared>>) target(%arg8 : memref<632xf32, #tpu.memory_space<vmem>>) target_semaphore(%run_scoped3A : memref<!tpu.dma_semaphore, #tpu.memory_space<semaphore_mem>>)
      %dma_wait3A = tpu.memref_slice %arg5[%mul3A_50] : memref<10112xf32, #tpu.memory_space<vmem_shared>> -> memref<632xf32, #tpu.memory_space<vmem_shared>>
      %dma_wait3A_58 = tpu.memref_slice %arg5[%mul3A_50] : memref<10112xf32, #tpu.memory_space<vmem_shared>> -> memref<632xf32, #tpu.memory_space<vmem_shared>>
      tpu.wait_dma2 semaphore(%run_scoped3A : memref<!tpu.dma_semaphore, #tpu.memory_space<semaphore_mem>>) src(%dma_wait3A_58 : memref<632xf32, #tpu.memory_space<vmem_shared>>) dst(%arg8 : memref<632xf32, #tpu.memory_space<vmem>>)
      tpu.yield
    }) : () -> ()
    %mul3A_51 = arith.constant 10112 : i32
    %mul3A_52 = arith.muli %arg0, %mul3A_51 : i32
    %mul3A_53 = arith.constant 632 : i32
    %mul3A_54 = arith.muli %arg1, %mul3A_53 : i32
    %add3A_55 = arith.addi %mul3A_52, %mul3A_54 : i32
    "tpu.region"() ({
      %run_scoped3A = tpu.sem_alloc : memref<!tpu.dma_semaphore, #tpu.memory_space<semaphore_mem>>
      %dma_start3A_56 = tpu.memref_slice %arg4[%add3A_55] : memref<20224xf32, #tpu.memory_space<hbm>> -> memref<632xf32, #tpu.memory_space<hbm>>
      %dma_start3A_57 = tpu.memref_slice %arg4[%add3A_55] : memref<20224xf32, #tpu.memory_space<hbm>> -> memref<632xf32, #tpu.memory_space<hbm>>
      tpu.enqueue_dma source(%arg8 : memref<632xf32, #tpu.memory_space<vmem>>) target(%dma_start3A_57 : memref<632xf32, #tpu.memory_space<hbm>>) target_semaphore(%run_scoped3A : memref<!tpu.dma_semaphore, #tpu.memory_space<semaphore_mem>>)
      %dma_wait3A = tpu.memref_slice %arg4[%add3A_55] : memref<20224xf32, #tpu.memory_space<hbm>> -> memref<632xf32, #tpu.memory_space<hbm>>
      %dma_wait3A_58 = tpu.memref_slice %arg4[%add3A_55] : memref<20224xf32, #tpu.memory_space<hbm>> -> memref<632xf32, #tpu.memory_space<hbm>>
      tpu.wait_dma2 semaphore(%run_scoped3A : memref<!tpu.dma_semaphore, #tpu.memory_space<semaphore_mem>>) src(%arg8 : memref<632xf32, #tpu.memory_space<vmem>>) dst(%dma_wait3A_58 : memref<632xf32, #tpu.memory_space<hbm>>)
      tpu.yield
    }) : () -> ()
    return
  }
}

#map = affine_map<(d0, d1) -> (0, 0, 0)>
#map1 = affine_map<(d0, d1) -> (0, 0)>
module attributes {stable_mosaic.version = 14 : i64} {
  func.func @_sc_aggregate(%arg0: i32, %arg1: i32, %arg2: memref<4096x2x80xi32, #tpu.memory_space<hbm>>, %arg3: memref<10112x128xf32, #tpu.memory_space<hbm>>, %arg4: memref<20224x128xf32, #tpu.memory_space<hbm>>, %arg5: memref<10112x128xf32, #tpu.memory_space<vmem_shared>>, %arg6: memref<8x2x80xi32, #tpu.memory_space<vmem>>, %arg7: memref<4x80x128xf32, #tpu.memory_space<vmem>>, %arg8: memref<!tpu.dma_semaphore, #tpu.memory_space<semaphore_mem>>, %arg9: memref<!tpu.dma_semaphore, #tpu.memory_space<semaphore_mem>>, %arg10: memref<!tpu.dma_semaphore, #tpu.memory_space<semaphore_mem>>, %arg11: memref<!tpu.dma_semaphore, #tpu.memory_space<semaphore_mem>>, %arg12: memref<!tpu.dma_semaphore, #tpu.memory_space<semaphore_mem>>, %arg13: memref<!tpu.dma_semaphore, #tpu.memory_space<semaphore_mem>>, %arg14: memref<!tpu.dma_semaphore, #tpu.memory_space<semaphore_mem>>, %arg15: memref<!tpu.dma_semaphore, #tpu.memory_space<semaphore_mem>>, %arg16: memref<!tpu.dma_semaphore, #tpu.memory_space<semaphore_mem>>, %arg17: memref<!tpu.dma_semaphore, #tpu.memory_space<semaphore_mem>>, %arg18: memref<!tpu.dma_semaphore, #tpu.memory_space<semaphore_mem>>, %arg19: memref<!tpu.dma_semaphore, #tpu.memory_space<semaphore_mem>>, %arg20: memref<!tpu.dma_semaphore, #tpu.memory_space<semaphore_mem>>, %arg21: memref<!tpu.dma_semaphore, #tpu.memory_space<semaphore_mem>>, %arg22: memref<!tpu.dma_semaphore, #tpu.memory_space<semaphore_mem>>, %arg23: memref<!tpu.dma_semaphore, #tpu.memory_space<semaphore_mem>>) attributes {dimension_semantics = [#tpu.dimension_semantics<core_parallel>, #tpu.dimension_semantics<subcore_parallel>], iteration_bounds = array<i64: 2, 16>, scalar_prefetch = 0 : i64, scratch_operands = 19 : i64, tpu.core_type = #tpu.core_type<sc_vector_subcore>, window_params = [{transform_indices = #map}, {transform_indices = #map1}, {transform_indices = #map1}]} {
    %mul3A = arith.constant 16 : i32
    %mul3A_0 = arith.muli %arg0, %mul3A : i32
    %add3A = arith.addi %mul3A_0, %arg1 : i32
    %mul3A_1 = arith.constant 128 : i32
    %mul3A_2 = arith.muli %add3A, %mul3A_1 : i32
    %scan3A = arith.constant 0 : i32
    %scan3A_3 = arith.constant 0 : i32
    %scan3A_4 = arith.constant 80 : i32
    %scan3A_5 = arith.addi %scan3A_3, %scan3A_4 : i32
    %scan3A_6 = arith.constant 1 : i32
    scf.for %scan3A_349 = %scan3A_3 to %scan3A_5 step %scan3A_6  : i32 {
      %broadcast_in_dim3A = arith.constant 0.000000e+00 : f32
      %broadcast_in_dim3A_350 = vector.broadcast %broadcast_in_dim3A : f32 to vector<16xf32>
      %swap3A = arith.constant 0 : i32
      %swap3A_351 = arith.index_cast %swap3A : i32 to index
      %swap3A_352 = arith.index_cast %scan3A_349 : i32 to index
      %swap3A_353 = arith.constant 0 : index
      %swap3A_354 = tpu.vector_load %arg7[%swap3A_351, %swap3A_352, %swap3A_353] {strides = array<i32>} : memref<4x80x128xf32, #tpu.memory_space<vmem>>, vector<1x1x16xf32>,
      %swap3A_355 = vector.shape_cast %swap3A_354 : vector<1x1x16xf32> to vector<16xf32>
      %swap3A_356 = vector.shape_cast %broadcast_in_dim3A_350 : vector<16xf32> to vector<1x1x16xf32>
      tpu.vector_store %arg7[%swap3A_351, %swap3A_352, %swap3A_353], %swap3A_356 {strides = array<i32>} : memref<4x80x128xf32, #tpu.memory_space<vmem>>, vector<1x1x16xf32>,
      %broadcast_in_dim3A_357 = arith.constant 0.000000e+00 : f32
      %broadcast_in_dim3A_358 = vector.broadcast %broadcast_in_dim3A_357 : f32 to vector<16xf32>
      %swap3A_359 = arith.constant 0 : i32
      %swap3A_360 = arith.index_cast %swap3A_359 : i32 to index
      %swap3A_361 = arith.index_cast %scan3A_349 : i32 to index
      %swap3A_362 = arith.constant 16 : index
      %swap3A_363 = tpu.vector_load %arg7[%swap3A_360, %swap3A_361, %swap3A_362] {strides = array<i32>} : memref<4x80x128xf32, #tpu.memory_space<vmem>>, vector<1x1x16xf32>,
      %swap3A_364 = vector.shape_cast %swap3A_363 : vector<1x1x16xf32> to vector<16xf32>
      %swap3A_365 = vector.shape_cast %broadcast_in_dim3A_358 : vector<16xf32> to vector<1x1x16xf32>
      tpu.vector_store %arg7[%swap3A_360, %swap3A_361, %swap3A_362], %swap3A_365 {strides = array<i32>} : memref<4x80x128xf32, #tpu.memory_space<vmem>>, vector<1x1x16xf32>,
      %broadcast_in_dim3A_366 = arith.constant 0.000000e+00 : f32
      %broadcast_in_dim3A_367 = vector.broadcast %broadcast_in_dim3A_366 : f32 to vector<16xf32>
      %swap3A_368 = arith.constant 0 : i32
      %swap3A_369 = arith.index_cast %swap3A_368 : i32 to index
      %swap3A_370 = arith.index_cast %scan3A_349 : i32 to index
      %swap3A_371 = arith.constant 32 : index
      %swap3A_372 = tpu.vector_load %arg7[%swap3A_369, %swap3A_370, %swap3A_371] {strides = array<i32>} : memref<4x80x128xf32, #tpu.memory_space<vmem>>, vector<1x1x16xf32>,
      %swap3A_373 = vector.shape_cast %swap3A_372 : vector<1x1x16xf32> to vector<16xf32>
      %swap3A_374 = vector.shape_cast %broadcast_in_dim3A_367 : vector<16xf32> to vector<1x1x16xf32>
      tpu.vector_store %arg7[%swap3A_369, %swap3A_370, %swap3A_371], %swap3A_374 {strides = array<i32>} : memref<4x80x128xf32, #tpu.memory_space<vmem>>, vector<1x1x16xf32>,
      %broadcast_in_dim3A_375 = arith.constant 0.000000e+00 : f32
      %broadcast_in_dim3A_376 = vector.broadcast %broadcast_in_dim3A_375 : f32 to vector<16xf32>
      %swap3A_377 = arith.constant 0 : i32
      %swap3A_378 = arith.index_cast %swap3A_377 : i32 to index
      %swap3A_379 = arith.index_cast %scan3A_349 : i32 to index
      %swap3A_380 = arith.constant 48 : index
      %swap3A_381 = tpu.vector_load %arg7[%swap3A_378, %swap3A_379, %swap3A_380] {strides = array<i32>} : memref<4x80x128xf32, #tpu.memory_space<vmem>>, vector<1x1x16xf32>,
      %swap3A_382 = vector.shape_cast %swap3A_381 : vector<1x1x16xf32> to vector<16xf32>
      %swap3A_383 = vector.shape_cast %broadcast_in_dim3A_376 : vector<16xf32> to vector<1x1x16xf32>
      tpu.vector_store %arg7[%swap3A_378, %swap3A_379, %swap3A_380], %swap3A_383 {strides = array<i32>} : memref<4x80x128xf32, #tpu.memory_space<vmem>>, vector<1x1x16xf32>,
      %broadcast_in_dim3A_384 = arith.constant 0.000000e+00 : f32
      %broadcast_in_dim3A_385 = vector.broadcast %broadcast_in_dim3A_384 : f32 to vector<16xf32>
      %swap3A_386 = arith.constant 0 : i32
      %swap3A_387 = arith.index_cast %swap3A_386 : i32 to index
      %swap3A_388 = arith.index_cast %scan3A_349 : i32 to index
      %swap3A_389 = arith.constant 64 : index
      %swap3A_390 = tpu.vector_load %arg7[%swap3A_387, %swap3A_388, %swap3A_389] {strides = array<i32>} : memref<4x80x128xf32, #tpu.memory_space<vmem>>, vector<1x1x16xf32>,
      %swap3A_391 = vector.shape_cast %swap3A_390 : vector<1x1x16xf32> to vector<16xf32>
      %swap3A_392 = vector.shape_cast %broadcast_in_dim3A_385 : vector<16xf32> to vector<1x1x16xf32>
      tpu.vector_store %arg7[%swap3A_387, %swap3A_388, %swap3A_389], %swap3A_392 {strides = array<i32>} : memref<4x80x128xf32, #tpu.memory_space<vmem>>, vector<1x1x16xf32>,
      %broadcast_in_dim3A_393 = arith.constant 0.000000e+00 : f32
      %broadcast_in_dim3A_394 = vector.broadcast %broadcast_in_dim3A_393 : f32 to vector<16xf32>
      %swap3A_395 = arith.constant 0 : i32
      %swap3A_396 = arith.index_cast %swap3A_395 : i32 to index
      %swap3A_397 = arith.index_cast %scan3A_349 : i32 to index
      %swap3A_398 = arith.constant 80 : index
      %swap3A_399 = tpu.vector_load %arg7[%swap3A_396, %swap3A_397, %swap3A_398] {strides = array<i32>} : memref<4x80x128xf32, #tpu.memory_space<vmem>>, vector<1x1x16xf32>,
      %swap3A_400 = vector.shape_cast %swap3A_399 : vector<1x1x16xf32> to vector<16xf32>
      %swap3A_401 = vector.shape_cast %broadcast_in_dim3A_394 : vector<16xf32> to vector<1x1x16xf32>
      tpu.vector_store %arg7[%swap3A_396, %swap3A_397, %swap3A_398], %swap3A_401 {strides = array<i32>} : memref<4x80x128xf32, #tpu.memory_space<vmem>>, vector<1x1x16xf32>,
      %broadcast_in_dim3A_402 = arith.constant 0.000000e+00 : f32
      %broadcast_in_dim3A_403 = vector.broadcast %broadcast_in_dim3A_402 : f32 to vector<16xf32>
      %swap3A_404 = arith.constant 0 : i32
      %swap3A_405 = arith.index_cast %swap3A_404 : i32 to index
      %swap3A_406 = arith.index_cast %scan3A_349 : i32 to index
      %swap3A_407 = arith.constant 96 : index
      %swap3A_408 = tpu.vector_load %arg7[%swap3A_405, %swap3A_406, %swap3A_407] {strides = array<i32>} : memref<4x80x128xf32, #tpu.memory_space<vmem>>, vector<1x1x16xf32>,
      %swap3A_409 = vector.shape_cast %swap3A_408 : vector<1x1x16xf32> to vector<16xf32>
      %swap3A_410 = vector.shape_cast %broadcast_in_dim3A_403 : vector<16xf32> to vector<1x1x16xf32>
      tpu.vector_store %arg7[%swap3A_405, %swap3A_406, %swap3A_407], %swap3A_410 {strides = array<i32>} : memref<4x80x128xf32, #tpu.memory_space<vmem>>, vector<1x1x16xf32>,
      %broadcast_in_dim3A_411 = arith.constant 0.000000e+00 : f32
      %broadcast_in_dim3A_412 = vector.broadcast %broadcast_in_dim3A_411 : f32 to vector<16xf32>
      %swap3A_413 = arith.constant 0 : i32
      %swap3A_414 = arith.index_cast %swap3A_413 : i32 to index
      %swap3A_415 = arith.index_cast %scan3A_349 : i32 to index
      %swap3A_416 = arith.constant 112 : index
      %swap3A_417 = tpu.vector_load %arg7[%swap3A_414, %swap3A_415, %swap3A_416] {strides = array<i32>} : memref<4x80x128xf32, #tpu.memory_space<vmem>>, vector<1x1x16xf32>,
      %swap3A_418 = vector.shape_cast %swap3A_417 : vector<1x1x16xf32> to vector<16xf32>
      %swap3A_419 = vector.shape_cast %broadcast_in_dim3A_412 : vector<16xf32> to vector<1x1x16xf32>
      tpu.vector_store %arg7[%swap3A_414, %swap3A_415, %swap3A_416], %swap3A_419 {strides = array<i32>} : memref<4x80x128xf32, #tpu.memory_space<vmem>>, vector<1x1x16xf32>,
    }
    %scan3A_7 = arith.constant 80 : i32
    %mul3A_8 = arith.constant 632 : i32
    %mul3A_9 = arith.muli %arg1, %mul3A_8 : i32
    %add3A_10 = arith.constant 0 : i32
    %add3A_11 = arith.addi %mul3A_9, %add3A_10 : i32
    %run_scoped3A = arith.constant 0 : i32
    "tpu.region"() ({
      %run_scoped3A_349 = tpu.sem_alloc : memref<!tpu.dma_semaphore, #tpu.memory_space<semaphore_mem>>
      %dma_start3A_350 = arith.constant 0 : i32
      %dma_start3A_351 = arith.constant 0 : i32
      %dma_start3A_352 = tpu.memref_slice %arg7[%run_scoped3A, %dma_start3A_350, %dma_start3A_351] : memref<4x80x128xf32, #tpu.memory_space<vmem>> -> memref<1x80x128xf32, #tpu.memory_space<vmem>>
      %dma_start3A_353 = tpu.memref_squeeze %dma_start3A_352 : memref<1x80x128xf32, #tpu.memory_space<vmem>> -> memref<80x128xf32, #tpu.memory_space<vmem>>
      %dma_start3A_354 = arith.constant 0 : i32
      %dma_start3A_355 = tpu.memref_slice %arg5[%add3A_11, %dma_start3A_354] : memref<10112x128xf32, #tpu.memory_space<vmem_shared>> -> memref<80x128xf32, #tpu.memory_space<vmem_shared>>
      %dma_start3A_356 = arith.constant 0 : i32
      %dma_start3A_357 = tpu.memref_slice %arg5[%add3A_11, %dma_start3A_356] : memref<10112x128xf32, #tpu.memory_space<vmem_shared>> -> memref<80x128xf32, #tpu.memory_space<vmem_shared>>
      %dma_start3A_358 = arith.constant 0 : i32
      %dma_start3A_359 = arith.constant 0 : i32
      %dma_start3A_360 = tpu.memref_slice %arg7[%run_scoped3A, %dma_start3A_358, %dma_start3A_359] : memref<4x80x128xf32, #tpu.memory_space<vmem>> -> memref<1x80x128xf32, #tpu.memory_space<vmem>>
      %dma_start3A_361 = tpu.memref_squeeze %dma_start3A_360 : memref<1x80x128xf32, #tpu.memory_space<vmem>> -> memref<80x128xf32, #tpu.memory_space<vmem>>
      tpu.enqueue_dma source(%dma_start3A_361 : memref<80x128xf32, #tpu.memory_space<vmem>>) target(%dma_start3A_357 : memref<80x128xf32, #tpu.memory_space<vmem_shared>>) target_semaphore(%run_scoped3A_349 : memref<!tpu.dma_semaphore, #tpu.memory_space<semaphore_mem>>)
      %dma_wait3A_362 = arith.constant 0 : i32
      %dma_wait3A_363 = arith.constant 0 : i32
      %dma_wait3A_364 = tpu.memref_slice %arg7[%run_scoped3A, %dma_wait3A_362, %dma_wait3A_363] : memref<4x80x128xf32, #tpu.memory_space<vmem>> -> memref<1x80x128xf32, #tpu.memory_space<vmem>>
      %dma_wait3A_365 = tpu.memref_squeeze %dma_wait3A_364 : memref<1x80x128xf32, #tpu.memory_space<vmem>> -> memref<80x128xf32, #tpu.memory_space<vmem>>
      %dma_wait3A_366 = arith.constant 0 : i32
      %dma_wait3A_367 = tpu.memref_slice %arg5[%add3A_11, %dma_wait3A_366] : memref<10112x128xf32, #tpu.memory_space<vmem_shared>> -> memref<80x128xf32, #tpu.memory_space<vmem_shared>>
      %dma_wait3A_368 = arith.constant 0 : i32
      %dma_wait3A_369 = tpu.memref_slice %arg5[%add3A_11, %dma_wait3A_368] : memref<10112x128xf32, #tpu.memory_space<vmem_shared>> -> memref<80x128xf32, #tpu.memory_space<vmem_shared>>
      %dma_wait3A_370 = arith.constant 0 : i32
      %dma_wait3A_371 = arith.constant 0 : i32
      %dma_wait3A_372 = tpu.memref_slice %arg7[%run_scoped3A, %dma_wait3A_370, %dma_wait3A_371] : memref<4x80x128xf32, #tpu.memory_space<vmem>> -> memref<1x80x128xf32, #tpu.memory_space<vmem>>
      %dma_wait3A_373 = tpu.memref_squeeze %dma_wait3A_372 : memref<1x80x128xf32, #tpu.memory_space<vmem>> -> memref<80x128xf32, #tpu.memory_space<vmem>>
      tpu.wait_dma2 semaphore(%run_scoped3A_349 : memref<!tpu.dma_semaphore, #tpu.memory_space<semaphore_mem>>) src(%dma_wait3A_373 : memref<80x128xf32, #tpu.memory_space<vmem>>) dst(%dma_wait3A_369 : memref<80x128xf32, #tpu.memory_space<vmem_shared>>)
      tpu.yield
    }) : () -> ()
    %mul3A_12 = arith.constant 632 : i32
    %mul3A_13 = arith.muli %arg1, %mul3A_12 : i32
    %add3A_14 = arith.constant 80 : i32
    %add3A_15 = arith.addi %mul3A_13, %add3A_14 : i32
    %run_scoped3A_16 = arith.constant 0 : i32
    "tpu.region"() ({
      %run_scoped3A_349 = tpu.sem_alloc : memref<!tpu.dma_semaphore, #tpu.memory_space<semaphore_mem>>
      %dma_start3A_350 = arith.constant 0 : i32
      %dma_start3A_351 = arith.constant 0 : i32
      %dma_start3A_352 = tpu.memref_slice %arg7[%run_scoped3A_16, %dma_start3A_350, %dma_start3A_351] : memref<4x80x128xf32, #tpu.memory_space<vmem>> -> memref<1x80x128xf32, #tpu.memory_space<vmem>>
      %dma_start3A_353 = tpu.memref_squeeze %dma_start3A_352 : memref<1x80x128xf32, #tpu.memory_space<vmem>> -> memref<80x128xf32, #tpu.memory_space<vmem>>
      %dma_start3A_354 = arith.constant 0 : i32
      %dma_start3A_355 = tpu.memref_slice %arg5[%add3A_15, %dma_start3A_354] : memref<10112x128xf32, #tpu.memory_space<vmem_shared>> -> memref<80x128xf32, #tpu.memory_space<vmem_shared>>
      %dma_start3A_356 = arith.constant 0 : i32
      %dma_start3A_357 = tpu.memref_slice %arg5[%add3A_15, %dma_start3A_356] : memref<10112x128xf32, #tpu.memory_space<vmem_shared>> -> memref<80x128xf32, #tpu.memory_space<vmem_shared>>
      %dma_start3A_358 = arith.constant 0 : i32
      %dma_start3A_359 = arith.constant 0 : i32
      %dma_start3A_360 = tpu.memref_slice %arg7[%run_scoped3A_16, %dma_start3A_358, %dma_start3A_359] : memref<4x80x128xf32, #tpu.memory_space<vmem>> -> memref<1x80x128xf32, #tpu.memory_space<vmem>>
      %dma_start3A_361 = tpu.memref_squeeze %dma_start3A_360 : memref<1x80x128xf32, #tpu.memory_space<vmem>> -> memref<80x128xf32, #tpu.memory_space<vmem>>
      tpu.enqueue_dma source(%dma_start3A_361 : memref<80x128xf32, #tpu.memory_space<vmem>>) target(%dma_start3A_357 : memref<80x128xf32, #tpu.memory_space<vmem_shared>>) target_semaphore(%run_scoped3A_349 : memref<!tpu.dma_semaphore, #tpu.memory_space<semaphore_mem>>)
      %dma_wait3A_362 = arith.constant 0 : i32
      %dma_wait3A_363 = arith.constant 0 : i32
      %dma_wait3A_364 = tpu.memref_slice %arg7[%run_scoped3A_16, %dma_wait3A_362, %dma_wait3A_363] : memref<4x80x128xf32, #tpu.memory_space<vmem>> -> memref<1x80x128xf32, #tpu.memory_space<vmem>>
      %dma_wait3A_365 = tpu.memref_squeeze %dma_wait3A_364 : memref<1x80x128xf32, #tpu.memory_space<vmem>> -> memref<80x128xf32, #tpu.memory_space<vmem>>
      %dma_wait3A_366 = arith.constant 0 : i32
      %dma_wait3A_367 = tpu.memref_slice %arg5[%add3A_15, %dma_wait3A_366] : memref<10112x128xf32, #tpu.memory_space<vmem_shared>> -> memref<80x128xf32, #tpu.memory_space<vmem_shared>>
      %dma_wait3A_368 = arith.constant 0 : i32
      %dma_wait3A_369 = tpu.memref_slice %arg5[%add3A_15, %dma_wait3A_368] : memref<10112x128xf32, #tpu.memory_space<vmem_shared>> -> memref<80x128xf32, #tpu.memory_space<vmem_shared>>
      %dma_wait3A_370 = arith.constant 0 : i32
      %dma_wait3A_371 = arith.constant 0 : i32
      %dma_wait3A_372 = tpu.memref_slice %arg7[%run_scoped3A_16, %dma_wait3A_370, %dma_wait3A_371] : memref<4x80x128xf32, #tpu.memory_space<vmem>> -> memref<1x80x128xf32, #tpu.memory_space<vmem>>
      %dma_wait3A_373 = tpu.memref_squeeze %dma_wait3A_372 : memref<1x80x128xf32, #tpu.memory_space<vmem>> -> memref<80x128xf32, #tpu.memory_space<vmem>>
      tpu.wait_dma2 semaphore(%run_scoped3A_349 : memref<!tpu.dma_semaphore, #tpu.memory_space<semaphore_mem>>) src(%dma_wait3A_373 : memref<80x128xf32, #tpu.memory_space<vmem>>) dst(%dma_wait3A_369 : memref<80x128xf32, #tpu.memory_space<vmem_shared>>)
      tpu.yield
    }) : () -> ()
    %mul3A_17 = arith.constant 632 : i32
    %mul3A_18 = arith.muli %arg1, %mul3A_17 : i32
    %add3A_19 = arith.constant 160 : i32
    %add3A_20 = arith.addi %mul3A_18, %add3A_19 : i32
    %run_scoped3A_21 = arith.constant 0 : i32
    "tpu.region"() ({
      %run_scoped3A_349 = tpu.sem_alloc : memref<!tpu.dma_semaphore, #tpu.memory_space<semaphore_mem>>
      %dma_start3A_350 = arith.constant 0 : i32
      %dma_start3A_351 = arith.constant 0 : i32
      %dma_start3A_352 = tpu.memref_slice %arg7[%run_scoped3A_21, %dma_start3A_350, %dma_start3A_351] : memref<4x80x128xf32, #tpu.memory_space<vmem>> -> memref<1x80x128xf32, #tpu.memory_space<vmem>>
      %dma_start3A_353 = tpu.memref_squeeze %dma_start3A_352 : memref<1x80x128xf32, #tpu.memory_space<vmem>> -> memref<80x128xf32, #tpu.memory_space<vmem>>
      %dma_start3A_354 = arith.constant 0 : i32
      %dma_start3A_355 = tpu.memref_slice %arg5[%add3A_20, %dma_start3A_354] : memref<10112x128xf32, #tpu.memory_space<vmem_shared>> -> memref<80x128xf32, #tpu.memory_space<vmem_shared>>
      %dma_start3A_356 = arith.constant 0 : i32
      %dma_start3A_357 = tpu.memref_slice %arg5[%add3A_20, %dma_start3A_356] : memref<10112x128xf32, #tpu.memory_space<vmem_shared>> -> memref<80x128xf32, #tpu.memory_space<vmem_shared>>
      %dma_start3A_358 = arith.constant 0 : i32
      %dma_start3A_359 = arith.constant 0 : i32
      %dma_start3A_360 = tpu.memref_slice %arg7[%run_scoped3A_21, %dma_start3A_358, %dma_start3A_359] : memref<4x80x128xf32, #tpu.memory_space<vmem>> -> memref<1x80x128xf32, #tpu.memory_space<vmem>>
      %dma_start3A_361 = tpu.memref_squeeze %dma_start3A_360 : memref<1x80x128xf32, #tpu.memory_space<vmem>> -> memref<80x128xf32, #tpu.memory_space<vmem>>
      tpu.enqueue_dma source(%dma_start3A_361 : memref<80x128xf32, #tpu.memory_space<vmem>>) target(%dma_start3A_357 : memref<80x128xf32, #tpu.memory_space<vmem_shared>>) target_semaphore(%run_scoped3A_349 : memref<!tpu.dma_semaphore, #tpu.memory_space<semaphore_mem>>)
      %dma_wait3A_362 = arith.constant 0 : i32
      %dma_wait3A_363 = arith.constant 0 : i32
      %dma_wait3A_364 = tpu.memref_slice %arg7[%run_scoped3A_21, %dma_wait3A_362, %dma_wait3A_363] : memref<4x80x128xf32, #tpu.memory_space<vmem>> -> memref<1x80x128xf32, #tpu.memory_space<vmem>>
      %dma_wait3A_365 = tpu.memref_squeeze %dma_wait3A_364 : memref<1x80x128xf32, #tpu.memory_space<vmem>> -> memref<80x128xf32, #tpu.memory_space<vmem>>
      %dma_wait3A_366 = arith.constant 0 : i32
      %dma_wait3A_367 = tpu.memref_slice %arg5[%add3A_20, %dma_wait3A_366] : memref<10112x128xf32, #tpu.memory_space<vmem_shared>> -> memref<80x128xf32, #tpu.memory_space<vmem_shared>>
      %dma_wait3A_368 = arith.constant 0 : i32
      %dma_wait3A_369 = tpu.memref_slice %arg5[%add3A_20, %dma_wait3A_368] : memref<10112x128xf32, #tpu.memory_space<vmem_shared>> -> memref<80x128xf32, #tpu.memory_space<vmem_shared>>
      %dma_wait3A_370 = arith.constant 0 : i32
      %dma_wait3A_371 = arith.constant 0 : i32
      %dma_wait3A_372 = tpu.memref_slice %arg7[%run_scoped3A_21, %dma_wait3A_370, %dma_wait3A_371] : memref<4x80x128xf32, #tpu.memory_space<vmem>> -> memref<1x80x128xf32, #tpu.memory_space<vmem>>
      %dma_wait3A_373 = tpu.memref_squeeze %dma_wait3A_372 : memref<1x80x128xf32, #tpu.memory_space<vmem>> -> memref<80x128xf32, #tpu.memory_space<vmem>>
      tpu.wait_dma2 semaphore(%run_scoped3A_349 : memref<!tpu.dma_semaphore, #tpu.memory_space<semaphore_mem>>) src(%dma_wait3A_373 : memref<80x128xf32, #tpu.memory_space<vmem>>) dst(%dma_wait3A_369 : memref<80x128xf32, #tpu.memory_space<vmem_shared>>)
      tpu.yield
    }) : () -> ()
    %mul3A_22 = arith.constant 632 : i32
    %mul3A_23 = arith.muli %arg1, %mul3A_22 : i32
    %add3A_24 = arith.constant 240 : i32
    %add3A_25 = arith.addi %mul3A_23, %add3A_24 : i32
    %run_scoped3A_26 = arith.constant 0 : i32
    "tpu.region"() ({
      %run_scoped3A_349 = tpu.sem_alloc : memref<!tpu.dma_semaphore, #tpu.memory_space<semaphore_mem>>
      %dma_start3A_350 = arith.constant 0 : i32
      %dma_start3A_351 = arith.constant 0 : i32
      %dma_start3A_352 = tpu.memref_slice %arg7[%run_scoped3A_26, %dma_start3A_350, %dma_start3A_351] : memref<4x80x128xf32, #tpu.memory_space<vmem>> -> memref<1x80x128xf32, #tpu.memory_space<vmem>>
      %dma_start3A_353 = tpu.memref_squeeze %dma_start3A_352 : memref<1x80x128xf32, #tpu.memory_space<vmem>> -> memref<80x128xf32, #tpu.memory_space<vmem>>
      %dma_start3A_354 = arith.constant 0 : i32
      %dma_start3A_355 = tpu.memref_slice %arg5[%add3A_25, %dma_start3A_354] : memref<10112x128xf32, #tpu.memory_space<vmem_shared>> -> memref<80x128xf32, #tpu.memory_space<vmem_shared>>
      %dma_start3A_356 = arith.constant 0 : i32
      %dma_start3A_357 = tpu.memref_slice %arg5[%add3A_25, %dma_start3A_356] : memref<10112x128xf32, #tpu.memory_space<vmem_shared>> -> memref<80x128xf32, #tpu.memory_space<vmem_shared>>
      %dma_start3A_358 = arith.constant 0 : i32
      %dma_start3A_359 = arith.constant 0 : i32
      %dma_start3A_360 = tpu.memref_slice %arg7[%run_scoped3A_26, %dma_start3A_358, %dma_start3A_359] : memref<4x80x128xf32, #tpu.memory_space<vmem>> -> memref<1x80x128xf32, #tpu.memory_space<vmem>>
      %dma_start3A_361 = tpu.memref_squeeze %dma_start3A_360 : memref<1x80x128xf32, #tpu.memory_space<vmem>> -> memref<80x128xf32, #tpu.memory_space<vmem>>
      tpu.enqueue_dma source(%dma_start3A_361 : memref<80x128xf32, #tpu.memory_space<vmem>>) target(%dma_start3A_357 : memref<80x128xf32, #tpu.memory_space<vmem_shared>>) target_semaphore(%run_scoped3A_349 : memref<!tpu.dma_semaphore, #tpu.memory_space<semaphore_mem>>)
      %dma_wait3A_362 = arith.constant 0 : i32
      %dma_wait3A_363 = arith.constant 0 : i32
      %dma_wait3A_364 = tpu.memref_slice %arg7[%run_scoped3A_26, %dma_wait3A_362, %dma_wait3A_363] : memref<4x80x128xf32, #tpu.memory_space<vmem>> -> memref<1x80x128xf32, #tpu.memory_space<vmem>>
      %dma_wait3A_365 = tpu.memref_squeeze %dma_wait3A_364 : memref<1x80x128xf32, #tpu.memory_space<vmem>> -> memref<80x128xf32, #tpu.memory_space<vmem>>
      %dma_wait3A_366 = arith.constant 0 : i32
      %dma_wait3A_367 = tpu.memref_slice %arg5[%add3A_25, %dma_wait3A_366] : memref<10112x128xf32, #tpu.memory_space<vmem_shared>> -> memref<80x128xf32, #tpu.memory_space<vmem_shared>>
      %dma_wait3A_368 = arith.constant 0 : i32
      %dma_wait3A_369 = tpu.memref_slice %arg5[%add3A_25, %dma_wait3A_368] : memref<10112x128xf32, #tpu.memory_space<vmem_shared>> -> memref<80x128xf32, #tpu.memory_space<vmem_shared>>
      %dma_wait3A_370 = arith.constant 0 : i32
      %dma_wait3A_371 = arith.constant 0 : i32
      %dma_wait3A_372 = tpu.memref_slice %arg7[%run_scoped3A_26, %dma_wait3A_370, %dma_wait3A_371] : memref<4x80x128xf32, #tpu.memory_space<vmem>> -> memref<1x80x128xf32, #tpu.memory_space<vmem>>
      %dma_wait3A_373 = tpu.memref_squeeze %dma_wait3A_372 : memref<1x80x128xf32, #tpu.memory_space<vmem>> -> memref<80x128xf32, #tpu.memory_space<vmem>>
      tpu.wait_dma2 semaphore(%run_scoped3A_349 : memref<!tpu.dma_semaphore, #tpu.memory_space<semaphore_mem>>) src(%dma_wait3A_373 : memref<80x128xf32, #tpu.memory_space<vmem>>) dst(%dma_wait3A_369 : memref<80x128xf32, #tpu.memory_space<vmem_shared>>)
      tpu.yield
    }) : () -> ()
    %mul3A_27 = arith.constant 632 : i32
    %mul3A_28 = arith.muli %arg1, %mul3A_27 : i32
    %add3A_29 = arith.constant 320 : i32
    %add3A_30 = arith.addi %mul3A_28, %add3A_29 : i32
    %run_scoped3A_31 = arith.constant 0 : i32
    "tpu.region"() ({
      %run_scoped3A_349 = tpu.sem_alloc : memref<!tpu.dma_semaphore, #tpu.memory_space<semaphore_mem>>
      %dma_start3A_350 = arith.constant 0 : i32
      %dma_start3A_351 = arith.constant 0 : i32
      %dma_start3A_352 = tpu.memref_slice %arg7[%run_scoped3A_31, %dma_start3A_350, %dma_start3A_351] : memref<4x80x128xf32, #tpu.memory_space<vmem>> -> memref<1x80x128xf32, #tpu.memory_space<vmem>>
      %dma_start3A_353 = tpu.memref_squeeze %dma_start3A_352 : memref<1x80x128xf32, #tpu.memory_space<vmem>> -> memref<80x128xf32, #tpu.memory_space<vmem>>
      %dma_start3A_354 = arith.constant 0 : i32
      %dma_start3A_355 = tpu.memref_slice %arg5[%add3A_30, %dma_start3A_354] : memref<10112x128xf32, #tpu.memory_space<vmem_shared>> -> memref<80x128xf32, #tpu.memory_space<vmem_shared>>
      %dma_start3A_356 = arith.constant 0 : i32
      %dma_start3A_357 = tpu.memref_slice %arg5[%add3A_30, %dma_start3A_356] : memref<10112x128xf32, #tpu.memory_space<vmem_shared>> -> memref<80x128xf32, #tpu.memory_space<vmem_shared>>
      %dma_start3A_358 = arith.constant 0 : i32
      %dma_start3A_359 = arith.constant 0 : i32
      %dma_start3A_360 = tpu.memref_slice %arg7[%run_scoped3A_31, %dma_start3A_358, %dma_start3A_359] : memref<4x80x128xf32, #tpu.memory_space<vmem>> -> memref<1x80x128xf32, #tpu.memory_space<vmem>>
      %dma_start3A_361 = tpu.memref_squeeze %dma_start3A_360 : memref<1x80x128xf32, #tpu.memory_space<vmem>> -> memref<80x128xf32, #tpu.memory_space<vmem>>
      tpu.enqueue_dma source(%dma_start3A_361 : memref<80x128xf32, #tpu.memory_space<vmem>>) target(%dma_start3A_357 : memref<80x128xf32, #tpu.memory_space<vmem_shared>>) target_semaphore(%run_scoped3A_349 : memref<!tpu.dma_semaphore, #tpu.memory_space<semaphore_mem>>)
      %dma_wait3A_362 = arith.constant 0 : i32
      %dma_wait3A_363 = arith.constant 0 : i32
      %dma_wait3A_364 = tpu.memref_slice %arg7[%run_scoped3A_31, %dma_wait3A_362, %dma_wait3A_363] : memref<4x80x128xf32, #tpu.memory_space<vmem>> -> memref<1x80x128xf32, #tpu.memory_space<vmem>>
      %dma_wait3A_365 = tpu.memref_squeeze %dma_wait3A_364 : memref<1x80x128xf32, #tpu.memory_space<vmem>> -> memref<80x128xf32, #tpu.memory_space<vmem>>
      %dma_wait3A_366 = arith.constant 0 : i32
      %dma_wait3A_367 = tpu.memref_slice %arg5[%add3A_30, %dma_wait3A_366] : memref<10112x128xf32, #tpu.memory_space<vmem_shared>> -> memref<80x128xf32, #tpu.memory_space<vmem_shared>>
      %dma_wait3A_368 = arith.constant 0 : i32
      %dma_wait3A_369 = tpu.memref_slice %arg5[%add3A_30, %dma_wait3A_368] : memref<10112x128xf32, #tpu.memory_space<vmem_shared>> -> memref<80x128xf32, #tpu.memory_space<vmem_shared>>
      %dma_wait3A_370 = arith.constant 0 : i32
      %dma_wait3A_371 = arith.constant 0 : i32
      %dma_wait3A_372 = tpu.memref_slice %arg7[%run_scoped3A_31, %dma_wait3A_370, %dma_wait3A_371] : memref<4x80x128xf32, #tpu.memory_space<vmem>> -> memref<1x80x128xf32, #tpu.memory_space<vmem>>
      %dma_wait3A_373 = tpu.memref_squeeze %dma_wait3A_372 : memref<1x80x128xf32, #tpu.memory_space<vmem>> -> memref<80x128xf32, #tpu.memory_space<vmem>>
      tpu.wait_dma2 semaphore(%run_scoped3A_349 : memref<!tpu.dma_semaphore, #tpu.memory_space<semaphore_mem>>) src(%dma_wait3A_373 : memref<80x128xf32, #tpu.memory_space<vmem>>) dst(%dma_wait3A_369 : memref<80x128xf32, #tpu.memory_space<vmem_shared>>)
      tpu.yield
    }) : () -> ()
    %mul3A_32 = arith.constant 632 : i32
    %mul3A_33 = arith.muli %arg1, %mul3A_32 : i32
    %add3A_34 = arith.constant 400 : i32
    %add3A_35 = arith.addi %mul3A_33, %add3A_34 : i32
    %run_scoped3A_36 = arith.constant 0 : i32
    "tpu.region"() ({
      %run_scoped3A_349 = tpu.sem_alloc : memref<!tpu.dma_semaphore, #tpu.memory_space<semaphore_mem>>
      %dma_start3A_350 = arith.constant 0 : i32
      %dma_start3A_351 = arith.constant 0 : i32
      %dma_start3A_352 = tpu.memref_slice %arg7[%run_scoped3A_36, %dma_start3A_350, %dma_start3A_351] : memref<4x80x128xf32, #tpu.memory_space<vmem>> -> memref<1x80x128xf32, #tpu.memory_space<vmem>>
      %dma_start3A_353 = tpu.memref_squeeze %dma_start3A_352 : memref<1x80x128xf32, #tpu.memory_space<vmem>> -> memref<80x128xf32, #tpu.memory_space<vmem>>
      %dma_start3A_354 = arith.constant 0 : i32
      %dma_start3A_355 = tpu.memref_slice %arg5[%add3A_35, %dma_start3A_354] : memref<10112x128xf32, #tpu.memory_space<vmem_shared>> -> memref<80x128xf32, #tpu.memory_space<vmem_shared>>
      %dma_start3A_356 = arith.constant 0 : i32
      %dma_start3A_357 = tpu.memref_slice %arg5[%add3A_35, %dma_start3A_356] : memref<10112x128xf32, #tpu.memory_space<vmem_shared>> -> memref<80x128xf32, #tpu.memory_space<vmem_shared>>
      %dma_start3A_358 = arith.constant 0 : i32
      %dma_start3A_359 = arith.constant 0 : i32
      %dma_start3A_360 = tpu.memref_slice %arg7[%run_scoped3A_36, %dma_start3A_358, %dma_start3A_359] : memref<4x80x128xf32, #tpu.memory_space<vmem>> -> memref<1x80x128xf32, #tpu.memory_space<vmem>>
      %dma_start3A_361 = tpu.memref_squeeze %dma_start3A_360 : memref<1x80x128xf32, #tpu.memory_space<vmem>> -> memref<80x128xf32, #tpu.memory_space<vmem>>
      tpu.enqueue_dma source(%dma_start3A_361 : memref<80x128xf32, #tpu.memory_space<vmem>>) target(%dma_start3A_357 : memref<80x128xf32, #tpu.memory_space<vmem_shared>>) target_semaphore(%run_scoped3A_349 : memref<!tpu.dma_semaphore, #tpu.memory_space<semaphore_mem>>)
      %dma_wait3A_362 = arith.constant 0 : i32
      %dma_wait3A_363 = arith.constant 0 : i32
      %dma_wait3A_364 = tpu.memref_slice %arg7[%run_scoped3A_36, %dma_wait3A_362, %dma_wait3A_363] : memref<4x80x128xf32, #tpu.memory_space<vmem>> -> memref<1x80x128xf32, #tpu.memory_space<vmem>>
      %dma_wait3A_365 = tpu.memref_squeeze %dma_wait3A_364 : memref<1x80x128xf32, #tpu.memory_space<vmem>> -> memref<80x128xf32, #tpu.memory_space<vmem>>
      %dma_wait3A_366 = arith.constant 0 : i32
      %dma_wait3A_367 = tpu.memref_slice %arg5[%add3A_35, %dma_wait3A_366] : memref<10112x128xf32, #tpu.memory_space<vmem_shared>> -> memref<80x128xf32, #tpu.memory_space<vmem_shared>>
      %dma_wait3A_368 = arith.constant 0 : i32
      %dma_wait3A_369 = tpu.memref_slice %arg5[%add3A_35, %dma_wait3A_368] : memref<10112x128xf32, #tpu.memory_space<vmem_shared>> -> memref<80x128xf32, #tpu.memory_space<vmem_shared>>
      %dma_wait3A_370 = arith.constant 0 : i32
      %dma_wait3A_371 = arith.constant 0 : i32
      %dma_wait3A_372 = tpu.memref_slice %arg7[%run_scoped3A_36, %dma_wait3A_370, %dma_wait3A_371] : memref<4x80x128xf32, #tpu.memory_space<vmem>> -> memref<1x80x128xf32, #tpu.memory_space<vmem>>
      %dma_wait3A_373 = tpu.memref_squeeze %dma_wait3A_372 : memref<1x80x128xf32, #tpu.memory_space<vmem>> -> memref<80x128xf32, #tpu.memory_space<vmem>>
      tpu.wait_dma2 semaphore(%run_scoped3A_349 : memref<!tpu.dma_semaphore, #tpu.memory_space<semaphore_mem>>) src(%dma_wait3A_373 : memref<80x128xf32, #tpu.memory_space<vmem>>) dst(%dma_wait3A_369 : memref<80x128xf32, #tpu.memory_space<vmem_shared>>)
      tpu.yield
    }) : () -> ()
    %mul3A_37 = arith.constant 632 : i32
    %mul3A_38 = arith.muli %arg1, %mul3A_37 : i32
    %add3A_39 = arith.constant 480 : i32
    %add3A_40 = arith.addi %mul3A_38, %add3A_39 : i32
    %run_scoped3A_41 = arith.constant 0 : i32
    "tpu.region"() ({
      %run_scoped3A_349 = tpu.sem_alloc : memref<!tpu.dma_semaphore, #tpu.memory_space<semaphore_mem>>
      %dma_start3A_350 = arith.constant 0 : i32
      %dma_start3A_351 = arith.constant 0 : i32
      %dma_start3A_352 = tpu.memref_slice %arg7[%run_scoped3A_41, %dma_start3A_350, %dma_start3A_351] : memref<4x80x128xf32, #tpu.memory_space<vmem>> -> memref<1x80x128xf32, #tpu.memory_space<vmem>>
      %dma_start3A_353 = tpu.memref_squeeze %dma_start3A_352 : memref<1x80x128xf32, #tpu.memory_space<vmem>> -> memref<80x128xf32, #tpu.memory_space<vmem>>
      %dma_start3A_354 = arith.constant 0 : i32
      %dma_start3A_355 = tpu.memref_slice %arg5[%add3A_40, %dma_start3A_354] : memref<10112x128xf32, #tpu.memory_space<vmem_shared>> -> memref<80x128xf32, #tpu.memory_space<vmem_shared>>
      %dma_start3A_356 = arith.constant 0 : i32
      %dma_start3A_357 = tpu.memref_slice %arg5[%add3A_40, %dma_start3A_356] : memref<10112x128xf32, #tpu.memory_space<vmem_shared>> -> memref<80x128xf32, #tpu.memory_space<vmem_shared>>
      %dma_start3A_358 = arith.constant 0 : i32
      %dma_start3A_359 = arith.constant 0 : i32
      %dma_start3A_360 = tpu.memref_slice %arg7[%run_scoped3A_41, %dma_start3A_358, %dma_start3A_359] : memref<4x80x128xf32, #tpu.memory_space<vmem>> -> memref<1x80x128xf32, #tpu.memory_space<vmem>>
      %dma_start3A_361 = tpu.memref_squeeze %dma_start3A_360 : memref<1x80x128xf32, #tpu.memory_space<vmem>> -> memref<80x128xf32, #tpu.memory_space<vmem>>
      tpu.enqueue_dma source(%dma_start3A_361 : memref<80x128xf32, #tpu.memory_space<vmem>>) target(%dma_start3A_357 : memref<80x128xf32, #tpu.memory_space<vmem_shared>>) target_semaphore(%run_scoped3A_349 : memref<!tpu.dma_semaphore, #tpu.memory_space<semaphore_mem>>)
      %dma_wait3A_362 = arith.constant 0 : i32
      %dma_wait3A_363 = arith.constant 0 : i32
      %dma_wait3A_364 = tpu.memref_slice %arg7[%run_scoped3A_41, %dma_wait3A_362, %dma_wait3A_363] : memref<4x80x128xf32, #tpu.memory_space<vmem>> -> memref<1x80x128xf32, #tpu.memory_space<vmem>>
      %dma_wait3A_365 = tpu.memref_squeeze %dma_wait3A_364 : memref<1x80x128xf32, #tpu.memory_space<vmem>> -> memref<80x128xf32, #tpu.memory_space<vmem>>
      %dma_wait3A_366 = arith.constant 0 : i32
      %dma_wait3A_367 = tpu.memref_slice %arg5[%add3A_40, %dma_wait3A_366] : memref<10112x128xf32, #tpu.memory_space<vmem_shared>> -> memref<80x128xf32, #tpu.memory_space<vmem_shared>>
      %dma_wait3A_368 = arith.constant 0 : i32
      %dma_wait3A_369 = tpu.memref_slice %arg5[%add3A_40, %dma_wait3A_368] : memref<10112x128xf32, #tpu.memory_space<vmem_shared>> -> memref<80x128xf32, #tpu.memory_space<vmem_shared>>
      %dma_wait3A_370 = arith.constant 0 : i32
      %dma_wait3A_371 = arith.constant 0 : i32
      %dma_wait3A_372 = tpu.memref_slice %arg7[%run_scoped3A_41, %dma_wait3A_370, %dma_wait3A_371] : memref<4x80x128xf32, #tpu.memory_space<vmem>> -> memref<1x80x128xf32, #tpu.memory_space<vmem>>
      %dma_wait3A_373 = tpu.memref_squeeze %dma_wait3A_372 : memref<1x80x128xf32, #tpu.memory_space<vmem>> -> memref<80x128xf32, #tpu.memory_space<vmem>>
      tpu.wait_dma2 semaphore(%run_scoped3A_349 : memref<!tpu.dma_semaphore, #tpu.memory_space<semaphore_mem>>) src(%dma_wait3A_373 : memref<80x128xf32, #tpu.memory_space<vmem>>) dst(%dma_wait3A_369 : memref<80x128xf32, #tpu.memory_space<vmem_shared>>)
      tpu.yield
    }) : () -> ()
    %mul3A_42 = arith.constant 632 : i32
    %mul3A_43 = arith.muli %arg1, %mul3A_42 : i32
    %add3A_44 = arith.constant 560 : i32
    %add3A_45 = arith.addi %mul3A_43, %add3A_44 : i32
    %run_scoped3A_46 = arith.constant 0 : i32
    "tpu.region"() ({
      %run_scoped3A_349 = tpu.sem_alloc : memref<!tpu.dma_semaphore, #tpu.memory_space<semaphore_mem>>
      %dma_start3A_350 = arith.constant 0 : i32
      %dma_start3A_351 = arith.constant 0 : i32
      %dma_start3A_352 = tpu.memref_slice %arg7[%run_scoped3A_46, %dma_start3A_350, %dma_start3A_351] : memref<4x80x128xf32, #tpu.memory_space<vmem>> -> memref<1x80x128xf32, #tpu.memory_space<vmem>>
      %dma_start3A_353 = tpu.memref_squeeze %dma_start3A_352 : memref<1x80x128xf32, #tpu.memory_space<vmem>> -> memref<80x128xf32, #tpu.memory_space<vmem>>
      %dma_start3A_354 = arith.constant 0 : i32
      %dma_start3A_355 = arith.constant 0 : i32
      %dma_start3A_356 = tpu.memref_slice %dma_start3A_353[%dma_start3A_354, %dma_start3A_355] : memref<80x128xf32, #tpu.memory_space<vmem>> -> memref<72x128xf32, #tpu.memory_space<vmem>>
      %dma_start3A_357 = arith.constant 0 : i32
      %dma_start3A_358 = tpu.memref_slice %arg5[%add3A_45, %dma_start3A_357] : memref<10112x128xf32, #tpu.memory_space<vmem_shared>> -> memref<72x128xf32, #tpu.memory_space<vmem_shared>>
      %dma_start3A_359 = arith.constant 0 : i32
      %dma_start3A_360 = tpu.memref_slice %arg5[%add3A_45, %dma_start3A_359] : memref<10112x128xf32, #tpu.memory_space<vmem_shared>> -> memref<72x128xf32, #tpu.memory_space<vmem_shared>>
      %dma_start3A_361 = arith.constant 0 : i32
      %dma_start3A_362 = arith.constant 0 : i32
      %dma_start3A_363 = tpu.memref_slice %arg7[%run_scoped3A_46, %dma_start3A_361, %dma_start3A_362] : memref<4x80x128xf32, #tpu.memory_space<vmem>> -> memref<1x80x128xf32, #tpu.memory_space<vmem>>
      %dma_start3A_364 = tpu.memref_squeeze %dma_start3A_363 : memref<1x80x128xf32, #tpu.memory_space<vmem>> -> memref<80x128xf32, #tpu.memory_space<vmem>>
      %dma_start3A_365 = arith.constant 0 : i32
      %dma_start3A_366 = arith.constant 0 : i32
      %dma_start3A_367 = tpu.memref_slice %dma_start3A_364[%dma_start3A_365, %dma_start3A_366] : memref<80x128xf32, #tpu.memory_space<vmem>> -> memref<72x128xf32, #tpu.memory_space<vmem>>
      tpu.enqueue_dma source(%dma_start3A_367 : memref<72x128xf32, #tpu.memory_space<vmem>>) target(%dma_start3A_360 : memref<72x128xf32, #tpu.memory_space<vmem_shared>>) target_semaphore(%run_scoped3A_349 : memref<!tpu.dma_semaphore, #tpu.memory_space<semaphore_mem>>)
      %dma_wait3A_368 = arith.constant 0 : i32
      %dma_wait3A_369 = arith.constant 0 : i32
      %dma_wait3A_370 = tpu.memref_slice %arg7[%run_scoped3A_46, %dma_wait3A_368, %dma_wait3A_369] : memref<4x80x128xf32, #tpu.memory_space<vmem>> -> memref<1x80x128xf32, #tpu.memory_space<vmem>>
      %dma_wait3A_371 = tpu.memref_squeeze %dma_wait3A_370 : memref<1x80x128xf32, #tpu.memory_space<vmem>> -> memref<80x128xf32, #tpu.memory_space<vmem>>
      %dma_wait3A_372 = arith.constant 0 : i32
      %dma_wait3A_373 = arith.constant 0 : i32
      %dma_wait3A_374 = tpu.memref_slice %dma_wait3A_371[%dma_wait3A_372, %dma_wait3A_373] : memref<80x128xf32, #tpu.memory_space<vmem>> -> memref<72x128xf32, #tpu.memory_space<vmem>>
      %dma_wait3A_375 = arith.constant 0 : i32
      %dma_wait3A_376 = tpu.memref_slice %arg5[%add3A_45, %dma_wait3A_375] : memref<10112x128xf32, #tpu.memory_space<vmem_shared>> -> memref<72x128xf32, #tpu.memory_space<vmem_shared>>
      %dma_wait3A_377 = arith.constant 0 : i32
      %dma_wait3A_378 = tpu.memref_slice %arg5[%add3A_45, %dma_wait3A_377] : memref<10112x128xf32, #tpu.memory_space<vmem_shared>> -> memref<72x128xf32, #tpu.memory_space<vmem_shared>>
      %dma_wait3A_379 = arith.constant 0 : i32
      %dma_wait3A_380 = arith.constant 0 : i32
      %dma_wait3A_381 = tpu.memref_slice %arg7[%run_scoped3A_46, %dma_wait3A_379, %dma_wait3A_380] : memref<4x80x128xf32, #tpu.memory_space<vmem>> -> memref<1x80x128xf32, #tpu.memory_space<vmem>>
      %dma_wait3A_382 = tpu.memref_squeeze %dma_wait3A_381 : memref<1x80x128xf32, #tpu.memory_space<vmem>> -> memref<80x128xf32, #tpu.memory_space<vmem>>
      %dma_wait3A_383 = arith.constant 0 : i32
      %dma_wait3A_384 = arith.constant 0 : i32
      %dma_wait3A_385 = tpu.memref_slice %dma_wait3A_382[%dma_wait3A_383, %dma_wait3A_384] : memref<80x128xf32, #tpu.memory_space<vmem>> -> memref<72x128xf32, #tpu.memory_space<vmem>>
      tpu.wait_dma2 semaphore(%run_scoped3A_349 : memref<!tpu.dma_semaphore, #tpu.memory_space<semaphore_mem>>) src(%dma_wait3A_385 : memref<72x128xf32, #tpu.memory_space<vmem>>) dst(%dma_wait3A_378 : memref<72x128xf32, #tpu.memory_space<vmem_shared>>)
      tpu.yield
    }) : () -> ()
    %barrier3A = arith.constant 0 : index
    tpu.barrier barrier_id(%barrier3A)
    %add3A_47 = arith.constant 0 : i32
    %add3A_48 = arith.addi %mul3A_2, %add3A_47 : i32
    %dma_start3A = arith.constant 0 : i32
    %dma_start3A_49 = arith.constant 0 : i32
    %dma_start3A_50 = arith.constant 0 : i32
    %dma_start3A_51 = tpu.memref_slice %arg6[%dma_start3A, %dma_start3A_49, %dma_start3A_50] : memref<8x2x80xi32, #tpu.memory_space<vmem>> -> memref<1x2x80xi32, #tpu.memory_space<vmem>>
    %dma_start3A_52 = tpu.memref_squeeze %dma_start3A_51 : memref<1x2x80xi32, #tpu.memory_space<vmem>> -> memref<2x80xi32, #tpu.memory_space<vmem>>
    %dma_start3A_53 = arith.constant 0 : i32
    %dma_start3A_54 = arith.constant 0 : i32
    %dma_start3A_55 = tpu.memref_slice %arg2[%add3A_48, %dma_start3A_53, %dma_start3A_54] : memref<4096x2x80xi32, #tpu.memory_space<hbm>> -> memref<1x2x80xi32, #tpu.memory_space<hbm>>
    %dma_start3A_56 = tpu.memref_squeeze %dma_start3A_55 : memref<1x2x80xi32, #tpu.memory_space<hbm>> -> memref<2x80xi32, #tpu.memory_space<hbm>>
    %dma_start3A_57 = arith.constant 0 : i32
    %dma_start3A_58 = arith.constant 0 : i32
    %dma_start3A_59 = tpu.memref_slice %arg6[%dma_start3A, %dma_start3A_57, %dma_start3A_58] : memref<8x2x80xi32, #tpu.memory_space<vmem>> -> memref<1x2x80xi32, #tpu.memory_space<vmem>>
    %dma_start3A_60 = tpu.memref_squeeze %dma_start3A_59 : memref<1x2x80xi32, #tpu.memory_space<vmem>> -> memref<2x80xi32, #tpu.memory_space<vmem>>
    %dma_start3A_61 = arith.constant 0 : i32
    %dma_start3A_62 = arith.constant 0 : i32
    %dma_start3A_63 = tpu.memref_slice %arg2[%add3A_48, %dma_start3A_61, %dma_start3A_62] : memref<4096x2x80xi32, #tpu.memory_space<hbm>> -> memref<1x2x80xi32, #tpu.memory_space<hbm>>
    %dma_start3A_64 = tpu.memref_squeeze %dma_start3A_63 : memref<1x2x80xi32, #tpu.memory_space<hbm>> -> memref<2x80xi32, #tpu.memory_space<hbm>>
    tpu.enqueue_dma source(%dma_start3A_64 : memref<2x80xi32, #tpu.memory_space<hbm>>) target(%dma_start3A_60 : memref<2x80xi32, #tpu.memory_space<vmem>>) target_semaphore(%arg8 : memref<!tpu.dma_semaphore, #tpu.memory_space<semaphore_mem>>)
    %add3A_65 = arith.constant 1 : i32
    %add3A_66 = arith.addi %mul3A_2, %add3A_65 : i32
    %dma_start3A_67 = arith.constant 1 : i32
    %dma_start3A_68 = arith.constant 0 : i32
    %dma_start3A_69 = arith.constant 0 : i32
    %dma_start3A_70 = tpu.memref_slice %arg6[%dma_start3A_67, %dma_start3A_68, %dma_start3A_69] : memref<8x2x80xi32, #tpu.memory_space<vmem>> -> memref<1x2x80xi32, #tpu.memory_space<vmem>>
    %dma_start3A_71 = tpu.memref_squeeze %dma_start3A_70 : memref<1x2x80xi32, #tpu.memory_space<vmem>> -> memref<2x80xi32, #tpu.memory_space<vmem>>
    %dma_start3A_72 = arith.constant 0 : i32
    %dma_start3A_73 = arith.constant 0 : i32
    %dma_start3A_74 = tpu.memref_slice %arg2[%add3A_66, %dma_start3A_72, %dma_start3A_73] : memref<4096x2x80xi32, #tpu.memory_space<hbm>> -> memref<1x2x80xi32, #tpu.memory_space<hbm>>
    %dma_start3A_75 = tpu.memref_squeeze %dma_start3A_74 : memref<1x2x80xi32, #tpu.memory_space<hbm>> -> memref<2x80xi32, #tpu.memory_space<hbm>>
    %dma_start3A_76 = arith.constant 0 : i32
    %dma_start3A_77 = arith.constant 0 : i32
    %dma_start3A_78 = tpu.memref_slice %arg6[%dma_start3A_67, %dma_start3A_76, %dma_start3A_77] : memref<8x2x80xi32, #tpu.memory_space<vmem>> -> memref<1x2x80xi32, #tpu.memory_space<vmem>>
    %dma_start3A_79 = tpu.memref_squeeze %dma_start3A_78 : memref<1x2x80xi32, #tpu.memory_space<vmem>> -> memref<2x80xi32, #tpu.memory_space<vmem>>
    %dma_start3A_80 = arith.constant 0 : i32
    %dma_start3A_81 = arith.constant 0 : i32
    %dma_start3A_82 = tpu.memref_slice %arg2[%add3A_66, %dma_start3A_80, %dma_start3A_81] : memref<4096x2x80xi32, #tpu.memory_space<hbm>> -> memref<1x2x80xi32, #tpu.memory_space<hbm>>
    %dma_start3A_83 = tpu.memref_squeeze %dma_start3A_82 : memref<1x2x80xi32, #tpu.memory_space<hbm>> -> memref<2x80xi32, #tpu.memory_space<hbm>>
    tpu.enqueue_dma source(%dma_start3A_83 : memref<2x80xi32, #tpu.memory_space<hbm>>) target(%dma_start3A_79 : memref<2x80xi32, #tpu.memory_space<vmem>>) target_semaphore(%arg9 : memref<!tpu.dma_semaphore, #tpu.memory_space<semaphore_mem>>)
    %add3A_84 = arith.constant 2 : i32
    %add3A_85 = arith.addi %mul3A_2, %add3A_84 : i32
    %dma_start3A_86 = arith.constant 2 : i32
    %dma_start3A_87 = arith.constant 0 : i32
    %dma_start3A_88 = arith.constant 0 : i32
    %dma_start3A_89 = tpu.memref_slice %arg6[%dma_start3A_86, %dma_start3A_87, %dma_start3A_88] : memref<8x2x80xi32, #tpu.memory_space<vmem>> -> memref<1x2x80xi32, #tpu.memory_space<vmem>>
    %dma_start3A_90 = tpu.memref_squeeze %dma_start3A_89 : memref<1x2x80xi32, #tpu.memory_space<vmem>> -> memref<2x80xi32, #tpu.memory_space<vmem>>
    %dma_start3A_91 = arith.constant 0 : i32
    %dma_start3A_92 = arith.constant 0 : i32
    %dma_start3A_93 = tpu.memref_slice %arg2[%add3A_85, %dma_start3A_91, %dma_start3A_92] : memref<4096x2x80xi32, #tpu.memory_space<hbm>> -> memref<1x2x80xi32, #tpu.memory_space<hbm>>
    %dma_start3A_94 = tpu.memref_squeeze %dma_start3A_93 : memref<1x2x80xi32, #tpu.memory_space<hbm>> -> memref<2x80xi32, #tpu.memory_space<hbm>>
    %dma_start3A_95 = arith.constant 0 : i32
    %dma_start3A_96 = arith.constant 0 : i32
    %dma_start3A_97 = tpu.memref_slice %arg6[%dma_start3A_86, %dma_start3A_95, %dma_start3A_96] : memref<8x2x80xi32, #tpu.memory_space<vmem>> -> memref<1x2x80xi32, #tpu.memory_space<vmem>>
    %dma_start3A_98 = tpu.memref_squeeze %dma_start3A_97 : memref<1x2x80xi32, #tpu.memory_space<vmem>> -> memref<2x80xi32, #tpu.memory_space<vmem>>
    %dma_start3A_99 = arith.constant 0 : i32
    %dma_start3A_100 = arith.constant 0 : i32
    %dma_start3A_101 = tpu.memref_slice %arg2[%add3A_85, %dma_start3A_99, %dma_start3A_100] : memref<4096x2x80xi32, #tpu.memory_space<hbm>> -> memref<1x2x80xi32, #tpu.memory_space<hbm>>
    %dma_start3A_102 = tpu.memref_squeeze %dma_start3A_101 : memref<1x2x80xi32, #tpu.memory_space<hbm>> -> memref<2x80xi32, #tpu.memory_space<hbm>>
    tpu.enqueue_dma source(%dma_start3A_102 : memref<2x80xi32, #tpu.memory_space<hbm>>) target(%dma_start3A_98 : memref<2x80xi32, #tpu.memory_space<vmem>>) target_semaphore(%arg10 : memref<!tpu.dma_semaphore, #tpu.memory_space<semaphore_mem>>)
    %add3A_103 = arith.constant 3 : i32
    %add3A_104 = arith.addi %mul3A_2, %add3A_103 : i32
    %dma_start3A_105 = arith.constant 3 : i32
    %dma_start3A_106 = arith.constant 0 : i32
    %dma_start3A_107 = arith.constant 0 : i32
    %dma_start3A_108 = tpu.memref_slice %arg6[%dma_start3A_105, %dma_start3A_106, %dma_start3A_107] : memref<8x2x80xi32, #tpu.memory_space<vmem>> -> memref<1x2x80xi32, #tpu.memory_space<vmem>>
    %dma_start3A_109 = tpu.memref_squeeze %dma_start3A_108 : memref<1x2x80xi32, #tpu.memory_space<vmem>> -> memref<2x80xi32, #tpu.memory_space<vmem>>
    %dma_start3A_110 = arith.constant 0 : i32
    %dma_start3A_111 = arith.constant 0 : i32
    %dma_start3A_112 = tpu.memref_slice %arg2[%add3A_104, %dma_start3A_110, %dma_start3A_111] : memref<4096x2x80xi32, #tpu.memory_space<hbm>> -> memref<1x2x80xi32, #tpu.memory_space<hbm>>
    %dma_start3A_113 = tpu.memref_squeeze %dma_start3A_112 : memref<1x2x80xi32, #tpu.memory_space<hbm>> -> memref<2x80xi32, #tpu.memory_space<hbm>>
    %dma_start3A_114 = arith.constant 0 : i32
    %dma_start3A_115 = arith.constant 0 : i32
    %dma_start3A_116 = tpu.memref_slice %arg6[%dma_start3A_105, %dma_start3A_114, %dma_start3A_115] : memref<8x2x80xi32, #tpu.memory_space<vmem>> -> memref<1x2x80xi32, #tpu.memory_space<vmem>>
    %dma_start3A_117 = tpu.memref_squeeze %dma_start3A_116 : memref<1x2x80xi32, #tpu.memory_space<vmem>> -> memref<2x80xi32, #tpu.memory_space<vmem>>
    %dma_start3A_118 = arith.constant 0 : i32
    %dma_start3A_119 = arith.constant 0 : i32
    %dma_start3A_120 = tpu.memref_slice %arg2[%add3A_104, %dma_start3A_118, %dma_start3A_119] : memref<4096x2x80xi32, #tpu.memory_space<hbm>> -> memref<1x2x80xi32, #tpu.memory_space<hbm>>
    %dma_start3A_121 = tpu.memref_squeeze %dma_start3A_120 : memref<1x2x80xi32, #tpu.memory_space<hbm>> -> memref<2x80xi32, #tpu.memory_space<hbm>>
    tpu.enqueue_dma source(%dma_start3A_121 : memref<2x80xi32, #tpu.memory_space<hbm>>) target(%dma_start3A_117 : memref<2x80xi32, #tpu.memory_space<vmem>>) target_semaphore(%arg11 : memref<!tpu.dma_semaphore, #tpu.memory_space<semaphore_mem>>)
    %add3A_122 = arith.constant 4 : i32
    %add3A_123 = arith.addi %mul3A_2, %add3A_122 : i32
    %dma_start3A_124 = arith.constant 4 : i32
    %dma_start3A_125 = arith.constant 0 : i32
    %dma_start3A_126 = arith.constant 0 : i32
    %dma_start3A_127 = tpu.memref_slice %arg6[%dma_start3A_124, %dma_start3A_125, %dma_start3A_126] : memref<8x2x80xi32, #tpu.memory_space<vmem>> -> memref<1x2x80xi32, #tpu.memory_space<vmem>>
    %dma_start3A_128 = tpu.memref_squeeze %dma_start3A_127 : memref<1x2x80xi32, #tpu.memory_space<vmem>> -> memref<2x80xi32, #tpu.memory_space<vmem>>
    %dma_start3A_129 = arith.constant 0 : i32
    %dma_start3A_130 = arith.constant 0 : i32
    %dma_start3A_131 = tpu.memref_slice %arg2[%add3A_123, %dma_start3A_129, %dma_start3A_130] : memref<4096x2x80xi32, #tpu.memory_space<hbm>> -> memref<1x2x80xi32, #tpu.memory_space<hbm>>
    %dma_start3A_132 = tpu.memref_squeeze %dma_start3A_131 : memref<1x2x80xi32, #tpu.memory_space<hbm>> -> memref<2x80xi32, #tpu.memory_space<hbm>>
    %dma_start3A_133 = arith.constant 0 : i32
    %dma_start3A_134 = arith.constant 0 : i32
    %dma_start3A_135 = tpu.memref_slice %arg6[%dma_start3A_124, %dma_start3A_133, %dma_start3A_134] : memref<8x2x80xi32, #tpu.memory_space<vmem>> -> memref<1x2x80xi32, #tpu.memory_space<vmem>>
    %dma_start3A_136 = tpu.memref_squeeze %dma_start3A_135 : memref<1x2x80xi32, #tpu.memory_space<vmem>> -> memref<2x80xi32, #tpu.memory_space<vmem>>
    %dma_start3A_137 = arith.constant 0 : i32
    %dma_start3A_138 = arith.constant 0 : i32
    %dma_start3A_139 = tpu.memref_slice %arg2[%add3A_123, %dma_start3A_137, %dma_start3A_138] : memref<4096x2x80xi32, #tpu.memory_space<hbm>> -> memref<1x2x80xi32, #tpu.memory_space<hbm>>
    %dma_start3A_140 = tpu.memref_squeeze %dma_start3A_139 : memref<1x2x80xi32, #tpu.memory_space<hbm>> -> memref<2x80xi32, #tpu.memory_space<hbm>>
    tpu.enqueue_dma source(%dma_start3A_140 : memref<2x80xi32, #tpu.memory_space<hbm>>) target(%dma_start3A_136 : memref<2x80xi32, #tpu.memory_space<vmem>>) target_semaphore(%arg12 : memref<!tpu.dma_semaphore, #tpu.memory_space<semaphore_mem>>)
    %add3A_141 = arith.constant 5 : i32
    %add3A_142 = arith.addi %mul3A_2, %add3A_141 : i32
    %dma_start3A_143 = arith.constant 5 : i32
    %dma_start3A_144 = arith.constant 0 : i32
    %dma_start3A_145 = arith.constant 0 : i32
    %dma_start3A_146 = tpu.memref_slice %arg6[%dma_start3A_143, %dma_start3A_144, %dma_start3A_145] : memref<8x2x80xi32, #tpu.memory_space<vmem>> -> memref<1x2x80xi32, #tpu.memory_space<vmem>>
    %dma_start3A_147 = tpu.memref_squeeze %dma_start3A_146 : memref<1x2x80xi32, #tpu.memory_space<vmem>> -> memref<2x80xi32, #tpu.memory_space<vmem>>
    %dma_start3A_148 = arith.constant 0 : i32
    %dma_start3A_149 = arith.constant 0 : i32
    %dma_start3A_150 = tpu.memref_slice %arg2[%add3A_142, %dma_start3A_148, %dma_start3A_149] : memref<4096x2x80xi32, #tpu.memory_space<hbm>> -> memref<1x2x80xi32, #tpu.memory_space<hbm>>
    %dma_start3A_151 = tpu.memref_squeeze %dma_start3A_150 : memref<1x2x80xi32, #tpu.memory_space<hbm>> -> memref<2x80xi32, #tpu.memory_space<hbm>>
    %dma_start3A_152 = arith.constant 0 : i32
    %dma_start3A_153 = arith.constant 0 : i32
    %dma_start3A_154 = tpu.memref_slice %arg6[%dma_start3A_143, %dma_start3A_152, %dma_start3A_153] : memref<8x2x80xi32, #tpu.memory_space<vmem>> -> memref<1x2x80xi32, #tpu.memory_space<vmem>>
    %dma_start3A_155 = tpu.memref_squeeze %dma_start3A_154 : memref<1x2x80xi32, #tpu.memory_space<vmem>> -> memref<2x80xi32, #tpu.memory_space<vmem>>
    %dma_start3A_156 = arith.constant 0 : i32
    %dma_start3A_157 = arith.constant 0 : i32
    %dma_start3A_158 = tpu.memref_slice %arg2[%add3A_142, %dma_start3A_156, %dma_start3A_157] : memref<4096x2x80xi32, #tpu.memory_space<hbm>> -> memref<1x2x80xi32, #tpu.memory_space<hbm>>
    %dma_start3A_159 = tpu.memref_squeeze %dma_start3A_158 : memref<1x2x80xi32, #tpu.memory_space<hbm>> -> memref<2x80xi32, #tpu.memory_space<hbm>>
    tpu.enqueue_dma source(%dma_start3A_159 : memref<2x80xi32, #tpu.memory_space<hbm>>) target(%dma_start3A_155 : memref<2x80xi32, #tpu.memory_space<vmem>>) target_semaphore(%arg13 : memref<!tpu.dma_semaphore, #tpu.memory_space<semaphore_mem>>)
    %add3A_160 = arith.constant 0 : i32
    %add3A_161 = arith.addi %mul3A_2, %add3A_160 : i32
    %dma_wait3A = arith.constant 0 : i32
    %dma_wait3A_162 = arith.constant 0 : i32
    %dma_wait3A_163 = arith.constant 0 : i32
    %dma_wait3A_164 = tpu.memref_slice %arg6[%dma_wait3A, %dma_wait3A_162, %dma_wait3A_163] : memref<8x2x80xi32, #tpu.memory_space<vmem>> -> memref<1x2x80xi32, #tpu.memory_space<vmem>>
    %dma_wait3A_165 = tpu.memref_squeeze %dma_wait3A_164 : memref<1x2x80xi32, #tpu.memory_space<vmem>> -> memref<2x80xi32, #tpu.memory_space<vmem>>
    %dma_wait3A_166 = arith.constant 0 : i32
    %dma_wait3A_167 = arith.constant 0 : i32
    %dma_wait3A_168 = tpu.memref_slice %arg2[%add3A_161, %dma_wait3A_166, %dma_wait3A_167] : memref<4096x2x80xi32, #tpu.memory_space<hbm>> -> memref<1x2x80xi32, #tpu.memory_space<hbm>>
    %dma_wait3A_169 = tpu.memref_squeeze %dma_wait3A_168 : memref<1x2x80xi32, #tpu.memory_space<hbm>> -> memref<2x80xi32, #tpu.memory_space<hbm>>
    %dma_wait3A_170 = arith.constant 0 : i32
    %dma_wait3A_171 = arith.constant 0 : i32
    %dma_wait3A_172 = tpu.memref_slice %arg6[%dma_wait3A, %dma_wait3A_170, %dma_wait3A_171] : memref<8x2x80xi32, #tpu.memory_space<vmem>> -> memref<1x2x80xi32, #tpu.memory_space<vmem>>
    %dma_wait3A_173 = tpu.memref_squeeze %dma_wait3A_172 : memref<1x2x80xi32, #tpu.memory_space<vmem>> -> memref<2x80xi32, #tpu.memory_space<vmem>>
    %dma_wait3A_174 = arith.constant 0 : i32
    %dma_wait3A_175 = arith.constant 0 : i32
    %dma_wait3A_176 = tpu.memref_slice %arg2[%add3A_161, %dma_wait3A_174, %dma_wait3A_175] : memref<4096x2x80xi32, #tpu.memory_space<hbm>> -> memref<1x2x80xi32, #tpu.memory_space<hbm>>
    %dma_wait3A_177 = tpu.memref_squeeze %dma_wait3A_176 : memref<1x2x80xi32, #tpu.memory_space<hbm>> -> memref<2x80xi32, #tpu.memory_space<hbm>>
    tpu.wait_dma2 semaphore(%arg8 : memref<!tpu.dma_semaphore, #tpu.memory_space<semaphore_mem>>) src(%dma_wait3A_177 : memref<2x80xi32, #tpu.memory_space<hbm>>) dst(%dma_wait3A_173 : memref<2x80xi32, #tpu.memory_space<vmem>>)
    %dma_start3A_178 = arith.constant 0 : i32
    %dma_start3A_179 = arith.constant 0 : i32
    %dma_start3A_180 = arith.constant 0 : i32
    %dma_start3A_181 = arith.constant 0 : i32
    %dma_start3A_182 = arith.constant 0 : i32
    %dma_start3A_183 = tpu.memref_slice %arg7[%dma_start3A_180, %dma_start3A_181, %dma_start3A_182] : memref<4x80x128xf32, #tpu.memory_space<vmem>> -> memref<1x80x128xf32, #tpu.memory_space<vmem>>
    %dma_start3A_184 = tpu.memref_squeeze %dma_start3A_183 : memref<1x80x128xf32, #tpu.memory_space<vmem>> -> memref<80x128xf32, #tpu.memory_space<vmem>>
    %dma_start3A_185 = arith.constant 0 : i32
    %dma_start3A_186 = arith.constant 0 : i32
    %dma_start3A_187 = tpu.memref_slice %arg6[%dma_start3A_178, %dma_start3A_185, %dma_start3A_186] : memref<8x2x80xi32, #tpu.memory_space<vmem>> -> memref<1x2x80xi32, #tpu.memory_space<vmem>>
    %dma_start3A_188 = tpu.memref_squeeze %dma_start3A_187 : memref<1x2x80xi32, #tpu.memory_space<vmem>> -> memref<2x80xi32, #tpu.memory_space<vmem>>
    %dma_start3A_189 = arith.constant 0 : i32
    %dma_start3A_190 = tpu.memref_slice %dma_start3A_188[%dma_start3A_179, %dma_start3A_189] : memref<2x80xi32, #tpu.memory_space<vmem>> -> memref<1x80xi32, #tpu.memory_space<vmem>>
    %dma_start3A_191 = tpu.memref_squeeze %dma_start3A_190 : memref<1x80xi32, #tpu.memory_space<vmem>> -> memref<80xi32, #tpu.memory_space<vmem>>
    %dma_start3A_192 = arith.constant 0 : i32
    %dma_start3A_193 = arith.constant 0 : i32
    %dma_start3A_194 = tpu.memref_slice %arg3[%dma_start3A_192, %dma_start3A_193] : memref<10112x128xf32, #tpu.memory_space<hbm>> -> memref<10112x128xf32, #tpu.memory_space<hbm>>
    tpu.enqueue_indirect_dma source(%dma_start3A_194 : memref<10112x128xf32, #tpu.memory_space<hbm>>) target(%dma_start3A_184 : memref<80x128xf32, #tpu.memory_space<vmem>>) offsets(%dma_start3A_191 : memref<80xi32, #tpu.memory_space<vmem>>) semaphore(%arg16 : memref<!tpu.dma_semaphore, #tpu.memory_space<semaphore_mem>>)
    %add3A_195 = arith.constant 1 : i32
    %add3A_196 = arith.addi %mul3A_2, %add3A_195 : i32
    %dma_wait3A_197 = arith.constant 1 : i32
    %dma_wait3A_198 = arith.constant 0 : i32
    %dma_wait3A_199 = arith.constant 0 : i32
    %dma_wait3A_200 = tpu.memref_slice %arg6[%dma_wait3A_197, %dma_wait3A_198, %dma_wait3A_199] : memref<8x2x80xi32, #tpu.memory_space<vmem>> -> memref<1x2x80xi32, #tpu.memory_space<vmem>>
    %dma_wait3A_201 = tpu.memref_squeeze %dma_wait3A_200 : memref<1x2x80xi32, #tpu.memory_space<vmem>> -> memref<2x80xi32, #tpu.memory_space<vmem>>
    %dma_wait3A_202 = arith.constant 0 : i32
    %dma_wait3A_203 = arith.constant 0 : i32
    %dma_wait3A_204 = tpu.memref_slice %arg2[%add3A_196, %dma_wait3A_202, %dma_wait3A_203] : memref<4096x2x80xi32, #tpu.memory_space<hbm>> -> memref<1x2x80xi32, #tpu.memory_space<hbm>>
    %dma_wait3A_205 = tpu.memref_squeeze %dma_wait3A_204 : memref<1x2x80xi32, #tpu.memory_space<hbm>> -> memref<2x80xi32, #tpu.memory_space<hbm>>
    %dma_wait3A_206 = arith.constant 0 : i32
    %dma_wait3A_207 = arith.constant 0 : i32
    %dma_wait3A_208 = tpu.memref_slice %arg6[%dma_wait3A_197, %dma_wait3A_206, %dma_wait3A_207] : memref<8x2x80xi32, #tpu.memory_space<vmem>> -> memref<1x2x80xi32, #tpu.memory_space<vmem>>
    %dma_wait3A_209 = tpu.memref_squeeze %dma_wait3A_208 : memref<1x2x80xi32, #tpu.memory_space<vmem>> -> memref<2x80xi32, #tpu.memory_space<vmem>>
    %dma_wait3A_210 = arith.constant 0 : i32
    %dma_wait3A_211 = arith.constant 0 : i32
    %dma_wait3A_212 = tpu.memref_slice %arg2[%add3A_196, %dma_wait3A_210, %dma_wait3A_211] : memref<4096x2x80xi32, #tpu.memory_space<hbm>> -> memref<1x2x80xi32, #tpu.memory_space<hbm>>
    %dma_wait3A_213 = tpu.memref_squeeze %dma_wait3A_212 : memref<1x2x80xi32, #tpu.memory_space<hbm>> -> memref<2x80xi32, #tpu.memory_space<hbm>>
    tpu.wait_dma2 semaphore(%arg9 : memref<!tpu.dma_semaphore, #tpu.memory_space<semaphore_mem>>) src(%dma_wait3A_213 : memref<2x80xi32, #tpu.memory_space<hbm>>) dst(%dma_wait3A_209 : memref<2x80xi32, #tpu.memory_space<vmem>>)
    %dma_start3A_214 = arith.constant 1 : i32
    %dma_start3A_215 = arith.constant 0 : i32
    %dma_start3A_216 = arith.constant 1 : i32
    %dma_start3A_217 = arith.constant 0 : i32
    %dma_start3A_218 = arith.constant 0 : i32
    %dma_start3A_219 = tpu.memref_slice %arg7[%dma_start3A_216, %dma_start3A_217, %dma_start3A_218] : memref<4x80x128xf32, #tpu.memory_space<vmem>> -> memref<1x80x128xf32, #tpu.memory_space<vmem>>
    %dma_start3A_220 = tpu.memref_squeeze %dma_start3A_219 : memref<1x80x128xf32, #tpu.memory_space<vmem>> -> memref<80x128xf32, #tpu.memory_space<vmem>>
    %dma_start3A_221 = arith.constant 0 : i32
    %dma_start3A_222 = arith.constant 0 : i32
    %dma_start3A_223 = tpu.memref_slice %arg6[%dma_start3A_214, %dma_start3A_221, %dma_start3A_222] : memref<8x2x80xi32, #tpu.memory_space<vmem>> -> memref<1x2x80xi32, #tpu.memory_space<vmem>>
    %dma_start3A_224 = tpu.memref_squeeze %dma_start3A_223 : memref<1x2x80xi32, #tpu.memory_space<vmem>> -> memref<2x80xi32, #tpu.memory_space<vmem>>
    %dma_start3A_225 = arith.constant 0 : i32
    %dma_start3A_226 = tpu.memref_slice %dma_start3A_224[%dma_start3A_215, %dma_start3A_225] : memref<2x80xi32, #tpu.memory_space<vmem>> -> memref<1x80xi32, #tpu.memory_space<vmem>>
    %dma_start3A_227 = tpu.memref_squeeze %dma_start3A_226 : memref<1x80xi32, #tpu.memory_space<vmem>> -> memref<80xi32, #tpu.memory_space<vmem>>
    %dma_start3A_228 = arith.constant 0 : i32
    %dma_start3A_229 = arith.constant 0 : i32
    %dma_start3A_230 = tpu.memref_slice %arg3[%dma_start3A_228, %dma_start3A_229] : memref<10112x128xf32, #tpu.memory_space<hbm>> -> memref<10112x128xf32, #tpu.memory_space<hbm>>
    tpu.enqueue_indirect_dma source(%dma_start3A_230 : memref<10112x128xf32, #tpu.memory_space<hbm>>) target(%dma_start3A_220 : memref<80x128xf32, #tpu.memory_space<vmem>>) offsets(%dma_start3A_227 : memref<80xi32, #tpu.memory_space<vmem>>) semaphore(%arg17 : memref<!tpu.dma_semaphore, #tpu.memory_space<semaphore_mem>>)
    %add3A_231 = arith.constant 2 : i32
    %add3A_232 = arith.addi %mul3A_2, %add3A_231 : i32
    %dma_wait3A_233 = arith.constant 2 : i32
    %dma_wait3A_234 = arith.constant 0 : i32
    %dma_wait3A_235 = arith.constant 0 : i32
    %dma_wait3A_236 = tpu.memref_slice %arg6[%dma_wait3A_233, %dma_wait3A_234, %dma_wait3A_235] : memref<8x2x80xi32, #tpu.memory_space<vmem>> -> memref<1x2x80xi32, #tpu.memory_space<vmem>>
    %dma_wait3A_237 = tpu.memref_squeeze %dma_wait3A_236 : memref<1x2x80xi32, #tpu.memory_space<vmem>> -> memref<2x80xi32, #tpu.memory_space<vmem>>
    %dma_wait3A_238 = arith.constant 0 : i32
    %dma_wait3A_239 = arith.constant 0 : i32
    %dma_wait3A_240 = tpu.memref_slice %arg2[%add3A_232, %dma_wait3A_238, %dma_wait3A_239] : memref<4096x2x80xi32, #tpu.memory_space<hbm>> -> memref<1x2x80xi32, #tpu.memory_space<hbm>>
    %dma_wait3A_241 = tpu.memref_squeeze %dma_wait3A_240 : memref<1x2x80xi32, #tpu.memory_space<hbm>> -> memref<2x80xi32, #tpu.memory_space<hbm>>
    %dma_wait3A_242 = arith.constant 0 : i32
    %dma_wait3A_243 = arith.constant 0 : i32
    %dma_wait3A_244 = tpu.memref_slice %arg6[%dma_wait3A_233, %dma_wait3A_242, %dma_wait3A_243] : memref<8x2x80xi32, #tpu.memory_space<vmem>> -> memref<1x2x80xi32, #tpu.memory_space<vmem>>
    %dma_wait3A_245 = tpu.memref_squeeze %dma_wait3A_244 : memref<1x2x80xi32, #tpu.memory_space<vmem>> -> memref<2x80xi32, #tpu.memory_space<vmem>>
    %dma_wait3A_246 = arith.constant 0 : i32
    %dma_wait3A_247 = arith.constant 0 : i32
    %dma_wait3A_248 = tpu.memref_slice %arg2[%add3A_232, %dma_wait3A_246, %dma_wait3A_247] : memref<4096x2x80xi32, #tpu.memory_space<hbm>> -> memref<1x2x80xi32, #tpu.memory_space<hbm>>
    %dma_wait3A_249 = tpu.memref_squeeze %dma_wait3A_248 : memref<1x2x80xi32, #tpu.memory_space<hbm>> -> memref<2x80xi32, #tpu.memory_space<hbm>>
    tpu.wait_dma2 semaphore(%arg10 : memref<!tpu.dma_semaphore, #tpu.memory_space<semaphore_mem>>) src(%dma_wait3A_249 : memref<2x80xi32, #tpu.memory_space<hbm>>) dst(%dma_wait3A_245 : memref<2x80xi32, #tpu.memory_space<vmem>>)
    %dma_start3A_250 = arith.constant 2 : i32
    %dma_start3A_251 = arith.constant 0 : i32
    %dma_start3A_252 = arith.constant 2 : i32
    %dma_start3A_253 = arith.constant 0 : i32
    %dma_start3A_254 = arith.constant 0 : i32
    %dma_start3A_255 = tpu.memref_slice %arg7[%dma_start3A_252, %dma_start3A_253, %dma_start3A_254] : memref<4x80x128xf32, #tpu.memory_space<vmem>> -> memref<1x80x128xf32, #tpu.memory_space<vmem>>
    %dma_start3A_256 = tpu.memref_squeeze %dma_start3A_255 : memref<1x80x128xf32, #tpu.memory_space<vmem>> -> memref<80x128xf32, #tpu.memory_space<vmem>>
    %dma_start3A_257 = arith.constant 0 : i32
    %dma_start3A_258 = arith.constant 0 : i32
    %dma_start3A_259 = tpu.memref_slice %arg6[%dma_start3A_250, %dma_start3A_257, %dma_start3A_258] : memref<8x2x80xi32, #tpu.memory_space<vmem>> -> memref<1x2x80xi32, #tpu.memory_space<vmem>>
    %dma_start3A_260 = tpu.memref_squeeze %dma_start3A_259 : memref<1x2x80xi32, #tpu.memory_space<vmem>> -> memref<2x80xi32, #tpu.memory_space<vmem>>
    %dma_start3A_261 = arith.constant 0 : i32
    %dma_start3A_262 = tpu.memref_slice %dma_start3A_260[%dma_start3A_251, %dma_start3A_261] : memref<2x80xi32, #tpu.memory_space<vmem>> -> memref<1x80xi32, #tpu.memory_space<vmem>>
    %dma_start3A_263 = tpu.memref_squeeze %dma_start3A_262 : memref<1x80xi32, #tpu.memory_space<vmem>> -> memref<80xi32, #tpu.memory_space<vmem>>
    %dma_start3A_264 = arith.constant 0 : i32
    %dma_start3A_265 = arith.constant 0 : i32
    %dma_start3A_266 = tpu.memref_slice %arg3[%dma_start3A_264, %dma_start3A_265] : memref<10112x128xf32, #tpu.memory_space<hbm>> -> memref<10112x128xf32, #tpu.memory_space<hbm>>
    tpu.enqueue_indirect_dma source(%dma_start3A_266 : memref<10112x128xf32, #tpu.memory_space<hbm>>) target(%dma_start3A_256 : memref<80x128xf32, #tpu.memory_space<vmem>>) offsets(%dma_start3A_263 : memref<80xi32, #tpu.memory_space<vmem>>) semaphore(%arg18 : memref<!tpu.dma_semaphore, #tpu.memory_space<semaphore_mem>>)
    %scan3A_267 = arith.constant 0 : i32
    %scan3A_268 = arith.constant 0 : i32
    %scan3A_269 = arith.constant 16 : i32
    %scan3A_270 = arith.addi %scan3A_268, %scan3A_269 : i32
    %scan3A_271 = arith.constant 1 : i32
    scf.for %scan3A_349 = %scan3A_268 to %scan3A_270 step %scan3A_271  : i32 {
      %mul3A_350 = arith.constant 8 : i32
      %mul3A_351 = arith.muli %scan3A_349, %mul3A_350 : i32
      %add3A_352 = arith.constant 0 : i32
      %add3A_353 = arith.addi %mul3A_351, %add3A_352 : i32
      %add3A_354 = arith.constant 4 : i32
      %add3A_355 = arith.addi %add3A_353, %add3A_354 : i32
      %add3A_356 = arith.constant 2 : i32
      %add3A_357 = arith.addi %add3A_355, %add3A_356 : i32
      %lt3A = arith.constant 128 : i32
      %lt3A_358 = arith.cmpi slt, %add3A_357, %lt3A : i32
      %convert_element_type3A = arith.extui %lt3A_358 : i1 to i32
      %cond3A = arith.constant 0 : i32
      %cond3A_359 = arith.cmpi ne, %convert_element_type3A, %cond3A : i32
      scf.if %cond3A_359 {
        %add3A_794 = arith.constant 4 : i32
        %add3A_795 = arith.addi %add3A_353, %add3A_794 : i32
        %add3A_796 = arith.constant 2 : i32
        %add3A_797 = arith.addi %add3A_795, %add3A_796 : i32
        %add3A_798 = arith.addi %mul3A_2, %add3A_797 : i32
        %dma_start3A_799 = arith.constant 6 : i32
        %dma_start3A_800 = arith.constant 0 : i32
        %dma_start3A_801 = arith.constant 0 : i32
        %dma_start3A_802 = tpu.memref_slice %arg6[%dma_start3A_799, %dma_start3A_800, %dma_start3A_801] : memref<8x2x80xi32, #tpu.memory_space<vmem>> -> memref<1x2x80xi32, #tpu.memory_space<vmem>>
        %dma_start3A_803 = tpu.memref_squeeze %dma_start3A_802 : memref<1x2x80xi32, #tpu.memory_space<vmem>> -> memref<2x80xi32, #tpu.memory_space<vmem>>
        %dma_start3A_804 = arith.constant 0 : i32
        %dma_start3A_805 = arith.constant 0 : i32
        %dma_start3A_806 = tpu.memref_slice %arg2[%add3A_798, %dma_start3A_804, %dma_start3A_805] : memref<4096x2x80xi32, #tpu.memory_space<hbm>> -> memref<1x2x80xi32, #tpu.memory_space<hbm>>
        %dma_start3A_807 = tpu.memref_squeeze %dma_start3A_806 : memref<1x2x80xi32, #tpu.memory_space<hbm>> -> memref<2x80xi32, #tpu.memory_space<hbm>>
        %dma_start3A_808 = arith.constant 0 : i32
        %dma_start3A_809 = arith.constant 0 : i32
        %dma_start3A_810 = tpu.memref_slice %arg6[%dma_start3A_799, %dma_start3A_808, %dma_start3A_809] : memref<8x2x80xi32, #tpu.memory_space<vmem>> -> memref<1x2x80xi32, #tpu.memory_space<vmem>>
        %dma_start3A_811 = tpu.memref_squeeze %dma_start3A_810 : memref<1x2x80xi32, #tpu.memory_space<vmem>> -> memref<2x80xi32, #tpu.memory_space<vmem>>
        %dma_start3A_812 = arith.constant 0 : i32
        %dma_start3A_813 = arith.constant 0 : i32
        %dma_start3A_814 = tpu.memref_slice %arg2[%add3A_798, %dma_start3A_812, %dma_start3A_813] : memref<4096x2x80xi32, #tpu.memory_space<hbm>> -> memref<1x2x80xi32, #tpu.memory_space<hbm>>
        %dma_start3A_815 = tpu.memref_squeeze %dma_start3A_814 : memref<1x2x80xi32, #tpu.memory_space<hbm>> -> memref<2x80xi32, #tpu.memory_space<hbm>>
        tpu.enqueue_dma source(%dma_start3A_815 : memref<2x80xi32, #tpu.memory_space<hbm>>) target(%dma_start3A_811 : memref<2x80xi32, #tpu.memory_space<vmem>>) target_semaphore(%arg14 : memref<!tpu.dma_semaphore, #tpu.memory_space<semaphore_mem>>)
      } else {
      }
      %add3A_360 = arith.constant 4 : i32
      %add3A_361 = arith.addi %add3A_353, %add3A_360 : i32
      %sub3A = arith.constant 1 : i32
      %sub3A_362 = arith.subi %add3A_361, %sub3A : i32
      %lt3A_363 = arith.constant 128 : i32
      %lt3A_364 = arith.cmpi slt, %sub3A_362, %lt3A_363 : i32
      %convert_element_type3A_365 = arith.extui %lt3A_364 : i1 to i32
      %cond3A_366 = arith.constant 0 : i32
      %cond3A_367 = arith.cmpi ne, %convert_element_type3A_365, %cond3A_366 : i32
      scf.if %cond3A_367 {
        %ge3A = arith.constant 1 : i32
        %ge3A_794 = arith.cmpi sge, %add3A_353, %ge3A : i32
        %convert_element_type3A_795 = arith.extui %ge3A_794 : i1 to i32
        %cond3A_796 = arith.constant 0 : i32
        %cond3A_797 = arith.cmpi ne, %convert_element_type3A_795, %cond3A_796 : i32
        scf.if %cond3A_797 {
          %sub3A_837 = arith.constant 1 : i32
          %sub3A_838 = arith.subi %add3A_353, %sub3A_837 : i32
          %dma_wait3A_839 = arith.constant 3 : i32
          %dma_wait3A_840 = arith.constant 3 : i32
          %dma_wait3A_841 = arith.constant 1 : i32
          %dma_wait3A_842 = arith.constant 0 : i32
          %dma_wait3A_843 = arith.constant 0 : i32
          %dma_wait3A_844 = tpu.memref_slice %arg7[%dma_wait3A_839, %dma_wait3A_842, %dma_wait3A_843] : memref<4x80x128xf32, #tpu.memory_space<vmem>> -> memref<1x80x128xf32, #tpu.memory_space<vmem>>
          %dma_wait3A_845 = tpu.memref_squeeze %dma_wait3A_844 : memref<1x80x128xf32, #tpu.memory_space<vmem>> -> memref<80x128xf32, #tpu.memory_space<vmem>>
          %dma_wait3A_846 = arith.constant 0 : i32
          %dma_wait3A_847 = arith.constant 0 : i32
          %dma_wait3A_848 = tpu.memref_slice %arg6[%dma_wait3A_840, %dma_wait3A_846, %dma_wait3A_847] : memref<8x2x80xi32, #tpu.memory_space<vmem>> -> memref<1x2x80xi32, #tpu.memory_space<vmem>>
          %dma_wait3A_849 = tpu.memref_squeeze %dma_wait3A_848 : memref<1x2x80xi32, #tpu.memory_space<vmem>> -> memref<2x80xi32, #tpu.memory_space<vmem>>
          %dma_wait3A_850 = arith.constant 0 : i32
          %dma_wait3A_851 = tpu.memref_slice %dma_wait3A_849[%dma_wait3A_841, %dma_wait3A_850] : memref<2x80xi32, #tpu.memory_space<vmem>> -> memref<1x80xi32, #tpu.memory_space<vmem>>
          %dma_wait3A_852 = tpu.memref_squeeze %dma_wait3A_851 : memref<1x80xi32, #tpu.memory_space<vmem>> -> memref<80xi32, #tpu.memory_space<vmem>>
          %dma_wait3A_853 = arith.constant 0 : i32
          %dma_wait3A_854 = arith.constant 0 : i32
          %dma_wait3A_855 = tpu.memref_slice %arg5[%dma_wait3A_853, %dma_wait3A_854] : memref<10112x128xf32, #tpu.memory_space<vmem_shared>> -> memref<10112x128xf32, #tpu.memory_space<vmem_shared>>
          tpu.wait_indirect_dma semaphore(%arg23 : memref<!tpu.dma_semaphore, #tpu.memory_space<semaphore_mem>>) src(%dma_wait3A_845 : memref<80x128xf32, #tpu.memory_space<vmem>>) dst(%dma_wait3A_855 : memref<10112x128xf32, #tpu.memory_space<vmem_shared>>)
        } else {
        }
        %add3A_798 = arith.constant 4 : i32
        %add3A_799 = arith.addi %add3A_353, %add3A_798 : i32
        %sub3A_800 = arith.constant 1 : i32
        %sub3A_801 = arith.subi %add3A_799, %sub3A_800 : i32
        %add3A_802 = arith.addi %mul3A_2, %sub3A_801 : i32
        %dma_wait3A_803 = arith.constant 3 : i32
        %dma_wait3A_804 = arith.constant 0 : i32
        %dma_wait3A_805 = arith.constant 0 : i32
        %dma_wait3A_806 = tpu.memref_slice %arg6[%dma_wait3A_803, %dma_wait3A_804, %dma_wait3A_805] : memref<8x2x80xi32, #tpu.memory_space<vmem>> -> memref<1x2x80xi32, #tpu.memory_space<vmem>>
        %dma_wait3A_807 = tpu.memref_squeeze %dma_wait3A_806 : memref<1x2x80xi32, #tpu.memory_space<vmem>> -> memref<2x80xi32, #tpu.memory_space<vmem>>
        %dma_wait3A_808 = arith.constant 0 : i32
        %dma_wait3A_809 = arith.constant 0 : i32
        %dma_wait3A_810 = tpu.memref_slice %arg2[%add3A_802, %dma_wait3A_808, %dma_wait3A_809] : memref<4096x2x80xi32, #tpu.memory_space<hbm>> -> memref<1x2x80xi32, #tpu.memory_space<hbm>>
        %dma_wait3A_811 = tpu.memref_squeeze %dma_wait3A_810 : memref<1x2x80xi32, #tpu.memory_space<hbm>> -> memref<2x80xi32, #tpu.memory_space<hbm>>
        %dma_wait3A_812 = arith.constant 0 : i32
        %dma_wait3A_813 = arith.constant 0 : i32
        %dma_wait3A_814 = tpu.memref_slice %arg6[%dma_wait3A_803, %dma_wait3A_812, %dma_wait3A_813] : memref<8x2x80xi32, #tpu.memory_space<vmem>> -> memref<1x2x80xi32, #tpu.memory_space<vmem>>
        %dma_wait3A_815 = tpu.memref_squeeze %dma_wait3A_814 : memref<1x2x80xi32, #tpu.memory_space<vmem>> -> memref<2x80xi32, #tpu.memory_space<vmem>>
        %dma_wait3A_816 = arith.constant 0 : i32
        %dma_wait3A_817 = arith.constant 0 : i32
        %dma_wait3A_818 = tpu.memref_slice %arg2[%add3A_802, %dma_wait3A_816, %dma_wait3A_817] : memref<4096x2x80xi32, #tpu.memory_space<hbm>> -> memref<1x2x80xi32, #tpu.memory_space<hbm>>
        %dma_wait3A_819 = tpu.memref_squeeze %dma_wait3A_818 : memref<1x2x80xi32, #tpu.memory_space<hbm>> -> memref<2x80xi32, #tpu.memory_space<hbm>>
        tpu.wait_dma2 semaphore(%arg11 : memref<!tpu.dma_semaphore, #tpu.memory_space<semaphore_mem>>) src(%dma_wait3A_819 : memref<2x80xi32, #tpu.memory_space<hbm>>) dst(%dma_wait3A_815 : memref<2x80xi32, #tpu.memory_space<vmem>>)
        %dma_start3A_820 = arith.constant 3 : i32
        %dma_start3A_821 = arith.constant 0 : i32
        %dma_start3A_822 = arith.constant 3 : i32
        %dma_start3A_823 = arith.constant 0 : i32
        %dma_start3A_824 = arith.constant 0 : i32
        %dma_start3A_825 = tpu.memref_slice %arg7[%dma_start3A_822, %dma_start3A_823, %dma_start3A_824] : memref<4x80x128xf32, #tpu.memory_space<vmem>> -> memref<1x80x128xf32, #tpu.memory_space<vmem>>
        %dma_start3A_826 = tpu.memref_squeeze %dma_start3A_825 : memref<1x80x128xf32, #tpu.memory_space<vmem>> -> memref<80x128xf32, #tpu.memory_space<vmem>>
        %dma_start3A_827 = arith.constant 0 : i32
        %dma_start3A_828 = arith.constant 0 : i32
        %dma_start3A_829 = tpu.memref_slice %arg6[%dma_start3A_820, %dma_start3A_827, %dma_start3A_828] : memref<8x2x80xi32, #tpu.memory_space<vmem>> -> memref<1x2x80xi32, #tpu.memory_space<vmem>>
        %dma_start3A_830 = tpu.memref_squeeze %dma_start3A_829 : memref<1x2x80xi32, #tpu.memory_space<vmem>> -> memref<2x80xi32, #tpu.memory_space<vmem>>
        %dma_start3A_831 = arith.constant 0 : i32
        %dma_start3A_832 = tpu.memref_slice %dma_start3A_830[%dma_start3A_821, %dma_start3A_831] : memref<2x80xi32, #tpu.memory_space<vmem>> -> memref<1x80xi32, #tpu.memory_space<vmem>>
        %dma_start3A_833 = tpu.memref_squeeze %dma_start3A_832 : memref<1x80xi32, #tpu.memory_space<vmem>> -> memref<80xi32, #tpu.memory_space<vmem>>
        %dma_start3A_834 = arith.constant 0 : i32
        %dma_start3A_835 = arith.constant 0 : i32
        %dma_start3A_836 = tpu.memref_slice %arg3[%dma_start3A_834, %dma_start3A_835] : memref<10112x128xf32, #tpu.memory_space<hbm>> -> memref<10112x128xf32, #tpu.memory_space<hbm>>
        tpu.enqueue_indirect_dma source(%dma_start3A_836 : memref<10112x128xf32, #tpu.memory_space<hbm>>) target(%dma_start3A_826 : memref<80x128xf32, #tpu.memory_space<vmem>>) offsets(%dma_start3A_833 : memref<80xi32, #tpu.memory_space<vmem>>) semaphore(%arg19 : memref<!tpu.dma_semaphore, #tpu.memory_space<semaphore_mem>>)
      } else {
      }
      %dma_wait3A_368 = arith.constant 0 : i32
      %dma_wait3A_369 = arith.constant 0 : i32
      %dma_wait3A_370 = arith.constant 0 : i32
      %dma_wait3A_371 = arith.constant 0 : i32
      %dma_wait3A_372 = arith.constant 0 : i32
      %dma_wait3A_373 = tpu.memref_slice %arg7[%dma_wait3A_370, %dma_wait3A_371, %dma_wait3A_372] : memref<4x80x128xf32, #tpu.memory_space<vmem>> -> memref<1x80x128xf32, #tpu.memory_space<vmem>>
      %dma_wait3A_374 = tpu.memref_squeeze %dma_wait3A_373 : memref<1x80x128xf32, #tpu.memory_space<vmem>> -> memref<80x128xf32, #tpu.memory_space<vmem>>
      %dma_wait3A_375 = arith.constant 0 : i32
      %dma_wait3A_376 = arith.constant 0 : i32
      %dma_wait3A_377 = tpu.memref_slice %arg6[%dma_wait3A_368, %dma_wait3A_375, %dma_wait3A_376] : memref<8x2x80xi32, #tpu.memory_space<vmem>> -> memref<1x2x80xi32, #tpu.memory_space<vmem>>
      %dma_wait3A_378 = tpu.memref_squeeze %dma_wait3A_377 : memref<1x2x80xi32, #tpu.memory_space<vmem>> -> memref<2x80xi32, #tpu.memory_space<vmem>>
      %dma_wait3A_379 = arith.constant 0 : i32
      %dma_wait3A_380 = tpu.memref_slice %dma_wait3A_378[%dma_wait3A_369, %dma_wait3A_379] : memref<2x80xi32, #tpu.memory_space<vmem>> -> memref<1x80xi32, #tpu.memory_space<vmem>>
      %dma_wait3A_381 = tpu.memref_squeeze %dma_wait3A_380 : memref<1x80xi32, #tpu.memory_space<vmem>> -> memref<80xi32, #tpu.memory_space<vmem>>
      %dma_wait3A_382 = arith.constant 0 : i32
      %dma_wait3A_383 = arith.constant 0 : i32
      %dma_wait3A_384 = tpu.memref_slice %arg3[%dma_wait3A_382, %dma_wait3A_383] : memref<10112x128xf32, #tpu.memory_space<hbm>> -> memref<10112x128xf32, #tpu.memory_space<hbm>>
      tpu.wait_indirect_dma semaphore(%arg16 : memref<!tpu.dma_semaphore, #tpu.memory_space<semaphore_mem>>) src(%dma_wait3A_384 : memref<10112x128xf32, #tpu.memory_space<hbm>>) dst(%dma_wait3A_374 : memref<80x128xf32, #tpu.memory_space<vmem>>)
      %dma_start3A_385 = arith.constant 0 : i32
      %dma_start3A_386 = arith.constant 0 : i32
      %dma_start3A_387 = arith.constant 1 : i32
      %dma_start3A_388 = arith.constant 0 : i32
      %dma_start3A_389 = arith.constant 0 : i32
      %dma_start3A_390 = tpu.memref_slice %arg7[%dma_start3A_385, %dma_start3A_388, %dma_start3A_389] : memref<4x80x128xf32, #tpu.memory_space<vmem>> -> memref<1x80x128xf32, #tpu.memory_space<vmem>>
      %dma_start3A_391 = tpu.memref_squeeze %dma_start3A_390 : memref<1x80x128xf32, #tpu.memory_space<vmem>> -> memref<80x128xf32, #tpu.memory_space<vmem>>
      %dma_start3A_392 = arith.constant 0 : i32
      %dma_start3A_393 = arith.constant 0 : i32
      %dma_start3A_394 = tpu.memref_slice %arg6[%dma_start3A_386, %dma_start3A_392, %dma_start3A_393] : memref<8x2x80xi32, #tpu.memory_space<vmem>> -> memref<1x2x80xi32, #tpu.memory_space<vmem>>
      %dma_start3A_395 = tpu.memref_squeeze %dma_start3A_394 : memref<1x2x80xi32, #tpu.memory_space<vmem>> -> memref<2x80xi32, #tpu.memory_space<vmem>>
      %dma_start3A_396 = arith.constant 0 : i32
      %dma_start3A_397 = tpu.memref_slice %dma_start3A_395[%dma_start3A_387, %dma_start3A_396] : memref<2x80xi32, #tpu.memory_space<vmem>> -> memref<1x80xi32, #tpu.memory_space<vmem>>
      %dma_start3A_398 = tpu.memref_squeeze %dma_start3A_397 : memref<1x80xi32, #tpu.memory_space<vmem>> -> memref<80xi32, #tpu.memory_space<vmem>>
      %dma_start3A_399 = arith.constant 0 : i32
      %dma_start3A_400 = arith.constant 0 : i32
      %dma_start3A_401 = tpu.memref_slice %arg5[%dma_start3A_399, %dma_start3A_400] : memref<10112x128xf32, #tpu.memory_space<vmem_shared>> -> memref<10112x128xf32, #tpu.memory_space<vmem_shared>>
      tpu.enqueue_indirect_dma source(%dma_start3A_391 : memref<80x128xf32, #tpu.memory_space<vmem>>) target(%dma_start3A_401 : memref<10112x128xf32, #tpu.memory_space<vmem_shared>>) offsets(%dma_start3A_398 : memref<80xi32, #tpu.memory_space<vmem>>) semaphore(%arg20 : memref<!tpu.dma_semaphore, #tpu.memory_space<semaphore_mem>>) {add = true}
      %mul3A_402 = arith.constant 8 : i32
      %mul3A_403 = arith.muli %scan3A_349, %mul3A_402 : i32
      %add3A_404 = arith.constant 1 : i32
      %add3A_405 = arith.addi %mul3A_403, %add3A_404 : i32
      %add3A_406 = arith.constant 4 : i32
      %add3A_407 = arith.addi %add3A_405, %add3A_406 : i32
      %add3A_408 = arith.constant 2 : i32
      %add3A_409 = arith.addi %add3A_407, %add3A_408 : i32
      %lt3A_410 = arith.constant 128 : i32
      %lt3A_411 = arith.cmpi slt, %add3A_409, %lt3A_410 : i32
      %convert_element_type3A_412 = arith.extui %lt3A_411 : i1 to i32
      %cond3A_413 = arith.constant 0 : i32
      %cond3A_414 = arith.cmpi ne, %convert_element_type3A_412, %cond3A_413 : i32
      scf.if %cond3A_414 {
        %add3A_794 = arith.constant 4 : i32
        %add3A_795 = arith.addi %add3A_405, %add3A_794 : i32
        %add3A_796 = arith.constant 2 : i32
        %add3A_797 = arith.addi %add3A_795, %add3A_796 : i32
        %add3A_798 = arith.addi %mul3A_2, %add3A_797 : i32
        %dma_start3A_799 = arith.constant 7 : i32
        %dma_start3A_800 = arith.constant 0 : i32
        %dma_start3A_801 = arith.constant 0 : i32
        %dma_start3A_802 = tpu.memref_slice %arg6[%dma_start3A_799, %dma_start3A_800, %dma_start3A_801] : memref<8x2x80xi32, #tpu.memory_space<vmem>> -> memref<1x2x80xi32, #tpu.memory_space<vmem>>
        %dma_start3A_803 = tpu.memref_squeeze %dma_start3A_802 : memref<1x2x80xi32, #tpu.memory_space<vmem>> -> memref<2x80xi32, #tpu.memory_space<vmem>>
        %dma_start3A_804 = arith.constant 0 : i32
        %dma_start3A_805 = arith.constant 0 : i32
        %dma_start3A_806 = tpu.memref_slice %arg2[%add3A_798, %dma_start3A_804, %dma_start3A_805] : memref<4096x2x80xi32, #tpu.memory_space<hbm>> -> memref<1x2x80xi32, #tpu.memory_space<hbm>>
        %dma_start3A_807 = tpu.memref_squeeze %dma_start3A_806 : memref<1x2x80xi32, #tpu.memory_space<hbm>> -> memref<2x80xi32, #tpu.memory_space<hbm>>
        %dma_start3A_808 = arith.constant 0 : i32
        %dma_start3A_809 = arith.constant 0 : i32
        %dma_start3A_810 = tpu.memref_slice %arg6[%dma_start3A_799, %dma_start3A_808, %dma_start3A_809] : memref<8x2x80xi32, #tpu.memory_space<vmem>> -> memref<1x2x80xi32, #tpu.memory_space<vmem>>
        %dma_start3A_811 = tpu.memref_squeeze %dma_start3A_810 : memref<1x2x80xi32, #tpu.memory_space<vmem>> -> memref<2x80xi32, #tpu.memory_space<vmem>>
        %dma_start3A_812 = arith.constant 0 : i32
        %dma_start3A_813 = arith.constant 0 : i32
        %dma_start3A_814 = tpu.memref_slice %arg2[%add3A_798, %dma_start3A_812, %dma_start3A_813] : memref<4096x2x80xi32, #tpu.memory_space<hbm>> -> memref<1x2x80xi32, #tpu.memory_space<hbm>>
        %dma_start3A_815 = tpu.memref_squeeze %dma_start3A_814 : memref<1x2x80xi32, #tpu.memory_space<hbm>> -> memref<2x80xi32, #tpu.memory_space<hbm>>
        tpu.enqueue_dma source(%dma_start3A_815 : memref<2x80xi32, #tpu.memory_space<hbm>>) target(%dma_start3A_811 : memref<2x80xi32, #tpu.memory_space<vmem>>) target_semaphore(%arg15 : memref<!tpu.dma_semaphore, #tpu.memory_space<semaphore_mem>>)
      } else {
      }
      %add3A_415 = arith.constant 4 : i32
      %add3A_416 = arith.addi %add3A_405, %add3A_415 : i32
      %sub3A_417 = arith.constant 1 : i32
      %sub3A_418 = arith.subi %add3A_416, %sub3A_417 : i32
      %lt3A_419 = arith.constant 128 : i32
      %lt3A_420 = arith.cmpi slt, %sub3A_418, %lt3A_419 : i32
      %convert_element_type3A_421 = arith.extui %lt3A_420 : i1 to i32
      %cond3A_422 = arith.constant 0 : i32
      %cond3A_423 = arith.cmpi ne, %convert_element_type3A_421, %cond3A_422 : i32
      scf.if %cond3A_423 {
        %ge3A = arith.constant 1 : i32
        %ge3A_794 = arith.cmpi sge, %add3A_405, %ge3A : i32
        %convert_element_type3A_795 = arith.extui %ge3A_794 : i1 to i32
        %cond3A_796 = arith.constant 0 : i32
        %cond3A_797 = arith.cmpi ne, %convert_element_type3A_795, %cond3A_796 : i32
        scf.if %cond3A_797 {
          %sub3A_837 = arith.constant 1 : i32
          %sub3A_838 = arith.subi %add3A_405, %sub3A_837 : i32
          %dma_wait3A_839 = arith.constant 0 : i32
          %dma_wait3A_840 = arith.constant 4 : i32
          %dma_wait3A_841 = arith.constant 1 : i32
          %dma_wait3A_842 = arith.constant 0 : i32
          %dma_wait3A_843 = arith.constant 0 : i32
          %dma_wait3A_844 = tpu.memref_slice %arg7[%dma_wait3A_839, %dma_wait3A_842, %dma_wait3A_843] : memref<4x80x128xf32, #tpu.memory_space<vmem>> -> memref<1x80x128xf32, #tpu.memory_space<vmem>>
          %dma_wait3A_845 = tpu.memref_squeeze %dma_wait3A_844 : memref<1x80x128xf32, #tpu.memory_space<vmem>> -> memref<80x128xf32, #tpu.memory_space<vmem>>
          %dma_wait3A_846 = arith.constant 0 : i32
          %dma_wait3A_847 = arith.constant 0 : i32
          %dma_wait3A_848 = tpu.memref_slice %arg6[%dma_wait3A_840, %dma_wait3A_846, %dma_wait3A_847] : memref<8x2x80xi32, #tpu.memory_space<vmem>> -> memref<1x2x80xi32, #tpu.memory_space<vmem>>
          %dma_wait3A_849 = tpu.memref_squeeze %dma_wait3A_848 : memref<1x2x80xi32, #tpu.memory_space<vmem>> -> memref<2x80xi32, #tpu.memory_space<vmem>>
          %dma_wait3A_850 = arith.constant 0 : i32
          %dma_wait3A_851 = tpu.memref_slice %dma_wait3A_849[%dma_wait3A_841, %dma_wait3A_850] : memref<2x80xi32, #tpu.memory_space<vmem>> -> memref<1x80xi32, #tpu.memory_space<vmem>>
          %dma_wait3A_852 = tpu.memref_squeeze %dma_wait3A_851 : memref<1x80xi32, #tpu.memory_space<vmem>> -> memref<80xi32, #tpu.memory_space<vmem>>
          %dma_wait3A_853 = arith.constant 0 : i32
          %dma_wait3A_854 = arith.constant 0 : i32
          %dma_wait3A_855 = tpu.memref_slice %arg5[%dma_wait3A_853, %dma_wait3A_854] : memref<10112x128xf32, #tpu.memory_space<vmem_shared>> -> memref<10112x128xf32, #tpu.memory_space<vmem_shared>>
          tpu.wait_indirect_dma semaphore(%arg20 : memref<!tpu.dma_semaphore, #tpu.memory_space<semaphore_mem>>) src(%dma_wait3A_845 : memref<80x128xf32, #tpu.memory_space<vmem>>) dst(%dma_wait3A_855 : memref<10112x128xf32, #tpu.memory_space<vmem_shared>>)
        } else {
        }
        %add3A_798 = arith.constant 4 : i32
        %add3A_799 = arith.addi %add3A_405, %add3A_798 : i32
        %sub3A_800 = arith.constant 1 : i32
        %sub3A_801 = arith.subi %add3A_799, %sub3A_800 : i32
        %add3A_802 = arith.addi %mul3A_2, %sub3A_801 : i32
        %dma_wait3A_803 = arith.constant 4 : i32
        %dma_wait3A_804 = arith.constant 0 : i32
        %dma_wait3A_805 = arith.constant 0 : i32
        %dma_wait3A_806 = tpu.memref_slice %arg6[%dma_wait3A_803, %dma_wait3A_804, %dma_wait3A_805] : memref<8x2x80xi32, #tpu.memory_space<vmem>> -> memref<1x2x80xi32, #tpu.memory_space<vmem>>
        %dma_wait3A_807 = tpu.memref_squeeze %dma_wait3A_806 : memref<1x2x80xi32, #tpu.memory_space<vmem>> -> memref<2x80xi32, #tpu.memory_space<vmem>>
        %dma_wait3A_808 = arith.constant 0 : i32
        %dma_wait3A_809 = arith.constant 0 : i32
        %dma_wait3A_810 = tpu.memref_slice %arg2[%add3A_802, %dma_wait3A_808, %dma_wait3A_809] : memref<4096x2x80xi32, #tpu.memory_space<hbm>> -> memref<1x2x80xi32, #tpu.memory_space<hbm>>
        %dma_wait3A_811 = tpu.memref_squeeze %dma_wait3A_810 : memref<1x2x80xi32, #tpu.memory_space<hbm>> -> memref<2x80xi32, #tpu.memory_space<hbm>>
        %dma_wait3A_812 = arith.constant 0 : i32
        %dma_wait3A_813 = arith.constant 0 : i32
        %dma_wait3A_814 = tpu.memref_slice %arg6[%dma_wait3A_803, %dma_wait3A_812, %dma_wait3A_813] : memref<8x2x80xi32, #tpu.memory_space<vmem>> -> memref<1x2x80xi32, #tpu.memory_space<vmem>>
        %dma_wait3A_815 = tpu.memref_squeeze %dma_wait3A_814 : memref<1x2x80xi32, #tpu.memory_space<vmem>> -> memref<2x80xi32, #tpu.memory_space<vmem>>
        %dma_wait3A_816 = arith.constant 0 : i32
        %dma_wait3A_817 = arith.constant 0 : i32
        %dma_wait3A_818 = tpu.memref_slice %arg2[%add3A_802, %dma_wait3A_816, %dma_wait3A_817] : memref<4096x2x80xi32, #tpu.memory_space<hbm>> -> memref<1x2x80xi32, #tpu.memory_space<hbm>>
        %dma_wait3A_819 = tpu.memref_squeeze %dma_wait3A_818 : memref<1x2x80xi32, #tpu.memory_space<hbm>> -> memref<2x80xi32, #tpu.memory_space<hbm>>
        tpu.wait_dma2 semaphore(%arg12 : memref<!tpu.dma_semaphore, #tpu.memory_space<semaphore_mem>>) src(%dma_wait3A_819 : memref<2x80xi32, #tpu.memory_space<hbm>>) dst(%dma_wait3A_815 : memref<2x80xi32, #tpu.memory_space<vmem>>)
        %dma_start3A_820 = arith.constant 4 : i32
        %dma_start3A_821 = arith.constant 0 : i32
        %dma_start3A_822 = arith.constant 0 : i32
        %dma_start3A_823 = arith.constant 0 : i32
        %dma_start3A_824 = arith.constant 0 : i32
        %dma_start3A_825 = tpu.memref_slice %arg7[%dma_start3A_822, %dma_start3A_823, %dma_start3A_824] : memref<4x80x128xf32, #tpu.memory_space<vmem>> -> memref<1x80x128xf32, #tpu.memory_space<vmem>>
        %dma_start3A_826 = tpu.memref_squeeze %dma_start3A_825 : memref<1x80x128xf32, #tpu.memory_space<vmem>> -> memref<80x128xf32, #tpu.memory_space<vmem>>
        %dma_start3A_827 = arith.constant 0 : i32
        %dma_start3A_828 = arith.constant 0 : i32
        %dma_start3A_829 = tpu.memref_slice %arg6[%dma_start3A_820, %dma_start3A_827, %dma_start3A_828] : memref<8x2x80xi32, #tpu.memory_space<vmem>> -> memref<1x2x80xi32, #tpu.memory_space<vmem>>
        %dma_start3A_830 = tpu.memref_squeeze %dma_start3A_829 : memref<1x2x80xi32, #tpu.memory_space<vmem>> -> memref<2x80xi32, #tpu.memory_space<vmem>>
        %dma_start3A_831 = arith.constant 0 : i32
        %dma_start3A_832 = tpu.memref_slice %dma_start3A_830[%dma_start3A_821, %dma_start3A_831] : memref<2x80xi32, #tpu.memory_space<vmem>> -> memref<1x80xi32, #tpu.memory_space<vmem>>
        %dma_start3A_833 = tpu.memref_squeeze %dma_start3A_832 : memref<1x80xi32, #tpu.memory_space<vmem>> -> memref<80xi32, #tpu.memory_space<vmem>>
        %dma_start3A_834 = arith.constant 0 : i32
        %dma_start3A_835 = arith.constant 0 : i32
        %dma_start3A_836 = tpu.memref_slice %arg3[%dma_start3A_834, %dma_start3A_835] : memref<10112x128xf32, #tpu.memory_space<hbm>> -> memref<10112x128xf32, #tpu.memory_space<hbm>>
        tpu.enqueue_indirect_dma source(%dma_start3A_836 : memref<10112x128xf32, #tpu.memory_space<hbm>>) target(%dma_start3A_826 : memref<80x128xf32, #tpu.memory_space<vmem>>) offsets(%dma_start3A_833 : memref<80xi32, #tpu.memory_space<vmem>>) semaphore(%arg16 : memref<!tpu.dma_semaphore, #tpu.memory_space<semaphore_mem>>)
      } else {
      }
      %dma_wait3A_424 = arith.constant 1 : i32
      %dma_wait3A_425 = arith.constant 0 : i32
      %dma_wait3A_426 = arith.constant 1 : i32
      %dma_wait3A_427 = arith.constant 0 : i32
      %dma_wait3A_428 = arith.constant 0 : i32
      %dma_wait3A_429 = tpu.memref_slice %arg7[%dma_wait3A_426, %dma_wait3A_427, %dma_wait3A_428] : memref<4x80x128xf32, #tpu.memory_space<vmem>> -> memref<1x80x128xf32, #tpu.memory_space<vmem>>
      %dma_wait3A_430 = tpu.memref_squeeze %dma_wait3A_429 : memref<1x80x128xf32, #tpu.memory_space<vmem>> -> memref<80x128xf32, #tpu.memory_space<vmem>>
      %dma_wait3A_431 = arith.constant 0 : i32
      %dma_wait3A_432 = arith.constant 0 : i32
      %dma_wait3A_433 = tpu.memref_slice %arg6[%dma_wait3A_424, %dma_wait3A_431, %dma_wait3A_432] : memref<8x2x80xi32, #tpu.memory_space<vmem>> -> memref<1x2x80xi32, #tpu.memory_space<vmem>>
      %dma_wait3A_434 = tpu.memref_squeeze %dma_wait3A_433 : memref<1x2x80xi32, #tpu.memory_space<vmem>> -> memref<2x80xi32, #tpu.memory_space<vmem>>
      %dma_wait3A_435 = arith.constant 0 : i32
      %dma_wait3A_436 = tpu.memref_slice %dma_wait3A_434[%dma_wait3A_425, %dma_wait3A_435] : memref<2x80xi32, #tpu.memory_space<vmem>> -> memref<1x80xi32, #tpu.memory_space<vmem>>
      %dma_wait3A_437 = tpu.memref_squeeze %dma_wait3A_436 : memref<1x80xi32, #tpu.memory_space<vmem>> -> memref<80xi32, #tpu.memory_space<vmem>>
      %dma_wait3A_438 = arith.constant 0 : i32
      %dma_wait3A_439 = arith.constant 0 : i32
      %dma_wait3A_440 = tpu.memref_slice %arg3[%dma_wait3A_438, %dma_wait3A_439] : memref<10112x128xf32, #tpu.memory_space<hbm>> -> memref<10112x128xf32, #tpu.memory_space<hbm>>
      tpu.wait_indirect_dma semaphore(%arg17 : memref<!tpu.dma_semaphore, #tpu.memory_space<semaphore_mem>>) src(%dma_wait3A_440 : memref<10112x128xf32, #tpu.memory_space<hbm>>) dst(%dma_wait3A_430 : memref<80x128xf32, #tpu.memory_space<vmem>>)
      %dma_start3A_441 = arith.constant 1 : i32
      %dma_start3A_442 = arith.constant 1 : i32
      %dma_start3A_443 = arith.constant 1 : i32
      %dma_start3A_444 = arith.constant 0 : i32
      %dma_start3A_445 = arith.constant 0 : i32
      %dma_start3A_446 = tpu.memref_slice %arg7[%dma_start3A_441, %dma_start3A_444, %dma_start3A_445] : memref<4x80x128xf32, #tpu.memory_space<vmem>> -> memref<1x80x128xf32, #tpu.memory_space<vmem>>
      %dma_start3A_447 = tpu.memref_squeeze %dma_start3A_446 : memref<1x80x128xf32, #tpu.memory_space<vmem>> -> memref<80x128xf32, #tpu.memory_space<vmem>>
      %dma_start3A_448 = arith.constant 0 : i32
      %dma_start3A_449 = arith.constant 0 : i32
      %dma_start3A_450 = tpu.memref_slice %arg6[%dma_start3A_442, %dma_start3A_448, %dma_start3A_449] : memref<8x2x80xi32, #tpu.memory_space<vmem>> -> memref<1x2x80xi32, #tpu.memory_space<vmem>>
      %dma_start3A_451 = tpu.memref_squeeze %dma_start3A_450 : memref<1x2x80xi32, #tpu.memory_space<vmem>> -> memref<2x80xi32, #tpu.memory_space<vmem>>
      %dma_start3A_452 = arith.constant 0 : i32
      %dma_start3A_453 = tpu.memref_slice %dma_start3A_451[%dma_start3A_443, %dma_start3A_452] : memref<2x80xi32, #tpu.memory_space<vmem>> -> memref<1x80xi32, #tpu.memory_space<vmem>>
      %dma_start3A_454 = tpu.memref_squeeze %dma_start3A_453 : memref<1x80xi32, #tpu.memory_space<vmem>> -> memref<80xi32, #tpu.memory_space<vmem>>
      %dma_start3A_455 = arith.constant 0 : i32
      %dma_start3A_456 = arith.constant 0 : i32
      %dma_start3A_457 = tpu.memref_slice %arg5[%dma_start3A_455, %dma_start3A_456] : memref<10112x128xf32, #tpu.memory_space<vmem_shared>> -> memref<10112x128xf32, #tpu.memory_space<vmem_shared>>
      tpu.enqueue_indirect_dma source(%dma_start3A_447 : memref<80x128xf32, #tpu.memory_space<vmem>>) target(%dma_start3A_457 : memref<10112x128xf32, #tpu.memory_space<vmem_shared>>) offsets(%dma_start3A_454 : memref<80xi32, #tpu.memory_space<vmem>>) semaphore(%arg21 : memref<!tpu.dma_semaphore, #tpu.memory_space<semaphore_mem>>) {add = true}
      %mul3A_458 = arith.constant 8 : i32
      %mul3A_459 = arith.muli %scan3A_349, %mul3A_458 : i32
      %add3A_460 = arith.constant 2 : i32
      %add3A_461 = arith.addi %mul3A_459, %add3A_460 : i32
      %add3A_462 = arith.constant 4 : i32
      %add3A_463 = arith.addi %add3A_461, %add3A_462 : i32
      %add3A_464 = arith.constant 2 : i32
      %add3A_465 = arith.addi %add3A_463, %add3A_464 : i32
      %lt3A_466 = arith.constant 128 : i32
      %lt3A_467 = arith.cmpi slt, %add3A_465, %lt3A_466 : i32
      %convert_element_type3A_468 = arith.extui %lt3A_467 : i1 to i32
      %cond3A_469 = arith.constant 0 : i32
      %cond3A_470 = arith.cmpi ne, %convert_element_type3A_468, %cond3A_469 : i32
      scf.if %cond3A_470 {
        %add3A_794 = arith.constant 4 : i32
        %add3A_795 = arith.addi %add3A_461, %add3A_794 : i32
        %add3A_796 = arith.constant 2 : i32
        %add3A_797 = arith.addi %add3A_795, %add3A_796 : i32
        %add3A_798 = arith.addi %mul3A_2, %add3A_797 : i32
        %dma_start3A_799 = arith.constant 0 : i32
        %dma_start3A_800 = arith.constant 0 : i32
        %dma_start3A_801 = arith.constant 0 : i32
        %dma_start3A_802 = tpu.memref_slice %arg6[%dma_start3A_799, %dma_start3A_800, %dma_start3A_801] : memref<8x2x80xi32, #tpu.memory_space<vmem>> -> memref<1x2x80xi32, #tpu.memory_space<vmem>>
        %dma_start3A_803 = tpu.memref_squeeze %dma_start3A_802 : memref<1x2x80xi32, #tpu.memory_space<vmem>> -> memref<2x80xi32, #tpu.memory_space<vmem>>
        %dma_start3A_804 = arith.constant 0 : i32
        %dma_start3A_805 = arith.constant 0 : i32
        %dma_start3A_806 = tpu.memref_slice %arg2[%add3A_798, %dma_start3A_804, %dma_start3A_805] : memref<4096x2x80xi32, #tpu.memory_space<hbm>> -> memref<1x2x80xi32, #tpu.memory_space<hbm>>
        %dma_start3A_807 = tpu.memref_squeeze %dma_start3A_806 : memref<1x2x80xi32, #tpu.memory_space<hbm>> -> memref<2x80xi32, #tpu.memory_space<hbm>>
        %dma_start3A_808 = arith.constant 0 : i32
        %dma_start3A_809 = arith.constant 0 : i32
        %dma_start3A_810 = tpu.memref_slice %arg6[%dma_start3A_799, %dma_start3A_808, %dma_start3A_809] : memref<8x2x80xi32, #tpu.memory_space<vmem>> -> memref<1x2x80xi32, #tpu.memory_space<vmem>>
        %dma_start3A_811 = tpu.memref_squeeze %dma_start3A_810 : memref<1x2x80xi32, #tpu.memory_space<vmem>> -> memref<2x80xi32, #tpu.memory_space<vmem>>
        %dma_start3A_812 = arith.constant 0 : i32
        %dma_start3A_813 = arith.constant 0 : i32
        %dma_start3A_814 = tpu.memref_slice %arg2[%add3A_798, %dma_start3A_812, %dma_start3A_813] : memref<4096x2x80xi32, #tpu.memory_space<hbm>> -> memref<1x2x80xi32, #tpu.memory_space<hbm>>
        %dma_start3A_815 = tpu.memref_squeeze %dma_start3A_814 : memref<1x2x80xi32, #tpu.memory_space<hbm>> -> memref<2x80xi32, #tpu.memory_space<hbm>>
        tpu.enqueue_dma source(%dma_start3A_815 : memref<2x80xi32, #tpu.memory_space<hbm>>) target(%dma_start3A_811 : memref<2x80xi32, #tpu.memory_space<vmem>>) target_semaphore(%arg8 : memref<!tpu.dma_semaphore, #tpu.memory_space<semaphore_mem>>)
      } else {
      }
      %add3A_471 = arith.constant 4 : i32
      %add3A_472 = arith.addi %add3A_461, %add3A_471 : i32
      %sub3A_473 = arith.constant 1 : i32
      %sub3A_474 = arith.subi %add3A_472, %sub3A_473 : i32
      %lt3A_475 = arith.constant 128 : i32
      %lt3A_476 = arith.cmpi slt, %sub3A_474, %lt3A_475 : i32
      %convert_element_type3A_477 = arith.extui %lt3A_476 : i1 to i32
      %cond3A_478 = arith.constant 0 : i32
      %cond3A_479 = arith.cmpi ne, %convert_element_type3A_477, %cond3A_478 : i32
      scf.if %cond3A_479 {
        %ge3A = arith.constant 1 : i32
        %ge3A_794 = arith.cmpi sge, %add3A_461, %ge3A : i32
        %convert_element_type3A_795 = arith.extui %ge3A_794 : i1 to i32
        %cond3A_796 = arith.constant 0 : i32
        %cond3A_797 = arith.cmpi ne, %convert_element_type3A_795, %cond3A_796 : i32
        scf.if %cond3A_797 {
          %sub3A_837 = arith.constant 1 : i32
          %sub3A_838 = arith.subi %add3A_461, %sub3A_837 : i32
          %dma_wait3A_839 = arith.constant 1 : i32
          %dma_wait3A_840 = arith.constant 5 : i32
          %dma_wait3A_841 = arith.constant 1 : i32
          %dma_wait3A_842 = arith.constant 0 : i32
          %dma_wait3A_843 = arith.constant 0 : i32
          %dma_wait3A_844 = tpu.memref_slice %arg7[%dma_wait3A_839, %dma_wait3A_842, %dma_wait3A_843] : memref<4x80x128xf32, #tpu.memory_space<vmem>> -> memref<1x80x128xf32, #tpu.memory_space<vmem>>
          %dma_wait3A_845 = tpu.memref_squeeze %dma_wait3A_844 : memref<1x80x128xf32, #tpu.memory_space<vmem>> -> memref<80x128xf32, #tpu.memory_space<vmem>>
          %dma_wait3A_846 = arith.constant 0 : i32
          %dma_wait3A_847 = arith.constant 0 : i32
          %dma_wait3A_848 = tpu.memref_slice %arg6[%dma_wait3A_840, %dma_wait3A_846, %dma_wait3A_847] : memref<8x2x80xi32, #tpu.memory_space<vmem>> -> memref<1x2x80xi32, #tpu.memory_space<vmem>>
          %dma_wait3A_849 = tpu.memref_squeeze %dma_wait3A_848 : memref<1x2x80xi32, #tpu.memory_space<vmem>> -> memref<2x80xi32, #tpu.memory_space<vmem>>
          %dma_wait3A_850 = arith.constant 0 : i32
          %dma_wait3A_851 = tpu.memref_slice %dma_wait3A_849[%dma_wait3A_841, %dma_wait3A_850] : memref<2x80xi32, #tpu.memory_space<vmem>> -> memref<1x80xi32, #tpu.memory_space<vmem>>
          %dma_wait3A_852 = tpu.memref_squeeze %dma_wait3A_851 : memref<1x80xi32, #tpu.memory_space<vmem>> -> memref<80xi32, #tpu.memory_space<vmem>>
          %dma_wait3A_853 = arith.constant 0 : i32
          %dma_wait3A_854 = arith.constant 0 : i32
          %dma_wait3A_855 = tpu.memref_slice %arg5[%dma_wait3A_853, %dma_wait3A_854] : memref<10112x128xf32, #tpu.memory_space<vmem_shared>> -> memref<10112x128xf32, #tpu.memory_space<vmem_shared>>
          tpu.wait_indirect_dma semaphore(%arg21 : memref<!tpu.dma_semaphore, #tpu.memory_space<semaphore_mem>>) src(%dma_wait3A_845 : memref<80x128xf32, #tpu.memory_space<vmem>>) dst(%dma_wait3A_855 : memref<10112x128xf32, #tpu.memory_space<vmem_shared>>)
        } else {
        }
        %add3A_798 = arith.constant 4 : i32
        %add3A_799 = arith.addi %add3A_461, %add3A_798 : i32
        %sub3A_800 = arith.constant 1 : i32
        %sub3A_801 = arith.subi %add3A_799, %sub3A_800 : i32
        %add3A_802 = arith.addi %mul3A_2, %sub3A_801 : i32
        %dma_wait3A_803 = arith.constant 5 : i32
        %dma_wait3A_804 = arith.constant 0 : i32
        %dma_wait3A_805 = arith.constant 0 : i32
        %dma_wait3A_806 = tpu.memref_slice %arg6[%dma_wait3A_803, %dma_wait3A_804, %dma_wait3A_805] : memref<8x2x80xi32, #tpu.memory_space<vmem>> -> memref<1x2x80xi32, #tpu.memory_space<vmem>>
        %dma_wait3A_807 = tpu.memref_squeeze %dma_wait3A_806 : memref<1x2x80xi32, #tpu.memory_space<vmem>> -> memref<2x80xi32, #tpu.memory_space<vmem>>
        %dma_wait3A_808 = arith.constant 0 : i32
        %dma_wait3A_809 = arith.constant 0 : i32
        %dma_wait3A_810 = tpu.memref_slice %arg2[%add3A_802, %dma_wait3A_808, %dma_wait3A_809] : memref<4096x2x80xi32, #tpu.memory_space<hbm>> -> memref<1x2x80xi32, #tpu.memory_space<hbm>>
        %dma_wait3A_811 = tpu.memref_squeeze %dma_wait3A_810 : memref<1x2x80xi32, #tpu.memory_space<hbm>> -> memref<2x80xi32, #tpu.memory_space<hbm>>
        %dma_wait3A_812 = arith.constant 0 : i32
        %dma_wait3A_813 = arith.constant 0 : i32
        %dma_wait3A_814 = tpu.memref_slice %arg6[%dma_wait3A_803, %dma_wait3A_812, %dma_wait3A_813] : memref<8x2x80xi32, #tpu.memory_space<vmem>> -> memref<1x2x80xi32, #tpu.memory_space<vmem>>
        %dma_wait3A_815 = tpu.memref_squeeze %dma_wait3A_814 : memref<1x2x80xi32, #tpu.memory_space<vmem>> -> memref<2x80xi32, #tpu.memory_space<vmem>>
        %dma_wait3A_816 = arith.constant 0 : i32
        %dma_wait3A_817 = arith.constant 0 : i32
        %dma_wait3A_818 = tpu.memref_slice %arg2[%add3A_802, %dma_wait3A_816, %dma_wait3A_817] : memref<4096x2x80xi32, #tpu.memory_space<hbm>> -> memref<1x2x80xi32, #tpu.memory_space<hbm>>
        %dma_wait3A_819 = tpu.memref_squeeze %dma_wait3A_818 : memref<1x2x80xi32, #tpu.memory_space<hbm>> -> memref<2x80xi32, #tpu.memory_space<hbm>>
        tpu.wait_dma2 semaphore(%arg13 : memref<!tpu.dma_semaphore, #tpu.memory_space<semaphore_mem>>) src(%dma_wait3A_819 : memref<2x80xi32, #tpu.memory_space<hbm>>) dst(%dma_wait3A_815 : memref<2x80xi32, #tpu.memory_space<vmem>>)
        %dma_start3A_820 = arith.constant 5 : i32
        %dma_start3A_821 = arith.constant 0 : i32
        %dma_start3A_822 = arith.constant 1 : i32
        %dma_start3A_823 = arith.constant 0 : i32
        %dma_start3A_824 = arith.constant 0 : i32
        %dma_start3A_825 = tpu.memref_slice %arg7[%dma_start3A_822, %dma_start3A_823, %dma_start3A_824] : memref<4x80x128xf32, #tpu.memory_space<vmem>> -> memref<1x80x128xf32, #tpu.memory_space<vmem>>
        %dma_start3A_826 = tpu.memref_squeeze %dma_start3A_825 : memref<1x80x128xf32, #tpu.memory_space<vmem>> -> memref<80x128xf32, #tpu.memory_space<vmem>>
        %dma_start3A_827 = arith.constant 0 : i32
        %dma_start3A_828 = arith.constant 0 : i32
        %dma_start3A_829 = tpu.memref_slice %arg6[%dma_start3A_820, %dma_start3A_827, %dma_start3A_828] : memref<8x2x80xi32, #tpu.memory_space<vmem>> -> memref<1x2x80xi32, #tpu.memory_space<vmem>>
        %dma_start3A_830 = tpu.memref_squeeze %dma_start3A_829 : memref<1x2x80xi32, #tpu.memory_space<vmem>> -> memref<2x80xi32, #tpu.memory_space<vmem>>
        %dma_start3A_831 = arith.constant 0 : i32
        %dma_start3A_832 = tpu.memref_slice %dma_start3A_830[%dma_start3A_821, %dma_start3A_831] : memref<2x80xi32, #tpu.memory_space<vmem>> -> memref<1x80xi32, #tpu.memory_space<vmem>>
        %dma_start3A_833 = tpu.memref_squeeze %dma_start3A_832 : memref<1x80xi32, #tpu.memory_space<vmem>> -> memref<80xi32, #tpu.memory_space<vmem>>
        %dma_start3A_834 = arith.constant 0 : i32
        %dma_start3A_835 = arith.constant 0 : i32
        %dma_start3A_836 = tpu.memref_slice %arg3[%dma_start3A_834, %dma_start3A_835] : memref<10112x128xf32, #tpu.memory_space<hbm>> -> memref<10112x128xf32, #tpu.memory_space<hbm>>
        tpu.enqueue_indirect_dma source(%dma_start3A_836 : memref<10112x128xf32, #tpu.memory_space<hbm>>) target(%dma_start3A_826 : memref<80x128xf32, #tpu.memory_space<vmem>>) offsets(%dma_start3A_833 : memref<80xi32, #tpu.memory_space<vmem>>) semaphore(%arg17 : memref<!tpu.dma_semaphore, #tpu.memory_space<semaphore_mem>>)
      } else {
      }
      %dma_wait3A_480 = arith.constant 2 : i32
      %dma_wait3A_481 = arith.constant 0 : i32
      %dma_wait3A_482 = arith.constant 2 : i32
      %dma_wait3A_483 = arith.constant 0 : i32
      %dma_wait3A_484 = arith.constant 0 : i32
      %dma_wait3A_485 = tpu.memref_slice %arg7[%dma_wait3A_482, %dma_wait3A_483, %dma_wait3A_484] : memref<4x80x128xf32, #tpu.memory_space<vmem>> -> memref<1x80x128xf32, #tpu.memory_space<vmem>>
      %dma_wait3A_486 = tpu.memref_squeeze %dma_wait3A_485 : memref<1x80x128xf32, #tpu.memory_space<vmem>> -> memref<80x128xf32, #tpu.memory_space<vmem>>
      %dma_wait3A_487 = arith.constant 0 : i32
      %dma_wait3A_488 = arith.constant 0 : i32
      %dma_wait3A_489 = tpu.memref_slice %arg6[%dma_wait3A_480, %dma_wait3A_487, %dma_wait3A_488] : memref<8x2x80xi32, #tpu.memory_space<vmem>> -> memref<1x2x80xi32, #tpu.memory_space<vmem>>
      %dma_wait3A_490 = tpu.memref_squeeze %dma_wait3A_489 : memref<1x2x80xi32, #tpu.memory_space<vmem>> -> memref<2x80xi32, #tpu.memory_space<vmem>>
      %dma_wait3A_491 = arith.constant 0 : i32
      %dma_wait3A_492 = tpu.memref_slice %dma_wait3A_490[%dma_wait3A_481, %dma_wait3A_491] : memref<2x80xi32, #tpu.memory_space<vmem>> -> memref<1x80xi32, #tpu.memory_space<vmem>>
      %dma_wait3A_493 = tpu.memref_squeeze %dma_wait3A_492 : memref<1x80xi32, #tpu.memory_space<vmem>> -> memref<80xi32, #tpu.memory_space<vmem>>
      %dma_wait3A_494 = arith.constant 0 : i32
      %dma_wait3A_495 = arith.constant 0 : i32
      %dma_wait3A_496 = tpu.memref_slice %arg3[%dma_wait3A_494, %dma_wait3A_495] : memref<10112x128xf32, #tpu.memory_space<hbm>> -> memref<10112x128xf32, #tpu.memory_space<hbm>>
      tpu.wait_indirect_dma semaphore(%arg18 : memref<!tpu.dma_semaphore, #tpu.memory_space<semaphore_mem>>) src(%dma_wait3A_496 : memref<10112x128xf32, #tpu.memory_space<hbm>>) dst(%dma_wait3A_486 : memref<80x128xf32, #tpu.memory_space<vmem>>)
      %dma_start3A_497 = arith.constant 2 : i32
      %dma_start3A_498 = arith.constant 2 : i32
      %dma_start3A_499 = arith.constant 1 : i32
      %dma_start3A_500 = arith.constant 0 : i32
      %dma_start3A_501 = arith.constant 0 : i32
      %dma_start3A_502 = tpu.memref_slice %arg7[%dma_start3A_497, %dma_start3A_500, %dma_start3A_501] : memref<4x80x128xf32, #tpu.memory_space<vmem>> -> memref<1x80x128xf32, #tpu.memory_space<vmem>>
      %dma_start3A_503 = tpu.memref_squeeze %dma_start3A_502 : memref<1x80x128xf32, #tpu.memory_space<vmem>> -> memref<80x128xf32, #tpu.memory_space<vmem>>
      %dma_start3A_504 = arith.constant 0 : i32
      %dma_start3A_505 = arith.constant 0 : i32
      %dma_start3A_506 = tpu.memref_slice %arg6[%dma_start3A_498, %dma_start3A_504, %dma_start3A_505] : memref<8x2x80xi32, #tpu.memory_space<vmem>> -> memref<1x2x80xi32, #tpu.memory_space<vmem>>
      %dma_start3A_507 = tpu.memref_squeeze %dma_start3A_506 : memref<1x2x80xi32, #tpu.memory_space<vmem>> -> memref<2x80xi32, #tpu.memory_space<vmem>>
      %dma_start3A_508 = arith.constant 0 : i32
      %dma_start3A_509 = tpu.memref_slice %dma_start3A_507[%dma_start3A_499, %dma_start3A_508] : memref<2x80xi32, #tpu.memory_space<vmem>> -> memref<1x80xi32, #tpu.memory_space<vmem>>
      %dma_start3A_510 = tpu.memref_squeeze %dma_start3A_509 : memref<1x80xi32, #tpu.memory_space<vmem>> -> memref<80xi32, #tpu.memory_space<vmem>>
      %dma_start3A_511 = arith.constant 0 : i32
      %dma_start3A_512 = arith.constant 0 : i32
      %dma_start3A_513 = tpu.memref_slice %arg5[%dma_start3A_511, %dma_start3A_512] : memref<10112x128xf32, #tpu.memory_space<vmem_shared>> -> memref<10112x128xf32, #tpu.memory_space<vmem_shared>>
      tpu.enqueue_indirect_dma source(%dma_start3A_503 : memref<80x128xf32, #tpu.memory_space<vmem>>) target(%dma_start3A_513 : memref<10112x128xf32, #tpu.memory_space<vmem_shared>>) offsets(%dma_start3A_510 : memref<80xi32, #tpu.memory_space<vmem>>) semaphore(%arg22 : memref<!tpu.dma_semaphore, #tpu.memory_space<semaphore_mem>>) {add = true}
      %mul3A_514 = arith.constant 8 : i32
      %mul3A_515 = arith.muli %scan3A_349, %mul3A_514 : i32
      %add3A_516 = arith.constant 3 : i32
      %add3A_517 = arith.addi %mul3A_515, %add3A_516 : i32
      %add3A_518 = arith.constant 4 : i32
      %add3A_519 = arith.addi %add3A_517, %add3A_518 : i32
      %add3A_520 = arith.constant 2 : i32
      %add3A_521 = arith.addi %add3A_519, %add3A_520 : i32
      %lt3A_522 = arith.constant 128 : i32
      %lt3A_523 = arith.cmpi slt, %add3A_521, %lt3A_522 : i32
      %convert_element_type3A_524 = arith.extui %lt3A_523 : i1 to i32
      %cond3A_525 = arith.constant 0 : i32
      %cond3A_526 = arith.cmpi ne, %convert_element_type3A_524, %cond3A_525 : i32
      scf.if %cond3A_526 {
        %add3A_794 = arith.constant 4 : i32
        %add3A_795 = arith.addi %add3A_517, %add3A_794 : i32
        %add3A_796 = arith.constant 2 : i32
        %add3A_797 = arith.addi %add3A_795, %add3A_796 : i32
        %add3A_798 = arith.addi %mul3A_2, %add3A_797 : i32
        %dma_start3A_799 = arith.constant 1 : i32
        %dma_start3A_800 = arith.constant 0 : i32
        %dma_start3A_801 = arith.constant 0 : i32
        %dma_start3A_802 = tpu.memref_slice %arg6[%dma_start3A_799, %dma_start3A_800, %dma_start3A_801] : memref<8x2x80xi32, #tpu.memory_space<vmem>> -> memref<1x2x80xi32, #tpu.memory_space<vmem>>
        %dma_start3A_803 = tpu.memref_squeeze %dma_start3A_802 : memref<1x2x80xi32, #tpu.memory_space<vmem>> -> memref<2x80xi32, #tpu.memory_space<vmem>>
        %dma_start3A_804 = arith.constant 0 : i32
        %dma_start3A_805 = arith.constant 0 : i32
        %dma_start3A_806 = tpu.memref_slice %arg2[%add3A_798, %dma_start3A_804, %dma_start3A_805] : memref<4096x2x80xi32, #tpu.memory_space<hbm>> -> memref<1x2x80xi32, #tpu.memory_space<hbm>>
        %dma_start3A_807 = tpu.memref_squeeze %dma_start3A_806 : memref<1x2x80xi32, #tpu.memory_space<hbm>> -> memref<2x80xi32, #tpu.memory_space<hbm>>
        %dma_start3A_808 = arith.constant 0 : i32
        %dma_start3A_809 = arith.constant 0 : i32
        %dma_start3A_810 = tpu.memref_slice %arg6[%dma_start3A_799, %dma_start3A_808, %dma_start3A_809] : memref<8x2x80xi32, #tpu.memory_space<vmem>> -> memref<1x2x80xi32, #tpu.memory_space<vmem>>
        %dma_start3A_811 = tpu.memref_squeeze %dma_start3A_810 : memref<1x2x80xi32, #tpu.memory_space<vmem>> -> memref<2x80xi32, #tpu.memory_space<vmem>>
        %dma_start3A_812 = arith.constant 0 : i32
        %dma_start3A_813 = arith.constant 0 : i32
        %dma_start3A_814 = tpu.memref_slice %arg2[%add3A_798, %dma_start3A_812, %dma_start3A_813] : memref<4096x2x80xi32, #tpu.memory_space<hbm>> -> memref<1x2x80xi32, #tpu.memory_space<hbm>>
        %dma_start3A_815 = tpu.memref_squeeze %dma_start3A_814 : memref<1x2x80xi32, #tpu.memory_space<hbm>> -> memref<2x80xi32, #tpu.memory_space<hbm>>
        tpu.enqueue_dma source(%dma_start3A_815 : memref<2x80xi32, #tpu.memory_space<hbm>>) target(%dma_start3A_811 : memref<2x80xi32, #tpu.memory_space<vmem>>) target_semaphore(%arg9 : memref<!tpu.dma_semaphore, #tpu.memory_space<semaphore_mem>>)
      } else {
      }
      %add3A_527 = arith.constant 4 : i32
      %add3A_528 = arith.addi %add3A_517, %add3A_527 : i32
      %sub3A_529 = arith.constant 1 : i32
      %sub3A_530 = arith.subi %add3A_528, %sub3A_529 : i32
      %lt3A_531 = arith.constant 128 : i32
      %lt3A_532 = arith.cmpi slt, %sub3A_530, %lt3A_531 : i32
      %convert_element_type3A_533 = arith.extui %lt3A_532 : i1 to i32
      %cond3A_534 = arith.constant 0 : i32
      %cond3A_535 = arith.cmpi ne, %convert_element_type3A_533, %cond3A_534 : i32
      scf.if %cond3A_535 {
        %ge3A = arith.constant 1 : i32
        %ge3A_794 = arith.cmpi sge, %add3A_517, %ge3A : i32
        %convert_element_type3A_795 = arith.extui %ge3A_794 : i1 to i32
        %cond3A_796 = arith.constant 0 : i32
        %cond3A_797 = arith.cmpi ne, %convert_element_type3A_795, %cond3A_796 : i32
        scf.if %cond3A_797 {
          %sub3A_837 = arith.constant 1 : i32
          %sub3A_838 = arith.subi %add3A_517, %sub3A_837 : i32
          %dma_wait3A_839 = arith.constant 2 : i32
          %dma_wait3A_840 = arith.constant 6 : i32
          %dma_wait3A_841 = arith.constant 1 : i32
          %dma_wait3A_842 = arith.constant 0 : i32
          %dma_wait3A_843 = arith.constant 0 : i32
          %dma_wait3A_844 = tpu.memref_slice %arg7[%dma_wait3A_839, %dma_wait3A_842, %dma_wait3A_843] : memref<4x80x128xf32, #tpu.memory_space<vmem>> -> memref<1x80x128xf32, #tpu.memory_space<vmem>>
          %dma_wait3A_845 = tpu.memref_squeeze %dma_wait3A_844 : memref<1x80x128xf32, #tpu.memory_space<vmem>> -> memref<80x128xf32, #tpu.memory_space<vmem>>
          %dma_wait3A_846 = arith.constant 0 : i32
          %dma_wait3A_847 = arith.constant 0 : i32
          %dma_wait3A_848 = tpu.memref_slice %arg6[%dma_wait3A_840, %dma_wait3A_846, %dma_wait3A_847] : memref<8x2x80xi32, #tpu.memory_space<vmem>> -> memref<1x2x80xi32, #tpu.memory_space<vmem>>
          %dma_wait3A_849 = tpu.memref_squeeze %dma_wait3A_848 : memref<1x2x80xi32, #tpu.memory_space<vmem>> -> memref<2x80xi32, #tpu.memory_space<vmem>>
          %dma_wait3A_850 = arith.constant 0 : i32
          %dma_wait3A_851 = tpu.memref_slice %dma_wait3A_849[%dma_wait3A_841, %dma_wait3A_850] : memref<2x80xi32, #tpu.memory_space<vmem>> -> memref<1x80xi32, #tpu.memory_space<vmem>>
          %dma_wait3A_852 = tpu.memref_squeeze %dma_wait3A_851 : memref<1x80xi32, #tpu.memory_space<vmem>> -> memref<80xi32, #tpu.memory_space<vmem>>
          %dma_wait3A_853 = arith.constant 0 : i32
          %dma_wait3A_854 = arith.constant 0 : i32
          %dma_wait3A_855 = tpu.memref_slice %arg5[%dma_wait3A_853, %dma_wait3A_854] : memref<10112x128xf32, #tpu.memory_space<vmem_shared>> -> memref<10112x128xf32, #tpu.memory_space<vmem_shared>>
          tpu.wait_indirect_dma semaphore(%arg22 : memref<!tpu.dma_semaphore, #tpu.memory_space<semaphore_mem>>) src(%dma_wait3A_845 : memref<80x128xf32, #tpu.memory_space<vmem>>) dst(%dma_wait3A_855 : memref<10112x128xf32, #tpu.memory_space<vmem_shared>>)
        } else {
        }
        %add3A_798 = arith.constant 4 : i32
        %add3A_799 = arith.addi %add3A_517, %add3A_798 : i32
        %sub3A_800 = arith.constant 1 : i32
        %sub3A_801 = arith.subi %add3A_799, %sub3A_800 : i32
        %add3A_802 = arith.addi %mul3A_2, %sub3A_801 : i32
        %dma_wait3A_803 = arith.constant 6 : i32
        %dma_wait3A_804 = arith.constant 0 : i32
        %dma_wait3A_805 = arith.constant 0 : i32
        %dma_wait3A_806 = tpu.memref_slice %arg6[%dma_wait3A_803, %dma_wait3A_804, %dma_wait3A_805] : memref<8x2x80xi32, #tpu.memory_space<vmem>> -> memref<1x2x80xi32, #tpu.memory_space<vmem>>
        %dma_wait3A_807 = tpu.memref_squeeze %dma_wait3A_806 : memref<1x2x80xi32, #tpu.memory_space<vmem>> -> memref<2x80xi32, #tpu.memory_space<vmem>>
        %dma_wait3A_808 = arith.constant 0 : i32
        %dma_wait3A_809 = arith.constant 0 : i32
        %dma_wait3A_810 = tpu.memref_slice %arg2[%add3A_802, %dma_wait3A_808, %dma_wait3A_809] : memref<4096x2x80xi32, #tpu.memory_space<hbm>> -> memref<1x2x80xi32, #tpu.memory_space<hbm>>
        %dma_wait3A_811 = tpu.memref_squeeze %dma_wait3A_810 : memref<1x2x80xi32, #tpu.memory_space<hbm>> -> memref<2x80xi32, #tpu.memory_space<hbm>>
        %dma_wait3A_812 = arith.constant 0 : i32
        %dma_wait3A_813 = arith.constant 0 : i32
        %dma_wait3A_814 = tpu.memref_slice %arg6[%dma_wait3A_803, %dma_wait3A_812, %dma_wait3A_813] : memref<8x2x80xi32, #tpu.memory_space<vmem>> -> memref<1x2x80xi32, #tpu.memory_space<vmem>>
        %dma_wait3A_815 = tpu.memref_squeeze %dma_wait3A_814 : memref<1x2x80xi32, #tpu.memory_space<vmem>> -> memref<2x80xi32, #tpu.memory_space<vmem>>
        %dma_wait3A_816 = arith.constant 0 : i32
        %dma_wait3A_817 = arith.constant 0 : i32
        %dma_wait3A_818 = tpu.memref_slice %arg2[%add3A_802, %dma_wait3A_816, %dma_wait3A_817] : memref<4096x2x80xi32, #tpu.memory_space<hbm>> -> memref<1x2x80xi32, #tpu.memory_space<hbm>>
        %dma_wait3A_819 = tpu.memref_squeeze %dma_wait3A_818 : memref<1x2x80xi32, #tpu.memory_space<hbm>> -> memref<2x80xi32, #tpu.memory_space<hbm>>
        tpu.wait_dma2 semaphore(%arg14 : memref<!tpu.dma_semaphore, #tpu.memory_space<semaphore_mem>>) src(%dma_wait3A_819 : memref<2x80xi32, #tpu.memory_space<hbm>>) dst(%dma_wait3A_815 : memref<2x80xi32, #tpu.memory_space<vmem>>)
        %dma_start3A_820 = arith.constant 6 : i32
        %dma_start3A_821 = arith.constant 0 : i32
        %dma_start3A_822 = arith.constant 2 : i32
        %dma_start3A_823 = arith.constant 0 : i32
        %dma_start3A_824 = arith.constant 0 : i32
        %dma_start3A_825 = tpu.memref_slice %arg7[%dma_start3A_822, %dma_start3A_823, %dma_start3A_824] : memref<4x80x128xf32, #tpu.memory_space<vmem>> -> memref<1x80x128xf32, #tpu.memory_space<vmem>>
        %dma_start3A_826 = tpu.memref_squeeze %dma_start3A_825 : memref<1x80x128xf32, #tpu.memory_space<vmem>> -> memref<80x128xf32, #tpu.memory_space<vmem>>
        %dma_start3A_827 = arith.constant 0 : i32
        %dma_start3A_828 = arith.constant 0 : i32
        %dma_start3A_829 = tpu.memref_slice %arg6[%dma_start3A_820, %dma_start3A_827, %dma_start3A_828] : memref<8x2x80xi32, #tpu.memory_space<vmem>> -> memref<1x2x80xi32, #tpu.memory_space<vmem>>
        %dma_start3A_830 = tpu.memref_squeeze %dma_start3A_829 : memref<1x2x80xi32, #tpu.memory_space<vmem>> -> memref<2x80xi32, #tpu.memory_space<vmem>>
        %dma_start3A_831 = arith.constant 0 : i32
        %dma_start3A_832 = tpu.memref_slice %dma_start3A_830[%dma_start3A_821, %dma_start3A_831] : memref<2x80xi32, #tpu.memory_space<vmem>> -> memref<1x80xi32, #tpu.memory_space<vmem>>
        %dma_start3A_833 = tpu.memref_squeeze %dma_start3A_832 : memref<1x80xi32, #tpu.memory_space<vmem>> -> memref<80xi32, #tpu.memory_space<vmem>>
        %dma_start3A_834 = arith.constant 0 : i32
        %dma_start3A_835 = arith.constant 0 : i32
        %dma_start3A_836 = tpu.memref_slice %arg3[%dma_start3A_834, %dma_start3A_835] : memref<10112x128xf32, #tpu.memory_space<hbm>> -> memref<10112x128xf32, #tpu.memory_space<hbm>>
        tpu.enqueue_indirect_dma source(%dma_start3A_836 : memref<10112x128xf32, #tpu.memory_space<hbm>>) target(%dma_start3A_826 : memref<80x128xf32, #tpu.memory_space<vmem>>) offsets(%dma_start3A_833 : memref<80xi32, #tpu.memory_space<vmem>>) semaphore(%arg18 : memref<!tpu.dma_semaphore, #tpu.memory_space<semaphore_mem>>)
      } else {
      }
      %dma_wait3A_536 = arith.constant 3 : i32
      %dma_wait3A_537 = arith.constant 0 : i32
      %dma_wait3A_538 = arith.constant 3 : i32
      %dma_wait3A_539 = arith.constant 0 : i32
      %dma_wait3A_540 = arith.constant 0 : i32
      %dma_wait3A_541 = tpu.memref_slice %arg7[%dma_wait3A_538, %dma_wait3A_539, %dma_wait3A_540] : memref<4x80x128xf32, #tpu.memory_space<vmem>> -> memref<1x80x128xf32, #tpu.memory_space<vmem>>
      %dma_wait3A_542 = tpu.memref_squeeze %dma_wait3A_541 : memref<1x80x128xf32, #tpu.memory_space<vmem>> -> memref<80x128xf32, #tpu.memory_space<vmem>>
      %dma_wait3A_543 = arith.constant 0 : i32
      %dma_wait3A_544 = arith.constant 0 : i32
      %dma_wait3A_545 = tpu.memref_slice %arg6[%dma_wait3A_536, %dma_wait3A_543, %dma_wait3A_544] : memref<8x2x80xi32, #tpu.memory_space<vmem>> -> memref<1x2x80xi32, #tpu.memory_space<vmem>>
      %dma_wait3A_546 = tpu.memref_squeeze %dma_wait3A_545 : memref<1x2x80xi32, #tpu.memory_space<vmem>> -> memref<2x80xi32, #tpu.memory_space<vmem>>
      %dma_wait3A_547 = arith.constant 0 : i32
      %dma_wait3A_548 = tpu.memref_slice %dma_wait3A_546[%dma_wait3A_537, %dma_wait3A_547] : memref<2x80xi32, #tpu.memory_space<vmem>> -> memref<1x80xi32, #tpu.memory_space<vmem>>
      %dma_wait3A_549 = tpu.memref_squeeze %dma_wait3A_548 : memref<1x80xi32, #tpu.memory_space<vmem>> -> memref<80xi32, #tpu.memory_space<vmem>>
      %dma_wait3A_550 = arith.constant 0 : i32
      %dma_wait3A_551 = arith.constant 0 : i32
      %dma_wait3A_552 = tpu.memref_slice %arg3[%dma_wait3A_550, %dma_wait3A_551] : memref<10112x128xf32, #tpu.memory_space<hbm>> -> memref<10112x128xf32, #tpu.memory_space<hbm>>
      tpu.wait_indirect_dma semaphore(%arg19 : memref<!tpu.dma_semaphore, #tpu.memory_space<semaphore_mem>>) src(%dma_wait3A_552 : memref<10112x128xf32, #tpu.memory_space<hbm>>) dst(%dma_wait3A_542 : memref<80x128xf32, #tpu.memory_space<vmem>>)
      %dma_start3A_553 = arith.constant 3 : i32
      %dma_start3A_554 = arith.constant 3 : i32
      %dma_start3A_555 = arith.constant 1 : i32
      %dma_start3A_556 = arith.constant 0 : i32
      %dma_start3A_557 = arith.constant 0 : i32
      %dma_start3A_558 = tpu.memref_slice %arg7[%dma_start3A_553, %dma_start3A_556, %dma_start3A_557] : memref<4x80x128xf32, #tpu.memory_space<vmem>> -> memref<1x80x128xf32, #tpu.memory_space<vmem>>
      %dma_start3A_559 = tpu.memref_squeeze %dma_start3A_558 : memref<1x80x128xf32, #tpu.memory_space<vmem>> -> memref<80x128xf32, #tpu.memory_space<vmem>>
      %dma_start3A_560 = arith.constant 0 : i32
      %dma_start3A_561 = arith.constant 0 : i32
      %dma_start3A_562 = tpu.memref_slice %arg6[%dma_start3A_554, %dma_start3A_560, %dma_start3A_561] : memref<8x2x80xi32, #tpu.memory_space<vmem>> -> memref<1x2x80xi32, #tpu.memory_space<vmem>>
      %dma_start3A_563 = tpu.memref_squeeze %dma_start3A_562 : memref<1x2x80xi32, #tpu.memory_space<vmem>> -> memref<2x80xi32, #tpu.memory_space<vmem>>
      %dma_start3A_564 = arith.constant 0 : i32
      %dma_start3A_565 = tpu.memref_slice %dma_start3A_563[%dma_start3A_555, %dma_start3A_564] : memref<2x80xi32, #tpu.memory_space<vmem>> -> memref<1x80xi32, #tpu.memory_space<vmem>>
      %dma_start3A_566 = tpu.memref_squeeze %dma_start3A_565 : memref<1x80xi32, #tpu.memory_space<vmem>> -> memref<80xi32, #tpu.memory_space<vmem>>
      %dma_start3A_567 = arith.constant 0 : i32
      %dma_start3A_568 = arith.constant 0 : i32
      %dma_start3A_569 = tpu.memref_slice %arg5[%dma_start3A_567, %dma_start3A_568] : memref<10112x128xf32, #tpu.memory_space<vmem_shared>> -> memref<10112x128xf32, #tpu.memory_space<vmem_shared>>
      tpu.enqueue_indirect_dma source(%dma_start3A_559 : memref<80x128xf32, #tpu.memory_space<vmem>>) target(%dma_start3A_569 : memref<10112x128xf32, #tpu.memory_space<vmem_shared>>) offsets(%dma_start3A_566 : memref<80xi32, #tpu.memory_space<vmem>>) semaphore(%arg23 : memref<!tpu.dma_semaphore, #tpu.memory_space<semaphore_mem>>) {add = true}
      %mul3A_570 = arith.constant 8 : i32
      %mul3A_571 = arith.muli %scan3A_349, %mul3A_570 : i32
      %add3A_572 = arith.constant 4 : i32
      %add3A_573 = arith.addi %mul3A_571, %add3A_572 : i32
      %add3A_574 = arith.constant 4 : i32
      %add3A_575 = arith.addi %add3A_573, %add3A_574 : i32
      %add3A_576 = arith.constant 2 : i32
      %add3A_577 = arith.addi %add3A_575, %add3A_576 : i32
      %lt3A_578 = arith.constant 128 : i32
      %lt3A_579 = arith.cmpi slt, %add3A_577, %lt3A_578 : i32
      %convert_element_type3A_580 = arith.extui %lt3A_579 : i1 to i32
      %cond3A_581 = arith.constant 0 : i32
      %cond3A_582 = arith.cmpi ne, %convert_element_type3A_580, %cond3A_581 : i32
      scf.if %cond3A_582 {
        %add3A_794 = arith.constant 4 : i32
        %add3A_795 = arith.addi %add3A_573, %add3A_794 : i32
        %add3A_796 = arith.constant 2 : i32
        %add3A_797 = arith.addi %add3A_795, %add3A_796 : i32
        %add3A_798 = arith.addi %mul3A_2, %add3A_797 : i32
        %dma_start3A_799 = arith.constant 2 : i32
        %dma_start3A_800 = arith.constant 0 : i32
        %dma_start3A_801 = arith.constant 0 : i32
        %dma_start3A_802 = tpu.memref_slice %arg6[%dma_start3A_799, %dma_start3A_800, %dma_start3A_801] : memref<8x2x80xi32, #tpu.memory_space<vmem>> -> memref<1x2x80xi32, #tpu.memory_space<vmem>>
        %dma_start3A_803 = tpu.memref_squeeze %dma_start3A_802 : memref<1x2x80xi32, #tpu.memory_space<vmem>> -> memref<2x80xi32, #tpu.memory_space<vmem>>
        %dma_start3A_804 = arith.constant 0 : i32
        %dma_start3A_805 = arith.constant 0 : i32
        %dma_start3A_806 = tpu.memref_slice %arg2[%add3A_798, %dma_start3A_804, %dma_start3A_805] : memref<4096x2x80xi32, #tpu.memory_space<hbm>> -> memref<1x2x80xi32, #tpu.memory_space<hbm>>
        %dma_start3A_807 = tpu.memref_squeeze %dma_start3A_806 : memref<1x2x80xi32, #tpu.memory_space<hbm>> -> memref<2x80xi32, #tpu.memory_space<hbm>>
        %dma_start3A_808 = arith.constant 0 : i32
        %dma_start3A_809 = arith.constant 0 : i32
        %dma_start3A_810 = tpu.memref_slice %arg6[%dma_start3A_799, %dma_start3A_808, %dma_start3A_809] : memref<8x2x80xi32, #tpu.memory_space<vmem>> -> memref<1x2x80xi32, #tpu.memory_space<vmem>>
        %dma_start3A_811 = tpu.memref_squeeze %dma_start3A_810 : memref<1x2x80xi32, #tpu.memory_space<vmem>> -> memref<2x80xi32, #tpu.memory_space<vmem>>
        %dma_start3A_812 = arith.constant 0 : i32
        %dma_start3A_813 = arith.constant 0 : i32
        %dma_start3A_814 = tpu.memref_slice %arg2[%add3A_798, %dma_start3A_812, %dma_start3A_813] : memref<4096x2x80xi32, #tpu.memory_space<hbm>> -> memref<1x2x80xi32, #tpu.memory_space<hbm>>
        %dma_start3A_815 = tpu.memref_squeeze %dma_start3A_814 : memref<1x2x80xi32, #tpu.memory_space<hbm>> -> memref<2x80xi32, #tpu.memory_space<hbm>>
        tpu.enqueue_dma source(%dma_start3A_815 : memref<2x80xi32, #tpu.memory_space<hbm>>) target(%dma_start3A_811 : memref<2x80xi32, #tpu.memory_space<vmem>>) target_semaphore(%arg10 : memref<!tpu.dma_semaphore, #tpu.memory_space<semaphore_mem>>)
      } else {
      }
      %add3A_583 = arith.constant 4 : i32
      %add3A_584 = arith.addi %add3A_573, %add3A_583 : i32
      %sub3A_585 = arith.constant 1 : i32
      %sub3A_586 = arith.subi %add3A_584, %sub3A_585 : i32
      %lt3A_587 = arith.constant 128 : i32
      %lt3A_588 = arith.cmpi slt, %sub3A_586, %lt3A_587 : i32
      %convert_element_type3A_589 = arith.extui %lt3A_588 : i1 to i32
      %cond3A_590 = arith.constant 0 : i32
      %cond3A_591 = arith.cmpi ne, %convert_element_type3A_589, %cond3A_590 : i32
      scf.if %cond3A_591 {
        %ge3A = arith.constant 1 : i32
        %ge3A_794 = arith.cmpi sge, %add3A_573, %ge3A : i32
        %convert_element_type3A_795 = arith.extui %ge3A_794 : i1 to i32
        %cond3A_796 = arith.constant 0 : i32
        %cond3A_797 = arith.cmpi ne, %convert_element_type3A_795, %cond3A_796 : i32
        scf.if %cond3A_797 {
          %sub3A_837 = arith.constant 1 : i32
          %sub3A_838 = arith.subi %add3A_573, %sub3A_837 : i32
          %dma_wait3A_839 = arith.constant 3 : i32
          %dma_wait3A_840 = arith.constant 7 : i32
          %dma_wait3A_841 = arith.constant 1 : i32
          %dma_wait3A_842 = arith.constant 0 : i32
          %dma_wait3A_843 = arith.constant 0 : i32
          %dma_wait3A_844 = tpu.memref_slice %arg7[%dma_wait3A_839, %dma_wait3A_842, %dma_wait3A_843] : memref<4x80x128xf32, #tpu.memory_space<vmem>> -> memref<1x80x128xf32, #tpu.memory_space<vmem>>
          %dma_wait3A_845 = tpu.memref_squeeze %dma_wait3A_844 : memref<1x80x128xf32, #tpu.memory_space<vmem>> -> memref<80x128xf32, #tpu.memory_space<vmem>>
          %dma_wait3A_846 = arith.constant 0 : i32
          %dma_wait3A_847 = arith.constant 0 : i32
          %dma_wait3A_848 = tpu.memref_slice %arg6[%dma_wait3A_840, %dma_wait3A_846, %dma_wait3A_847] : memref<8x2x80xi32, #tpu.memory_space<vmem>> -> memref<1x2x80xi32, #tpu.memory_space<vmem>>
          %dma_wait3A_849 = tpu.memref_squeeze %dma_wait3A_848 : memref<1x2x80xi32, #tpu.memory_space<vmem>> -> memref<2x80xi32, #tpu.memory_space<vmem>>
          %dma_wait3A_850 = arith.constant 0 : i32
          %dma_wait3A_851 = tpu.memref_slice %dma_wait3A_849[%dma_wait3A_841, %dma_wait3A_850] : memref<2x80xi32, #tpu.memory_space<vmem>> -> memref<1x80xi32, #tpu.memory_space<vmem>>
          %dma_wait3A_852 = tpu.memref_squeeze %dma_wait3A_851 : memref<1x80xi32, #tpu.memory_space<vmem>> -> memref<80xi32, #tpu.memory_space<vmem>>
          %dma_wait3A_853 = arith.constant 0 : i32
          %dma_wait3A_854 = arith.constant 0 : i32
          %dma_wait3A_855 = tpu.memref_slice %arg5[%dma_wait3A_853, %dma_wait3A_854] : memref<10112x128xf32, #tpu.memory_space<vmem_shared>> -> memref<10112x128xf32, #tpu.memory_space<vmem_shared>>
          tpu.wait_indirect_dma semaphore(%arg23 : memref<!tpu.dma_semaphore, #tpu.memory_space<semaphore_mem>>) src(%dma_wait3A_845 : memref<80x128xf32, #tpu.memory_space<vmem>>) dst(%dma_wait3A_855 : memref<10112x128xf32, #tpu.memory_space<vmem_shared>>)
        } else {
        }
        %add3A_798 = arith.constant 4 : i32
        %add3A_799 = arith.addi %add3A_573, %add3A_798 : i32
        %sub3A_800 = arith.constant 1 : i32
        %sub3A_801 = arith.subi %add3A_799, %sub3A_800 : i32
        %add3A_802 = arith.addi %mul3A_2, %sub3A_801 : i32
        %dma_wait3A_803 = arith.constant 7 : i32
        %dma_wait3A_804 = arith.constant 0 : i32
        %dma_wait3A_805 = arith.constant 0 : i32
        %dma_wait3A_806 = tpu.memref_slice %arg6[%dma_wait3A_803, %dma_wait3A_804, %dma_wait3A_805] : memref<8x2x80xi32, #tpu.memory_space<vmem>> -> memref<1x2x80xi32, #tpu.memory_space<vmem>>
        %dma_wait3A_807 = tpu.memref_squeeze %dma_wait3A_806 : memref<1x2x80xi32, #tpu.memory_space<vmem>> -> memref<2x80xi32, #tpu.memory_space<vmem>>
        %dma_wait3A_808 = arith.constant 0 : i32
        %dma_wait3A_809 = arith.constant 0 : i32
        %dma_wait3A_810 = tpu.memref_slice %arg2[%add3A_802, %dma_wait3A_808, %dma_wait3A_809] : memref<4096x2x80xi32, #tpu.memory_space<hbm>> -> memref<1x2x80xi32, #tpu.memory_space<hbm>>
        %dma_wait3A_811 = tpu.memref_squeeze %dma_wait3A_810 : memref<1x2x80xi32, #tpu.memory_space<hbm>> -> memref<2x80xi32, #tpu.memory_space<hbm>>
        %dma_wait3A_812 = arith.constant 0 : i32
        %dma_wait3A_813 = arith.constant 0 : i32
        %dma_wait3A_814 = tpu.memref_slice %arg6[%dma_wait3A_803, %dma_wait3A_812, %dma_wait3A_813] : memref<8x2x80xi32, #tpu.memory_space<vmem>> -> memref<1x2x80xi32, #tpu.memory_space<vmem>>
        %dma_wait3A_815 = tpu.memref_squeeze %dma_wait3A_814 : memref<1x2x80xi32, #tpu.memory_space<vmem>> -> memref<2x80xi32, #tpu.memory_space<vmem>>
        %dma_wait3A_816 = arith.constant 0 : i32
        %dma_wait3A_817 = arith.constant 0 : i32
        %dma_wait3A_818 = tpu.memref_slice %arg2[%add3A_802, %dma_wait3A_816, %dma_wait3A_817] : memref<4096x2x80xi32, #tpu.memory_space<hbm>> -> memref<1x2x80xi32, #tpu.memory_space<hbm>>
        %dma_wait3A_819 = tpu.memref_squeeze %dma_wait3A_818 : memref<1x2x80xi32, #tpu.memory_space<hbm>> -> memref<2x80xi32, #tpu.memory_space<hbm>>
        tpu.wait_dma2 semaphore(%arg15 : memref<!tpu.dma_semaphore, #tpu.memory_space<semaphore_mem>>) src(%dma_wait3A_819 : memref<2x80xi32, #tpu.memory_space<hbm>>) dst(%dma_wait3A_815 : memref<2x80xi32, #tpu.memory_space<vmem>>)
        %dma_start3A_820 = arith.constant 7 : i32
        %dma_start3A_821 = arith.constant 0 : i32
        %dma_start3A_822 = arith.constant 3 : i32
        %dma_start3A_823 = arith.constant 0 : i32
        %dma_start3A_824 = arith.constant 0 : i32
        %dma_start3A_825 = tpu.memref_slice %arg7[%dma_start3A_822, %dma_start3A_823, %dma_start3A_824] : memref<4x80x128xf32, #tpu.memory_space<vmem>> -> memref<1x80x128xf32, #tpu.memory_space<vmem>>
        %dma_start3A_826 = tpu.memref_squeeze %dma_start3A_825 : memref<1x80x128xf32, #tpu.memory_space<vmem>> -> memref<80x128xf32, #tpu.memory_space<vmem>>
        %dma_start3A_827 = arith.constant 0 : i32
        %dma_start3A_828 = arith.constant 0 : i32
        %dma_start3A_829 = tpu.memref_slice %arg6[%dma_start3A_820, %dma_start3A_827, %dma_start3A_828] : memref<8x2x80xi32, #tpu.memory_space<vmem>> -> memref<1x2x80xi32, #tpu.memory_space<vmem>>
        %dma_start3A_830 = tpu.memref_squeeze %dma_start3A_829 : memref<1x2x80xi32, #tpu.memory_space<vmem>> -> memref<2x80xi32, #tpu.memory_space<vmem>>
        %dma_start3A_831 = arith.constant 0 : i32
        %dma_start3A_832 = tpu.memref_slice %dma_start3A_830[%dma_start3A_821, %dma_start3A_831] : memref<2x80xi32, #tpu.memory_space<vmem>> -> memref<1x80xi32, #tpu.memory_space<vmem>>
        %dma_start3A_833 = tpu.memref_squeeze %dma_start3A_832 : memref<1x80xi32, #tpu.memory_space<vmem>> -> memref<80xi32, #tpu.memory_space<vmem>>
        %dma_start3A_834 = arith.constant 0 : i32
        %dma_start3A_835 = arith.constant 0 : i32
        %dma_start3A_836 = tpu.memref_slice %arg3[%dma_start3A_834, %dma_start3A_835] : memref<10112x128xf32, #tpu.memory_space<hbm>> -> memref<10112x128xf32, #tpu.memory_space<hbm>>
        tpu.enqueue_indirect_dma source(%dma_start3A_836 : memref<10112x128xf32, #tpu.memory_space<hbm>>) target(%dma_start3A_826 : memref<80x128xf32, #tpu.memory_space<vmem>>) offsets(%dma_start3A_833 : memref<80xi32, #tpu.memory_space<vmem>>) semaphore(%arg19 : memref<!tpu.dma_semaphore, #tpu.memory_space<semaphore_mem>>)
      } else {
      }
      %dma_wait3A_592 = arith.constant 4 : i32
      %dma_wait3A_593 = arith.constant 0 : i32
      %dma_wait3A_594 = arith.constant 0 : i32
      %dma_wait3A_595 = arith.constant 0 : i32
      %dma_wait3A_596 = arith.constant 0 : i32
      %dma_wait3A_597 = tpu.memref_slice %arg7[%dma_wait3A_594, %dma_wait3A_595, %dma_wait3A_596] : memref<4x80x128xf32, #tpu.memory_space<vmem>> -> memref<1x80x128xf32, #tpu.memory_space<vmem>>
      %dma_wait3A_598 = tpu.memref_squeeze %dma_wait3A_597 : memref<1x80x128xf32, #tpu.memory_space<vmem>> -> memref<80x128xf32, #tpu.memory_space<vmem>>
      %dma_wait3A_599 = arith.constant 0 : i32
      %dma_wait3A_600 = arith.constant 0 : i32
      %dma_wait3A_601 = tpu.memref_slice %arg6[%dma_wait3A_592, %dma_wait3A_599, %dma_wait3A_600] : memref<8x2x80xi32, #tpu.memory_space<vmem>> -> memref<1x2x80xi32, #tpu.memory_space<vmem>>
      %dma_wait3A_602 = tpu.memref_squeeze %dma_wait3A_601 : memref<1x2x80xi32, #tpu.memory_space<vmem>> -> memref<2x80xi32, #tpu.memory_space<vmem>>
      %dma_wait3A_603 = arith.constant 0 : i32
      %dma_wait3A_604 = tpu.memref_slice %dma_wait3A_602[%dma_wait3A_593, %dma_wait3A_603] : memref<2x80xi32, #tpu.memory_space<vmem>> -> memref<1x80xi32, #tpu.memory_space<vmem>>
      %dma_wait3A_605 = tpu.memref_squeeze %dma_wait3A_604 : memref<1x80xi32, #tpu.memory_space<vmem>> -> memref<80xi32, #tpu.memory_space<vmem>>
      %dma_wait3A_606 = arith.constant 0 : i32
      %dma_wait3A_607 = arith.constant 0 : i32
      %dma_wait3A_608 = tpu.memref_slice %arg3[%dma_wait3A_606, %dma_wait3A_607] : memref<10112x128xf32, #tpu.memory_space<hbm>> -> memref<10112x128xf32, #tpu.memory_space<hbm>>
      tpu.wait_indirect_dma semaphore(%arg16 : memref<!tpu.dma_semaphore, #tpu.memory_space<semaphore_mem>>) src(%dma_wait3A_608 : memref<10112x128xf32, #tpu.memory_space<hbm>>) dst(%dma_wait3A_598 : memref<80x128xf32, #tpu.memory_space<vmem>>)
      %dma_start3A_609 = arith.constant 0 : i32
      %dma_start3A_610 = arith.constant 4 : i32
      %dma_start3A_611 = arith.constant 1 : i32
      %dma_start3A_612 = arith.constant 0 : i32
      %dma_start3A_613 = arith.constant 0 : i32
      %dma_start3A_614 = tpu.memref_slice %arg7[%dma_start3A_609, %dma_start3A_612, %dma_start3A_613] : memref<4x80x128xf32, #tpu.memory_space<vmem>> -> memref<1x80x128xf32, #tpu.memory_space<vmem>>
      %dma_start3A_615 = tpu.memref_squeeze %dma_start3A_614 : memref<1x80x128xf32, #tpu.memory_space<vmem>> -> memref<80x128xf32, #tpu.memory_space<vmem>>
      %dma_start3A_616 = arith.constant 0 : i32
      %dma_start3A_617 = arith.constant 0 : i32
      %dma_start3A_618 = tpu.memref_slice %arg6[%dma_start3A_610, %dma_start3A_616, %dma_start3A_617] : memref<8x2x80xi32, #tpu.memory_space<vmem>> -> memref<1x2x80xi32, #tpu.memory_space<vmem>>
      %dma_start3A_619 = tpu.memref_squeeze %dma_start3A_618 : memref<1x2x80xi32, #tpu.memory_space<vmem>> -> memref<2x80xi32, #tpu.memory_space<vmem>>
      %dma_start3A_620 = arith.constant 0 : i32
      %dma_start3A_621 = tpu.memref_slice %dma_start3A_619[%dma_start3A_611, %dma_start3A_620] : memref<2x80xi32, #tpu.memory_space<vmem>> -> memref<1x80xi32, #tpu.memory_space<vmem>>
      %dma_start3A_622 = tpu.memref_squeeze %dma_start3A_621 : memref<1x80xi32, #tpu.memory_space<vmem>> -> memref<80xi32, #tpu.memory_space<vmem>>
      %dma_start3A_623 = arith.constant 0 : i32
      %dma_start3A_624 = arith.constant 0 : i32
      %dma_start3A_625 = tpu.memref_slice %arg5[%dma_start3A_623, %dma_start3A_624] : memref<10112x128xf32, #tpu.memory_space<vmem_shared>> -> memref<10112x128xf32, #tpu.memory_space<vmem_shared>>
      tpu.enqueue_indirect_dma source(%dma_start3A_615 : memref<80x128xf32, #tpu.memory_space<vmem>>) target(%dma_start3A_625 : memref<10112x128xf32, #tpu.memory_space<vmem_shared>>) offsets(%dma_start3A_622 : memref<80xi32, #tpu.memory_space<vmem>>) semaphore(%arg20 : memref<!tpu.dma_semaphore, #tpu.memory_space<semaphore_mem>>) {add = true}
      %mul3A_626 = arith.constant 8 : i32
      %mul3A_627 = arith.muli %scan3A_349, %mul3A_626 : i32
      %add3A_628 = arith.constant 5 : i32
      %add3A_629 = arith.addi %mul3A_627, %add3A_628 : i32
      %add3A_630 = arith.constant 4 : i32
      %add3A_631 = arith.addi %add3A_629, %add3A_630 : i32
      %add3A_632 = arith.constant 2 : i32
      %add3A_633 = arith.addi %add3A_631, %add3A_632 : i32
      %lt3A_634 = arith.constant 128 : i32
      %lt3A_635 = arith.cmpi slt, %add3A_633, %lt3A_634 : i32
      %convert_element_type3A_636 = arith.extui %lt3A_635 : i1 to i32
      %cond3A_637 = arith.constant 0 : i32
      %cond3A_638 = arith.cmpi ne, %convert_element_type3A_636, %cond3A_637 : i32
      scf.if %cond3A_638 {
        %add3A_794 = arith.constant 4 : i32
        %add3A_795 = arith.addi %add3A_629, %add3A_794 : i32
        %add3A_796 = arith.constant 2 : i32
        %add3A_797 = arith.addi %add3A_795, %add3A_796 : i32
        %add3A_798 = arith.addi %mul3A_2, %add3A_797 : i32
        %dma_start3A_799 = arith.constant 3 : i32
        %dma_start3A_800 = arith.constant 0 : i32
        %dma_start3A_801 = arith.constant 0 : i32
        %dma_start3A_802 = tpu.memref_slice %arg6[%dma_start3A_799, %dma_start3A_800, %dma_start3A_801] : memref<8x2x80xi32, #tpu.memory_space<vmem>> -> memref<1x2x80xi32, #tpu.memory_space<vmem>>
        %dma_start3A_803 = tpu.memref_squeeze %dma_start3A_802 : memref<1x2x80xi32, #tpu.memory_space<vmem>> -> memref<2x80xi32, #tpu.memory_space<vmem>>
        %dma_start3A_804 = arith.constant 0 : i32
        %dma_start3A_805 = arith.constant 0 : i32
        %dma_start3A_806 = tpu.memref_slice %arg2[%add3A_798, %dma_start3A_804, %dma_start3A_805] : memref<4096x2x80xi32, #tpu.memory_space<hbm>> -> memref<1x2x80xi32, #tpu.memory_space<hbm>>
        %dma_start3A_807 = tpu.memref_squeeze %dma_start3A_806 : memref<1x2x80xi32, #tpu.memory_space<hbm>> -> memref<2x80xi32, #tpu.memory_space<hbm>>
        %dma_start3A_808 = arith.constant 0 : i32
        %dma_start3A_809 = arith.constant 0 : i32
        %dma_start3A_810 = tpu.memref_slice %arg6[%dma_start3A_799, %dma_start3A_808, %dma_start3A_809] : memref<8x2x80xi32, #tpu.memory_space<vmem>> -> memref<1x2x80xi32, #tpu.memory_space<vmem>>
        %dma_start3A_811 = tpu.memref_squeeze %dma_start3A_810 : memref<1x2x80xi32, #tpu.memory_space<vmem>> -> memref<2x80xi32, #tpu.memory_space<vmem>>
        %dma_start3A_812 = arith.constant 0 : i32
        %dma_start3A_813 = arith.constant 0 : i32
        %dma_start3A_814 = tpu.memref_slice %arg2[%add3A_798, %dma_start3A_812, %dma_start3A_813] : memref<4096x2x80xi32, #tpu.memory_space<hbm>> -> memref<1x2x80xi32, #tpu.memory_space<hbm>>
        %dma_start3A_815 = tpu.memref_squeeze %dma_start3A_814 : memref<1x2x80xi32, #tpu.memory_space<hbm>> -> memref<2x80xi32, #tpu.memory_space<hbm>>
        tpu.enqueue_dma source(%dma_start3A_815 : memref<2x80xi32, #tpu.memory_space<hbm>>) target(%dma_start3A_811 : memref<2x80xi32, #tpu.memory_space<vmem>>) target_semaphore(%arg11 : memref<!tpu.dma_semaphore, #tpu.memory_space<semaphore_mem>>)
      } else {
      }
      %add3A_639 = arith.constant 4 : i32
      %add3A_640 = arith.addi %add3A_629, %add3A_639 : i32
      %sub3A_641 = arith.constant 1 : i32
      %sub3A_642 = arith.subi %add3A_640, %sub3A_641 : i32
      %lt3A_643 = arith.constant 128 : i32
      %lt3A_644 = arith.cmpi slt, %sub3A_642, %lt3A_643 : i32
      %convert_element_type3A_645 = arith.extui %lt3A_644 : i1 to i32
      %cond3A_646 = arith.constant 0 : i32
      %cond3A_647 = arith.cmpi ne, %convert_element_type3A_645, %cond3A_646 : i32
      scf.if %cond3A_647 {
        %ge3A = arith.constant 1 : i32
        %ge3A_794 = arith.cmpi sge, %add3A_629, %ge3A : i32
        %convert_element_type3A_795 = arith.extui %ge3A_794 : i1 to i32
        %cond3A_796 = arith.constant 0 : i32
        %cond3A_797 = arith.cmpi ne, %convert_element_type3A_795, %cond3A_796 : i32
        scf.if %cond3A_797 {
          %sub3A_837 = arith.constant 1 : i32
          %sub3A_838 = arith.subi %add3A_629, %sub3A_837 : i32
          %dma_wait3A_839 = arith.constant 0 : i32
          %dma_wait3A_840 = arith.constant 0 : i32
          %dma_wait3A_841 = arith.constant 1 : i32
          %dma_wait3A_842 = arith.constant 0 : i32
          %dma_wait3A_843 = arith.constant 0 : i32
          %dma_wait3A_844 = tpu.memref_slice %arg7[%dma_wait3A_839, %dma_wait3A_842, %dma_wait3A_843] : memref<4x80x128xf32, #tpu.memory_space<vmem>> -> memref<1x80x128xf32, #tpu.memory_space<vmem>>
          %dma_wait3A_845 = tpu.memref_squeeze %dma_wait3A_844 : memref<1x80x128xf32, #tpu.memory_space<vmem>> -> memref<80x128xf32, #tpu.memory_space<vmem>>
          %dma_wait3A_846 = arith.constant 0 : i32
          %dma_wait3A_847 = arith.constant 0 : i32
          %dma_wait3A_848 = tpu.memref_slice %arg6[%dma_wait3A_840, %dma_wait3A_846, %dma_wait3A_847] : memref<8x2x80xi32, #tpu.memory_space<vmem>> -> memref<1x2x80xi32, #tpu.memory_space<vmem>>
          %dma_wait3A_849 = tpu.memref_squeeze %dma_wait3A_848 : memref<1x2x80xi32, #tpu.memory_space<vmem>> -> memref<2x80xi32, #tpu.memory_space<vmem>>
          %dma_wait3A_850 = arith.constant 0 : i32
          %dma_wait3A_851 = tpu.memref_slice %dma_wait3A_849[%dma_wait3A_841, %dma_wait3A_850] : memref<2x80xi32, #tpu.memory_space<vmem>> -> memref<1x80xi32, #tpu.memory_space<vmem>>
          %dma_wait3A_852 = tpu.memref_squeeze %dma_wait3A_851 : memref<1x80xi32, #tpu.memory_space<vmem>> -> memref<80xi32, #tpu.memory_space<vmem>>
          %dma_wait3A_853 = arith.constant 0 : i32
          %dma_wait3A_854 = arith.constant 0 : i32
          %dma_wait3A_855 = tpu.memref_slice %arg5[%dma_wait3A_853, %dma_wait3A_854] : memref<10112x128xf32, #tpu.memory_space<vmem_shared>> -> memref<10112x128xf32, #tpu.memory_space<vmem_shared>>
          tpu.wait_indirect_dma semaphore(%arg20 : memref<!tpu.dma_semaphore, #tpu.memory_space<semaphore_mem>>) src(%dma_wait3A_845 : memref<80x128xf32, #tpu.memory_space<vmem>>) dst(%dma_wait3A_855 : memref<10112x128xf32, #tpu.memory_space<vmem_shared>>)
        } else {
        }
        %add3A_798 = arith.constant 4 : i32
        %add3A_799 = arith.addi %add3A_629, %add3A_798 : i32
        %sub3A_800 = arith.constant 1 : i32
        %sub3A_801 = arith.subi %add3A_799, %sub3A_800 : i32
        %add3A_802 = arith.addi %mul3A_2, %sub3A_801 : i32
        %dma_wait3A_803 = arith.constant 0 : i32
        %dma_wait3A_804 = arith.constant 0 : i32
        %dma_wait3A_805 = arith.constant 0 : i32
        %dma_wait3A_806 = tpu.memref_slice %arg6[%dma_wait3A_803, %dma_wait3A_804, %dma_wait3A_805] : memref<8x2x80xi32, #tpu.memory_space<vmem>> -> memref<1x2x80xi32, #tpu.memory_space<vmem>>
        %dma_wait3A_807 = tpu.memref_squeeze %dma_wait3A_806 : memref<1x2x80xi32, #tpu.memory_space<vmem>> -> memref<2x80xi32, #tpu.memory_space<vmem>>
        %dma_wait3A_808 = arith.constant 0 : i32
        %dma_wait3A_809 = arith.constant 0 : i32
        %dma_wait3A_810 = tpu.memref_slice %arg2[%add3A_802, %dma_wait3A_808, %dma_wait3A_809] : memref<4096x2x80xi32, #tpu.memory_space<hbm>> -> memref<1x2x80xi32, #tpu.memory_space<hbm>>
        %dma_wait3A_811 = tpu.memref_squeeze %dma_wait3A_810 : memref<1x2x80xi32, #tpu.memory_space<hbm>> -> memref<2x80xi32, #tpu.memory_space<hbm>>
        %dma_wait3A_812 = arith.constant 0 : i32
        %dma_wait3A_813 = arith.constant 0 : i32
        %dma_wait3A_814 = tpu.memref_slice %arg6[%dma_wait3A_803, %dma_wait3A_812, %dma_wait3A_813] : memref<8x2x80xi32, #tpu.memory_space<vmem>> -> memref<1x2x80xi32, #tpu.memory_space<vmem>>
        %dma_wait3A_815 = tpu.memref_squeeze %dma_wait3A_814 : memref<1x2x80xi32, #tpu.memory_space<vmem>> -> memref<2x80xi32, #tpu.memory_space<vmem>>
        %dma_wait3A_816 = arith.constant 0 : i32
        %dma_wait3A_817 = arith.constant 0 : i32
        %dma_wait3A_818 = tpu.memref_slice %arg2[%add3A_802, %dma_wait3A_816, %dma_wait3A_817] : memref<4096x2x80xi32, #tpu.memory_space<hbm>> -> memref<1x2x80xi32, #tpu.memory_space<hbm>>
        %dma_wait3A_819 = tpu.memref_squeeze %dma_wait3A_818 : memref<1x2x80xi32, #tpu.memory_space<hbm>> -> memref<2x80xi32, #tpu.memory_space<hbm>>
        tpu.wait_dma2 semaphore(%arg8 : memref<!tpu.dma_semaphore, #tpu.memory_space<semaphore_mem>>) src(%dma_wait3A_819 : memref<2x80xi32, #tpu.memory_space<hbm>>) dst(%dma_wait3A_815 : memref<2x80xi32, #tpu.memory_space<vmem>>)
        %dma_start3A_820 = arith.constant 0 : i32
        %dma_start3A_821 = arith.constant 0 : i32
        %dma_start3A_822 = arith.constant 0 : i32
        %dma_start3A_823 = arith.constant 0 : i32
        %dma_start3A_824 = arith.constant 0 : i32
        %dma_start3A_825 = tpu.memref_slice %arg7[%dma_start3A_822, %dma_start3A_823, %dma_start3A_824] : memref<4x80x128xf32, #tpu.memory_space<vmem>> -> memref<1x80x128xf32, #tpu.memory_space<vmem>>
        %dma_start3A_826 = tpu.memref_squeeze %dma_start3A_825 : memref<1x80x128xf32, #tpu.memory_space<vmem>> -> memref<80x128xf32, #tpu.memory_space<vmem>>
        %dma_start3A_827 = arith.constant 0 : i32
        %dma_start3A_828 = arith.constant 0 : i32
        %dma_start3A_829 = tpu.memref_slice %arg6[%dma_start3A_820, %dma_start3A_827, %dma_start3A_828] : memref<8x2x80xi32, #tpu.memory_space<vmem>> -> memref<1x2x80xi32, #tpu.memory_space<vmem>>
        %dma_start3A_830 = tpu.memref_squeeze %dma_start3A_829 : memref<1x2x80xi32, #tpu.memory_space<vmem>> -> memref<2x80xi32, #tpu.memory_space<vmem>>
        %dma_start3A_831 = arith.constant 0 : i32
        %dma_start3A_832 = tpu.memref_slice %dma_start3A_830[%dma_start3A_821, %dma_start3A_831] : memref<2x80xi32, #tpu.memory_space<vmem>> -> memref<1x80xi32, #tpu.memory_space<vmem>>
        %dma_start3A_833 = tpu.memref_squeeze %dma_start3A_832 : memref<1x80xi32, #tpu.memory_space<vmem>> -> memref<80xi32, #tpu.memory_space<vmem>>
        %dma_start3A_834 = arith.constant 0 : i32
        %dma_start3A_835 = arith.constant 0 : i32
        %dma_start3A_836 = tpu.memref_slice %arg3[%dma_start3A_834, %dma_start3A_835] : memref<10112x128xf32, #tpu.memory_space<hbm>> -> memref<10112x128xf32, #tpu.memory_space<hbm>>
        tpu.enqueue_indirect_dma source(%dma_start3A_836 : memref<10112x128xf32, #tpu.memory_space<hbm>>) target(%dma_start3A_826 : memref<80x128xf32, #tpu.memory_space<vmem>>) offsets(%dma_start3A_833 : memref<80xi32, #tpu.memory_space<vmem>>) semaphore(%arg16 : memref<!tpu.dma_semaphore, #tpu.memory_space<semaphore_mem>>)
      } else {
      }
      %dma_wait3A_648 = arith.constant 5 : i32
      %dma_wait3A_649 = arith.constant 0 : i32
      %dma_wait3A_650 = arith.constant 1 : i32
      %dma_wait3A_651 = arith.constant 0 : i32
      %dma_wait3A_652 = arith.constant 0 : i32
      %dma_wait3A_653 = tpu.memref_slice %arg7[%dma_wait3A_650, %dma_wait3A_651, %dma_wait3A_652] : memref<4x80x128xf32, #tpu.memory_space<vmem>> -> memref<1x80x128xf32, #tpu.memory_space<vmem>>
      %dma_wait3A_654 = tpu.memref_squeeze %dma_wait3A_653 : memref<1x80x128xf32, #tpu.memory_space<vmem>> -> memref<80x128xf32, #tpu.memory_space<vmem>>
      %dma_wait3A_655 = arith.constant 0 : i32
      %dma_wait3A_656 = arith.constant 0 : i32
      %dma_wait3A_657 = tpu.memref_slice %arg6[%dma_wait3A_648, %dma_wait3A_655, %dma_wait3A_656] : memref<8x2x80xi32, #tpu.memory_space<vmem>> -> memref<1x2x80xi32, #tpu.memory_space<vmem>>
      %dma_wait3A_658 = tpu.memref_squeeze %dma_wait3A_657 : memref<1x2x80xi32, #tpu.memory_space<vmem>> -> memref<2x80xi32, #tpu.memory_space<vmem>>
      %dma_wait3A_659 = arith.constant 0 : i32
      %dma_wait3A_660 = tpu.memref_slice %dma_wait3A_658[%dma_wait3A_649, %dma_wait3A_659] : memref<2x80xi32, #tpu.memory_space<vmem>> -> memref<1x80xi32, #tpu.memory_space<vmem>>
      %dma_wait3A_661 = tpu.memref_squeeze %dma_wait3A_660 : memref<1x80xi32, #tpu.memory_space<vmem>> -> memref<80xi32, #tpu.memory_space<vmem>>
      %dma_wait3A_662 = arith.constant 0 : i32
      %dma_wait3A_663 = arith.constant 0 : i32
      %dma_wait3A_664 = tpu.memref_slice %arg3[%dma_wait3A_662, %dma_wait3A_663] : memref<10112x128xf32, #tpu.memory_space<hbm>> -> memref<10112x128xf32, #tpu.memory_space<hbm>>
      tpu.wait_indirect_dma semaphore(%arg17 : memref<!tpu.dma_semaphore, #tpu.memory_space<semaphore_mem>>) src(%dma_wait3A_664 : memref<10112x128xf32, #tpu.memory_space<hbm>>) dst(%dma_wait3A_654 : memref<80x128xf32, #tpu.memory_space<vmem>>)
      %dma_start3A_665 = arith.constant 1 : i32
      %dma_start3A_666 = arith.constant 5 : i32
      %dma_start3A_667 = arith.constant 1 : i32
      %dma_start3A_668 = arith.constant 0 : i32
      %dma_start3A_669 = arith.constant 0 : i32
      %dma_start3A_670 = tpu.memref_slice %arg7[%dma_start3A_665, %dma_start3A_668, %dma_start3A_669] : memref<4x80x128xf32, #tpu.memory_space<vmem>> -> memref<1x80x128xf32, #tpu.memory_space<vmem>>
      %dma_start3A_671 = tpu.memref_squeeze %dma_start3A_670 : memref<1x80x128xf32, #tpu.memory_space<vmem>> -> memref<80x128xf32, #tpu.memory_space<vmem>>
      %dma_start3A_672 = arith.constant 0 : i32
      %dma_start3A_673 = arith.constant 0 : i32
      %dma_start3A_674 = tpu.memref_slice %arg6[%dma_start3A_666, %dma_start3A_672, %dma_start3A_673] : memref<8x2x80xi32, #tpu.memory_space<vmem>> -> memref<1x2x80xi32, #tpu.memory_space<vmem>>
      %dma_start3A_675 = tpu.memref_squeeze %dma_start3A_674 : memref<1x2x80xi32, #tpu.memory_space<vmem>> -> memref<2x80xi32, #tpu.memory_space<vmem>>
      %dma_start3A_676 = arith.constant 0 : i32
      %dma_start3A_677 = tpu.memref_slice %dma_start3A_675[%dma_start3A_667, %dma_start3A_676] : memref<2x80xi32, #tpu.memory_space<vmem>> -> memref<1x80xi32, #tpu.memory_space<vmem>>
      %dma_start3A_678 = tpu.memref_squeeze %dma_start3A_677 : memref<1x80xi32, #tpu.memory_space<vmem>> -> memref<80xi32, #tpu.memory_space<vmem>>
      %dma_start3A_679 = arith.constant 0 : i32
      %dma_start3A_680 = arith.constant 0 : i32
      %dma_start3A_681 = tpu.memref_slice %arg5[%dma_start3A_679, %dma_start3A_680] : memref<10112x128xf32, #tpu.memory_space<vmem_shared>> -> memref<10112x128xf32, #tpu.memory_space<vmem_shared>>
      tpu.enqueue_indirect_dma source(%dma_start3A_671 : memref<80x128xf32, #tpu.memory_space<vmem>>) target(%dma_start3A_681 : memref<10112x128xf32, #tpu.memory_space<vmem_shared>>) offsets(%dma_start3A_678 : memref<80xi32, #tpu.memory_space<vmem>>) semaphore(%arg21 : memref<!tpu.dma_semaphore, #tpu.memory_space<semaphore_mem>>) {add = true}
      %mul3A_682 = arith.constant 8 : i32
      %mul3A_683 = arith.muli %scan3A_349, %mul3A_682 : i32
      %add3A_684 = arith.constant 6 : i32
      %add3A_685 = arith.addi %mul3A_683, %add3A_684 : i32
      %add3A_686 = arith.constant 4 : i32
      %add3A_687 = arith.addi %add3A_685, %add3A_686 : i32
      %add3A_688 = arith.constant 2 : i32
      %add3A_689 = arith.addi %add3A_687, %add3A_688 : i32
      %lt3A_690 = arith.constant 128 : i32
      %lt3A_691 = arith.cmpi slt, %add3A_689, %lt3A_690 : i32
      %convert_element_type3A_692 = arith.extui %lt3A_691 : i1 to i32
      %cond3A_693 = arith.constant 0 : i32
      %cond3A_694 = arith.cmpi ne, %convert_element_type3A_692, %cond3A_693 : i32
      scf.if %cond3A_694 {
        %add3A_794 = arith.constant 4 : i32
        %add3A_795 = arith.addi %add3A_685, %add3A_794 : i32
        %add3A_796 = arith.constant 2 : i32
        %add3A_797 = arith.addi %add3A_795, %add3A_796 : i32
        %add3A_798 = arith.addi %mul3A_2, %add3A_797 : i32
        %dma_start3A_799 = arith.constant 4 : i32
        %dma_start3A_800 = arith.constant 0 : i32
        %dma_start3A_801 = arith.constant 0 : i32
        %dma_start3A_802 = tpu.memref_slice %arg6[%dma_start3A_799, %dma_start3A_800, %dma_start3A_801] : memref<8x2x80xi32, #tpu.memory_space<vmem>> -> memref<1x2x80xi32, #tpu.memory_space<vmem>>
        %dma_start3A_803 = tpu.memref_squeeze %dma_start3A_802 : memref<1x2x80xi32, #tpu.memory_space<vmem>> -> memref<2x80xi32, #tpu.memory_space<vmem>>
        %dma_start3A_804 = arith.constant 0 : i32
        %dma_start3A_805 = arith.constant 0 : i32
        %dma_start3A_806 = tpu.memref_slice %arg2[%add3A_798, %dma_start3A_804, %dma_start3A_805] : memref<4096x2x80xi32, #tpu.memory_space<hbm>> -> memref<1x2x80xi32, #tpu.memory_space<hbm>>
        %dma_start3A_807 = tpu.memref_squeeze %dma_start3A_806 : memref<1x2x80xi32, #tpu.memory_space<hbm>> -> memref<2x80xi32, #tpu.memory_space<hbm>>
        %dma_start3A_808 = arith.constant 0 : i32
        %dma_start3A_809 = arith.constant 0 : i32
        %dma_start3A_810 = tpu.memref_slice %arg6[%dma_start3A_799, %dma_start3A_808, %dma_start3A_809] : memref<8x2x80xi32, #tpu.memory_space<vmem>> -> memref<1x2x80xi32, #tpu.memory_space<vmem>>
        %dma_start3A_811 = tpu.memref_squeeze %dma_start3A_810 : memref<1x2x80xi32, #tpu.memory_space<vmem>> -> memref<2x80xi32, #tpu.memory_space<vmem>>
        %dma_start3A_812 = arith.constant 0 : i32
        %dma_start3A_813 = arith.constant 0 : i32
        %dma_start3A_814 = tpu.memref_slice %arg2[%add3A_798, %dma_start3A_812, %dma_start3A_813] : memref<4096x2x80xi32, #tpu.memory_space<hbm>> -> memref<1x2x80xi32, #tpu.memory_space<hbm>>
        %dma_start3A_815 = tpu.memref_squeeze %dma_start3A_814 : memref<1x2x80xi32, #tpu.memory_space<hbm>> -> memref<2x80xi32, #tpu.memory_space<hbm>>
        tpu.enqueue_dma source(%dma_start3A_815 : memref<2x80xi32, #tpu.memory_space<hbm>>) target(%dma_start3A_811 : memref<2x80xi32, #tpu.memory_space<vmem>>) target_semaphore(%arg12 : memref<!tpu.dma_semaphore, #tpu.memory_space<semaphore_mem>>)
      } else {
      }
      %add3A_695 = arith.constant 4 : i32
      %add3A_696 = arith.addi %add3A_685, %add3A_695 : i32
      %sub3A_697 = arith.constant 1 : i32
      %sub3A_698 = arith.subi %add3A_696, %sub3A_697 : i32
      %lt3A_699 = arith.constant 128 : i32
      %lt3A_700 = arith.cmpi slt, %sub3A_698, %lt3A_699 : i32
      %convert_element_type3A_701 = arith.extui %lt3A_700 : i1 to i32
      %cond3A_702 = arith.constant 0 : i32
      %cond3A_703 = arith.cmpi ne, %convert_element_type3A_701, %cond3A_702 : i32
      scf.if %cond3A_703 {
        %ge3A = arith.constant 1 : i32
        %ge3A_794 = arith.cmpi sge, %add3A_685, %ge3A : i32
        %convert_element_type3A_795 = arith.extui %ge3A_794 : i1 to i32
        %cond3A_796 = arith.constant 0 : i32
        %cond3A_797 = arith.cmpi ne, %convert_element_type3A_795, %cond3A_796 : i32
        scf.if %cond3A_797 {
          %sub3A_837 = arith.constant 1 : i32
          %sub3A_838 = arith.subi %add3A_685, %sub3A_837 : i32
          %dma_wait3A_839 = arith.constant 1 : i32
          %dma_wait3A_840 = arith.constant 1 : i32
          %dma_wait3A_841 = arith.constant 1 : i32
          %dma_wait3A_842 = arith.constant 0 : i32
          %dma_wait3A_843 = arith.constant 0 : i32
          %dma_wait3A_844 = tpu.memref_slice %arg7[%dma_wait3A_839, %dma_wait3A_842, %dma_wait3A_843] : memref<4x80x128xf32, #tpu.memory_space<vmem>> -> memref<1x80x128xf32, #tpu.memory_space<vmem>>
          %dma_wait3A_845 = tpu.memref_squeeze %dma_wait3A_844 : memref<1x80x128xf32, #tpu.memory_space<vmem>> -> memref<80x128xf32, #tpu.memory_space<vmem>>
          %dma_wait3A_846 = arith.constant 0 : i32
          %dma_wait3A_847 = arith.constant 0 : i32
          %dma_wait3A_848 = tpu.memref_slice %arg6[%dma_wait3A_840, %dma_wait3A_846, %dma_wait3A_847] : memref<8x2x80xi32, #tpu.memory_space<vmem>> -> memref<1x2x80xi32, #tpu.memory_space<vmem>>
          %dma_wait3A_849 = tpu.memref_squeeze %dma_wait3A_848 : memref<1x2x80xi32, #tpu.memory_space<vmem>> -> memref<2x80xi32, #tpu.memory_space<vmem>>
          %dma_wait3A_850 = arith.constant 0 : i32
          %dma_wait3A_851 = tpu.memref_slice %dma_wait3A_849[%dma_wait3A_841, %dma_wait3A_850] : memref<2x80xi32, #tpu.memory_space<vmem>> -> memref<1x80xi32, #tpu.memory_space<vmem>>
          %dma_wait3A_852 = tpu.memref_squeeze %dma_wait3A_851 : memref<1x80xi32, #tpu.memory_space<vmem>> -> memref<80xi32, #tpu.memory_space<vmem>>
          %dma_wait3A_853 = arith.constant 0 : i32
          %dma_wait3A_854 = arith.constant 0 : i32
          %dma_wait3A_855 = tpu.memref_slice %arg5[%dma_wait3A_853, %dma_wait3A_854] : memref<10112x128xf32, #tpu.memory_space<vmem_shared>> -> memref<10112x128xf32, #tpu.memory_space<vmem_shared>>
          tpu.wait_indirect_dma semaphore(%arg21 : memref<!tpu.dma_semaphore, #tpu.memory_space<semaphore_mem>>) src(%dma_wait3A_845 : memref<80x128xf32, #tpu.memory_space<vmem>>) dst(%dma_wait3A_855 : memref<10112x128xf32, #tpu.memory_space<vmem_shared>>)
        } else {
        }
        %add3A_798 = arith.constant 4 : i32
        %add3A_799 = arith.addi %add3A_685, %add3A_798 : i32
        %sub3A_800 = arith.constant 1 : i32
        %sub3A_801 = arith.subi %add3A_799, %sub3A_800 : i32
        %add3A_802 = arith.addi %mul3A_2, %sub3A_801 : i32
        %dma_wait3A_803 = arith.constant 1 : i32
        %dma_wait3A_804 = arith.constant 0 : i32
        %dma_wait3A_805 = arith.constant 0 : i32
        %dma_wait3A_806 = tpu.memref_slice %arg6[%dma_wait3A_803, %dma_wait3A_804, %dma_wait3A_805] : memref<8x2x80xi32, #tpu.memory_space<vmem>> -> memref<1x2x80xi32, #tpu.memory_space<vmem>>
        %dma_wait3A_807 = tpu.memref_squeeze %dma_wait3A_806 : memref<1x2x80xi32, #tpu.memory_space<vmem>> -> memref<2x80xi32, #tpu.memory_space<vmem>>
        %dma_wait3A_808 = arith.constant 0 : i32
        %dma_wait3A_809 = arith.constant 0 : i32
        %dma_wait3A_810 = tpu.memref_slice %arg2[%add3A_802, %dma_wait3A_808, %dma_wait3A_809] : memref<4096x2x80xi32, #tpu.memory_space<hbm>> -> memref<1x2x80xi32, #tpu.memory_space<hbm>>
        %dma_wait3A_811 = tpu.memref_squeeze %dma_wait3A_810 : memref<1x2x80xi32, #tpu.memory_space<hbm>> -> memref<2x80xi32, #tpu.memory_space<hbm>>
        %dma_wait3A_812 = arith.constant 0 : i32
        %dma_wait3A_813 = arith.constant 0 : i32
        %dma_wait3A_814 = tpu.memref_slice %arg6[%dma_wait3A_803, %dma_wait3A_812, %dma_wait3A_813] : memref<8x2x80xi32, #tpu.memory_space<vmem>> -> memref<1x2x80xi32, #tpu.memory_space<vmem>>
        %dma_wait3A_815 = tpu.memref_squeeze %dma_wait3A_814 : memref<1x2x80xi32, #tpu.memory_space<vmem>> -> memref<2x80xi32, #tpu.memory_space<vmem>>
        %dma_wait3A_816 = arith.constant 0 : i32
        %dma_wait3A_817 = arith.constant 0 : i32
        %dma_wait3A_818 = tpu.memref_slice %arg2[%add3A_802, %dma_wait3A_816, %dma_wait3A_817] : memref<4096x2x80xi32, #tpu.memory_space<hbm>> -> memref<1x2x80xi32, #tpu.memory_space<hbm>>
        %dma_wait3A_819 = tpu.memref_squeeze %dma_wait3A_818 : memref<1x2x80xi32, #tpu.memory_space<hbm>> -> memref<2x80xi32, #tpu.memory_space<hbm>>
        tpu.wait_dma2 semaphore(%arg9 : memref<!tpu.dma_semaphore, #tpu.memory_space<semaphore_mem>>) src(%dma_wait3A_819 : memref<2x80xi32, #tpu.memory_space<hbm>>) dst(%dma_wait3A_815 : memref<2x80xi32, #tpu.memory_space<vmem>>)
        %dma_start3A_820 = arith.constant 1 : i32
        %dma_start3A_821 = arith.constant 0 : i32
        %dma_start3A_822 = arith.constant 1 : i32
        %dma_start3A_823 = arith.constant 0 : i32
        %dma_start3A_824 = arith.constant 0 : i32
        %dma_start3A_825 = tpu.memref_slice %arg7[%dma_start3A_822, %dma_start3A_823, %dma_start3A_824] : memref<4x80x128xf32, #tpu.memory_space<vmem>> -> memref<1x80x128xf32, #tpu.memory_space<vmem>>
        %dma_start3A_826 = tpu.memref_squeeze %dma_start3A_825 : memref<1x80x128xf32, #tpu.memory_space<vmem>> -> memref<80x128xf32, #tpu.memory_space<vmem>>
        %dma_start3A_827 = arith.constant 0 : i32
        %dma_start3A_828 = arith.constant 0 : i32
        %dma_start3A_829 = tpu.memref_slice %arg6[%dma_start3A_820, %dma_start3A_827, %dma_start3A_828] : memref<8x2x80xi32, #tpu.memory_space<vmem>> -> memref<1x2x80xi32, #tpu.memory_space<vmem>>
        %dma_start3A_830 = tpu.memref_squeeze %dma_start3A_829 : memref<1x2x80xi32, #tpu.memory_space<vmem>> -> memref<2x80xi32, #tpu.memory_space<vmem>>
        %dma_start3A_831 = arith.constant 0 : i32
        %dma_start3A_832 = tpu.memref_slice %dma_start3A_830[%dma_start3A_821, %dma_start3A_831] : memref<2x80xi32, #tpu.memory_space<vmem>> -> memref<1x80xi32, #tpu.memory_space<vmem>>
        %dma_start3A_833 = tpu.memref_squeeze %dma_start3A_832 : memref<1x80xi32, #tpu.memory_space<vmem>> -> memref<80xi32, #tpu.memory_space<vmem>>
        %dma_start3A_834 = arith.constant 0 : i32
        %dma_start3A_835 = arith.constant 0 : i32
        %dma_start3A_836 = tpu.memref_slice %arg3[%dma_start3A_834, %dma_start3A_835] : memref<10112x128xf32, #tpu.memory_space<hbm>> -> memref<10112x128xf32, #tpu.memory_space<hbm>>
        tpu.enqueue_indirect_dma source(%dma_start3A_836 : memref<10112x128xf32, #tpu.memory_space<hbm>>) target(%dma_start3A_826 : memref<80x128xf32, #tpu.memory_space<vmem>>) offsets(%dma_start3A_833 : memref<80xi32, #tpu.memory_space<vmem>>) semaphore(%arg17 : memref<!tpu.dma_semaphore, #tpu.memory_space<semaphore_mem>>)
      } else {
      }
      %dma_wait3A_704 = arith.constant 6 : i32
      %dma_wait3A_705 = arith.constant 0 : i32
      %dma_wait3A_706 = arith.constant 2 : i32
      %dma_wait3A_707 = arith.constant 0 : i32
      %dma_wait3A_708 = arith.constant 0 : i32
      %dma_wait3A_709 = tpu.memref_slice %arg7[%dma_wait3A_706, %dma_wait3A_707, %dma_wait3A_708] : memref<4x80x128xf32, #tpu.memory_space<vmem>> -> memref<1x80x128xf32, #tpu.memory_space<vmem>>
      %dma_wait3A_710 = tpu.memref_squeeze %dma_wait3A_709 : memref<1x80x128xf32, #tpu.memory_space<vmem>> -> memref<80x128xf32, #tpu.memory_space<vmem>>
      %dma_wait3A_711 = arith.constant 0 : i32
      %dma_wait3A_712 = arith.constant 0 : i32
      %dma_wait3A_713 = tpu.memref_slice %arg6[%dma_wait3A_704, %dma_wait3A_711, %dma_wait3A_712] : memref<8x2x80xi32, #tpu.memory_space<vmem>> -> memref<1x2x80xi32, #tpu.memory_space<vmem>>
      %dma_wait3A_714 = tpu.memref_squeeze %dma_wait3A_713 : memref<1x2x80xi32, #tpu.memory_space<vmem>> -> memref<2x80xi32, #tpu.memory_space<vmem>>
      %dma_wait3A_715 = arith.constant 0 : i32
      %dma_wait3A_716 = tpu.memref_slice %dma_wait3A_714[%dma_wait3A_705, %dma_wait3A_715] : memref<2x80xi32, #tpu.memory_space<vmem>> -> memref<1x80xi32, #tpu.memory_space<vmem>>
      %dma_wait3A_717 = tpu.memref_squeeze %dma_wait3A_716 : memref<1x80xi32, #tpu.memory_space<vmem>> -> memref<80xi32, #tpu.memory_space<vmem>>
      %dma_wait3A_718 = arith.constant 0 : i32
      %dma_wait3A_719 = arith.constant 0 : i32
      %dma_wait3A_720 = tpu.memref_slice %arg3[%dma_wait3A_718, %dma_wait3A_719] : memref<10112x128xf32, #tpu.memory_space<hbm>> -> memref<10112x128xf32, #tpu.memory_space<hbm>>
      tpu.wait_indirect_dma semaphore(%arg18 : memref<!tpu.dma_semaphore, #tpu.memory_space<semaphore_mem>>) src(%dma_wait3A_720 : memref<10112x128xf32, #tpu.memory_space<hbm>>) dst(%dma_wait3A_710 : memref<80x128xf32, #tpu.memory_space<vmem>>)
      %dma_start3A_721 = arith.constant 2 : i32
      %dma_start3A_722 = arith.constant 6 : i32
      %dma_start3A_723 = arith.constant 1 : i32
      %dma_start3A_724 = arith.constant 0 : i32
      %dma_start3A_725 = arith.constant 0 : i32
      %dma_start3A_726 = tpu.memref_slice %arg7[%dma_start3A_721, %dma_start3A_724, %dma_start3A_725] : memref<4x80x128xf32, #tpu.memory_space<vmem>> -> memref<1x80x128xf32, #tpu.memory_space<vmem>>
      %dma_start3A_727 = tpu.memref_squeeze %dma_start3A_726 : memref<1x80x128xf32, #tpu.memory_space<vmem>> -> memref<80x128xf32, #tpu.memory_space<vmem>>
      %dma_start3A_728 = arith.constant 0 : i32
      %dma_start3A_729 = arith.constant 0 : i32
      %dma_start3A_730 = tpu.memref_slice %arg6[%dma_start3A_722, %dma_start3A_728, %dma_start3A_729] : memref<8x2x80xi32, #tpu.memory_space<vmem>> -> memref<1x2x80xi32, #tpu.memory_space<vmem>>
      %dma_start3A_731 = tpu.memref_squeeze %dma_start3A_730 : memref<1x2x80xi32, #tpu.memory_space<vmem>> -> memref<2x80xi32, #tpu.memory_space<vmem>>
      %dma_start3A_732 = arith.constant 0 : i32
      %dma_start3A_733 = tpu.memref_slice %dma_start3A_731[%dma_start3A_723, %dma_start3A_732] : memref<2x80xi32, #tpu.memory_space<vmem>> -> memref<1x80xi32, #tpu.memory_space<vmem>>
      %dma_start3A_734 = tpu.memref_squeeze %dma_start3A_733 : memref<1x80xi32, #tpu.memory_space<vmem>> -> memref<80xi32, #tpu.memory_space<vmem>>
      %dma_start3A_735 = arith.constant 0 : i32
      %dma_start3A_736 = arith.constant 0 : i32
      %dma_start3A_737 = tpu.memref_slice %arg5[%dma_start3A_735, %dma_start3A_736] : memref<10112x128xf32, #tpu.memory_space<vmem_shared>> -> memref<10112x128xf32, #tpu.memory_space<vmem_shared>>
      tpu.enqueue_indirect_dma source(%dma_start3A_727 : memref<80x128xf32, #tpu.memory_space<vmem>>) target(%dma_start3A_737 : memref<10112x128xf32, #tpu.memory_space<vmem_shared>>) offsets(%dma_start3A_734 : memref<80xi32, #tpu.memory_space<vmem>>) semaphore(%arg22 : memref<!tpu.dma_semaphore, #tpu.memory_space<semaphore_mem>>) {add = true}
      %mul3A_738 = arith.constant 8 : i32
      %mul3A_739 = arith.muli %scan3A_349, %mul3A_738 : i32
      %add3A_740 = arith.constant 7 : i32
      %add3A_741 = arith.addi %mul3A_739, %add3A_740 : i32
      %add3A_742 = arith.constant 4 : i32
      %add3A_743 = arith.addi %add3A_741, %add3A_742 : i32
      %add3A_744 = arith.constant 2 : i32
      %add3A_745 = arith.addi %add3A_743, %add3A_744 : i32
      %lt3A_746 = arith.constant 128 : i32
      %lt3A_747 = arith.cmpi slt, %add3A_745, %lt3A_746 : i32
      %convert_element_type3A_748 = arith.extui %lt3A_747 : i1 to i32
      %cond3A_749 = arith.constant 0 : i32
      %cond3A_750 = arith.cmpi ne, %convert_element_type3A_748, %cond3A_749 : i32
      scf.if %cond3A_750 {
        %add3A_794 = arith.constant 4 : i32
        %add3A_795 = arith.addi %add3A_741, %add3A_794 : i32
        %add3A_796 = arith.constant 2 : i32
        %add3A_797 = arith.addi %add3A_795, %add3A_796 : i32
        %add3A_798 = arith.addi %mul3A_2, %add3A_797 : i32
        %dma_start3A_799 = arith.constant 5 : i32
        %dma_start3A_800 = arith.constant 0 : i32
        %dma_start3A_801 = arith.constant 0 : i32
        %dma_start3A_802 = tpu.memref_slice %arg6[%dma_start3A_799, %dma_start3A_800, %dma_start3A_801] : memref<8x2x80xi32, #tpu.memory_space<vmem>> -> memref<1x2x80xi32, #tpu.memory_space<vmem>>
        %dma_start3A_803 = tpu.memref_squeeze %dma_start3A_802 : memref<1x2x80xi32, #tpu.memory_space<vmem>> -> memref<2x80xi32, #tpu.memory_space<vmem>>
        %dma_start3A_804 = arith.constant 0 : i32
        %dma_start3A_805 = arith.constant 0 : i32
        %dma_start3A_806 = tpu.memref_slice %arg2[%add3A_798, %dma_start3A_804, %dma_start3A_805] : memref<4096x2x80xi32, #tpu.memory_space<hbm>> -> memref<1x2x80xi32, #tpu.memory_space<hbm>>
        %dma_start3A_807 = tpu.memref_squeeze %dma_start3A_806 : memref<1x2x80xi32, #tpu.memory_space<hbm>> -> memref<2x80xi32, #tpu.memory_space<hbm>>
        %dma_start3A_808 = arith.constant 0 : i32
        %dma_start3A_809 = arith.constant 0 : i32
        %dma_start3A_810 = tpu.memref_slice %arg6[%dma_start3A_799, %dma_start3A_808, %dma_start3A_809] : memref<8x2x80xi32, #tpu.memory_space<vmem>> -> memref<1x2x80xi32, #tpu.memory_space<vmem>>
        %dma_start3A_811 = tpu.memref_squeeze %dma_start3A_810 : memref<1x2x80xi32, #tpu.memory_space<vmem>> -> memref<2x80xi32, #tpu.memory_space<vmem>>
        %dma_start3A_812 = arith.constant 0 : i32
        %dma_start3A_813 = arith.constant 0 : i32
        %dma_start3A_814 = tpu.memref_slice %arg2[%add3A_798, %dma_start3A_812, %dma_start3A_813] : memref<4096x2x80xi32, #tpu.memory_space<hbm>> -> memref<1x2x80xi32, #tpu.memory_space<hbm>>
        %dma_start3A_815 = tpu.memref_squeeze %dma_start3A_814 : memref<1x2x80xi32, #tpu.memory_space<hbm>> -> memref<2x80xi32, #tpu.memory_space<hbm>>
        tpu.enqueue_dma source(%dma_start3A_815 : memref<2x80xi32, #tpu.memory_space<hbm>>) target(%dma_start3A_811 : memref<2x80xi32, #tpu.memory_space<vmem>>) target_semaphore(%arg13 : memref<!tpu.dma_semaphore, #tpu.memory_space<semaphore_mem>>)
      } else {
      }
      %add3A_751 = arith.constant 4 : i32
      %add3A_752 = arith.addi %add3A_741, %add3A_751 : i32
      %sub3A_753 = arith.constant 1 : i32
      %sub3A_754 = arith.subi %add3A_752, %sub3A_753 : i32
      %lt3A_755 = arith.constant 128 : i32
      %lt3A_756 = arith.cmpi slt, %sub3A_754, %lt3A_755 : i32
      %convert_element_type3A_757 = arith.extui %lt3A_756 : i1 to i32
      %cond3A_758 = arith.constant 0 : i32
      %cond3A_759 = arith.cmpi ne, %convert_element_type3A_757, %cond3A_758 : i32
      scf.if %cond3A_759 {
        %ge3A = arith.constant 1 : i32
        %ge3A_794 = arith.cmpi sge, %add3A_741, %ge3A : i32
        %convert_element_type3A_795 = arith.extui %ge3A_794 : i1 to i32
        %cond3A_796 = arith.constant 0 : i32
        %cond3A_797 = arith.cmpi ne, %convert_element_type3A_795, %cond3A_796 : i32
        scf.if %cond3A_797 {
          %sub3A_837 = arith.constant 1 : i32
          %sub3A_838 = arith.subi %add3A_741, %sub3A_837 : i32
          %dma_wait3A_839 = arith.constant 2 : i32
          %dma_wait3A_840 = arith.constant 2 : i32
          %dma_wait3A_841 = arith.constant 1 : i32
          %dma_wait3A_842 = arith.constant 0 : i32
          %dma_wait3A_843 = arith.constant 0 : i32
          %dma_wait3A_844 = tpu.memref_slice %arg7[%dma_wait3A_839, %dma_wait3A_842, %dma_wait3A_843] : memref<4x80x128xf32, #tpu.memory_space<vmem>> -> memref<1x80x128xf32, #tpu.memory_space<vmem>>
          %dma_wait3A_845 = tpu.memref_squeeze %dma_wait3A_844 : memref<1x80x128xf32, #tpu.memory_space<vmem>> -> memref<80x128xf32, #tpu.memory_space<vmem>>
          %dma_wait3A_846 = arith.constant 0 : i32
          %dma_wait3A_847 = arith.constant 0 : i32
          %dma_wait3A_848 = tpu.memref_slice %arg6[%dma_wait3A_840, %dma_wait3A_846, %dma_wait3A_847] : memref<8x2x80xi32, #tpu.memory_space<vmem>> -> memref<1x2x80xi32, #tpu.memory_space<vmem>>
          %dma_wait3A_849 = tpu.memref_squeeze %dma_wait3A_848 : memref<1x2x80xi32, #tpu.memory_space<vmem>> -> memref<2x80xi32, #tpu.memory_space<vmem>>
          %dma_wait3A_850 = arith.constant 0 : i32
          %dma_wait3A_851 = tpu.memref_slice %dma_wait3A_849[%dma_wait3A_841, %dma_wait3A_850] : memref<2x80xi32, #tpu.memory_space<vmem>> -> memref<1x80xi32, #tpu.memory_space<vmem>>
          %dma_wait3A_852 = tpu.memref_squeeze %dma_wait3A_851 : memref<1x80xi32, #tpu.memory_space<vmem>> -> memref<80xi32, #tpu.memory_space<vmem>>
          %dma_wait3A_853 = arith.constant 0 : i32
          %dma_wait3A_854 = arith.constant 0 : i32
          %dma_wait3A_855 = tpu.memref_slice %arg5[%dma_wait3A_853, %dma_wait3A_854] : memref<10112x128xf32, #tpu.memory_space<vmem_shared>> -> memref<10112x128xf32, #tpu.memory_space<vmem_shared>>
          tpu.wait_indirect_dma semaphore(%arg22 : memref<!tpu.dma_semaphore, #tpu.memory_space<semaphore_mem>>) src(%dma_wait3A_845 : memref<80x128xf32, #tpu.memory_space<vmem>>) dst(%dma_wait3A_855 : memref<10112x128xf32, #tpu.memory_space<vmem_shared>>)
        } else {
        }
        %add3A_798 = arith.constant 4 : i32
        %add3A_799 = arith.addi %add3A_741, %add3A_798 : i32
        %sub3A_800 = arith.constant 1 : i32
        %sub3A_801 = arith.subi %add3A_799, %sub3A_800 : i32
        %add3A_802 = arith.addi %mul3A_2, %sub3A_801 : i32
        %dma_wait3A_803 = arith.constant 2 : i32
        %dma_wait3A_804 = arith.constant 0 : i32
        %dma_wait3A_805 = arith.constant 0 : i32
        %dma_wait3A_806 = tpu.memref_slice %arg6[%dma_wait3A_803, %dma_wait3A_804, %dma_wait3A_805] : memref<8x2x80xi32, #tpu.memory_space<vmem>> -> memref<1x2x80xi32, #tpu.memory_space<vmem>>
        %dma_wait3A_807 = tpu.memref_squeeze %dma_wait3A_806 : memref<1x2x80xi32, #tpu.memory_space<vmem>> -> memref<2x80xi32, #tpu.memory_space<vmem>>
        %dma_wait3A_808 = arith.constant 0 : i32
        %dma_wait3A_809 = arith.constant 0 : i32
        %dma_wait3A_810 = tpu.memref_slice %arg2[%add3A_802, %dma_wait3A_808, %dma_wait3A_809] : memref<4096x2x80xi32, #tpu.memory_space<hbm>> -> memref<1x2x80xi32, #tpu.memory_space<hbm>>
        %dma_wait3A_811 = tpu.memref_squeeze %dma_wait3A_810 : memref<1x2x80xi32, #tpu.memory_space<hbm>> -> memref<2x80xi32, #tpu.memory_space<hbm>>
        %dma_wait3A_812 = arith.constant 0 : i32
        %dma_wait3A_813 = arith.constant 0 : i32
        %dma_wait3A_814 = tpu.memref_slice %arg6[%dma_wait3A_803, %dma_wait3A_812, %dma_wait3A_813] : memref<8x2x80xi32, #tpu.memory_space<vmem>> -> memref<1x2x80xi32, #tpu.memory_space<vmem>>
        %dma_wait3A_815 = tpu.memref_squeeze %dma_wait3A_814 : memref<1x2x80xi32, #tpu.memory_space<vmem>> -> memref<2x80xi32, #tpu.memory_space<vmem>>
        %dma_wait3A_816 = arith.constant 0 : i32
        %dma_wait3A_817 = arith.constant 0 : i32
        %dma_wait3A_818 = tpu.memref_slice %arg2[%add3A_802, %dma_wait3A_816, %dma_wait3A_817] : memref<4096x2x80xi32, #tpu.memory_space<hbm>> -> memref<1x2x80xi32, #tpu.memory_space<hbm>>
        %dma_wait3A_819 = tpu.memref_squeeze %dma_wait3A_818 : memref<1x2x80xi32, #tpu.memory_space<hbm>> -> memref<2x80xi32, #tpu.memory_space<hbm>>
        tpu.wait_dma2 semaphore(%arg10 : memref<!tpu.dma_semaphore, #tpu.memory_space<semaphore_mem>>) src(%dma_wait3A_819 : memref<2x80xi32, #tpu.memory_space<hbm>>) dst(%dma_wait3A_815 : memref<2x80xi32, #tpu.memory_space<vmem>>)
        %dma_start3A_820 = arith.constant 2 : i32
        %dma_start3A_821 = arith.constant 0 : i32
        %dma_start3A_822 = arith.constant 2 : i32
        %dma_start3A_823 = arith.constant 0 : i32
        %dma_start3A_824 = arith.constant 0 : i32
        %dma_start3A_825 = tpu.memref_slice %arg7[%dma_start3A_822, %dma_start3A_823, %dma_start3A_824] : memref<4x80x128xf32, #tpu.memory_space<vmem>> -> memref<1x80x128xf32, #tpu.memory_space<vmem>>
        %dma_start3A_826 = tpu.memref_squeeze %dma_start3A_825 : memref<1x80x128xf32, #tpu.memory_space<vmem>> -> memref<80x128xf32, #tpu.memory_space<vmem>>
        %dma_start3A_827 = arith.constant 0 : i32
        %dma_start3A_828 = arith.constant 0 : i32
        %dma_start3A_829 = tpu.memref_slice %arg6[%dma_start3A_820, %dma_start3A_827, %dma_start3A_828] : memref<8x2x80xi32, #tpu.memory_space<vmem>> -> memref<1x2x80xi32, #tpu.memory_space<vmem>>
        %dma_start3A_830 = tpu.memref_squeeze %dma_start3A_829 : memref<1x2x80xi32, #tpu.memory_space<vmem>> -> memref<2x80xi32, #tpu.memory_space<vmem>>
        %dma_start3A_831 = arith.constant 0 : i32
        %dma_start3A_832 = tpu.memref_slice %dma_start3A_830[%dma_start3A_821, %dma_start3A_831] : memref<2x80xi32, #tpu.memory_space<vmem>> -> memref<1x80xi32, #tpu.memory_space<vmem>>
        %dma_start3A_833 = tpu.memref_squeeze %dma_start3A_832 : memref<1x80xi32, #tpu.memory_space<vmem>> -> memref<80xi32, #tpu.memory_space<vmem>>
        %dma_start3A_834 = arith.constant 0 : i32
        %dma_start3A_835 = arith.constant 0 : i32
        %dma_start3A_836 = tpu.memref_slice %arg3[%dma_start3A_834, %dma_start3A_835] : memref<10112x128xf32, #tpu.memory_space<hbm>> -> memref<10112x128xf32, #tpu.memory_space<hbm>>
        tpu.enqueue_indirect_dma source(%dma_start3A_836 : memref<10112x128xf32, #tpu.memory_space<hbm>>) target(%dma_start3A_826 : memref<80x128xf32, #tpu.memory_space<vmem>>) offsets(%dma_start3A_833 : memref<80xi32, #tpu.memory_space<vmem>>) semaphore(%arg18 : memref<!tpu.dma_semaphore, #tpu.memory_space<semaphore_mem>>)
      } else {
      }
      %dma_wait3A_760 = arith.constant 7 : i32
      %dma_wait3A_761 = arith.constant 0 : i32
      %dma_wait3A_762 = arith.constant 3 : i32
      %dma_wait3A_763 = arith.constant 0 : i32
      %dma_wait3A_764 = arith.constant 0 : i32
      %dma_wait3A_765 = tpu.memref_slice %arg7[%dma_wait3A_762, %dma_wait3A_763, %dma_wait3A_764] : memref<4x80x128xf32, #tpu.memory_space<vmem>> -> memref<1x80x128xf32, #tpu.memory_space<vmem>>
      %dma_wait3A_766 = tpu.memref_squeeze %dma_wait3A_765 : memref<1x80x128xf32, #tpu.memory_space<vmem>> -> memref<80x128xf32, #tpu.memory_space<vmem>>
      %dma_wait3A_767 = arith.constant 0 : i32
      %dma_wait3A_768 = arith.constant 0 : i32
      %dma_wait3A_769 = tpu.memref_slice %arg6[%dma_wait3A_760, %dma_wait3A_767, %dma_wait3A_768] : memref<8x2x80xi32, #tpu.memory_space<vmem>> -> memref<1x2x80xi32, #tpu.memory_space<vmem>>
      %dma_wait3A_770 = tpu.memref_squeeze %dma_wait3A_769 : memref<1x2x80xi32, #tpu.memory_space<vmem>> -> memref<2x80xi32, #tpu.memory_space<vmem>>
      %dma_wait3A_771 = arith.constant 0 : i32
      %dma_wait3A_772 = tpu.memref_slice %dma_wait3A_770[%dma_wait3A_761, %dma_wait3A_771] : memref<2x80xi32, #tpu.memory_space<vmem>> -> memref<1x80xi32, #tpu.memory_space<vmem>>
      %dma_wait3A_773 = tpu.memref_squeeze %dma_wait3A_772 : memref<1x80xi32, #tpu.memory_space<vmem>> -> memref<80xi32, #tpu.memory_space<vmem>>
      %dma_wait3A_774 = arith.constant 0 : i32
      %dma_wait3A_775 = arith.constant 0 : i32
      %dma_wait3A_776 = tpu.memref_slice %arg3[%dma_wait3A_774, %dma_wait3A_775] : memref<10112x128xf32, #tpu.memory_space<hbm>> -> memref<10112x128xf32, #tpu.memory_space<hbm>>
      tpu.wait_indirect_dma semaphore(%arg19 : memref<!tpu.dma_semaphore, #tpu.memory_space<semaphore_mem>>) src(%dma_wait3A_776 : memref<10112x128xf32, #tpu.memory_space<hbm>>) dst(%dma_wait3A_766 : memref<80x128xf32, #tpu.memory_space<vmem>>)
      %dma_start3A_777 = arith.constant 3 : i32
      %dma_start3A_778 = arith.constant 7 : i32
      %dma_start3A_779 = arith.constant 1 : i32
      %dma_start3A_780 = arith.constant 0 : i32
      %dma_start3A_781 = arith.constant 0 : i32
      %dma_start3A_782 = tpu.memref_slice %arg7[%dma_start3A_777, %dma_start3A_780, %dma_start3A_781] : memref<4x80x128xf32, #tpu.memory_space<vmem>> -> memref<1x80x128xf32, #tpu.memory_space<vmem>>
      %dma_start3A_783 = tpu.memref_squeeze %dma_start3A_782 : memref<1x80x128xf32, #tpu.memory_space<vmem>> -> memref<80x128xf32, #tpu.memory_space<vmem>>
      %dma_start3A_784 = arith.constant 0 : i32
      %dma_start3A_785 = arith.constant 0 : i32
      %dma_start3A_786 = tpu.memref_slice %arg6[%dma_start3A_778, %dma_start3A_784, %dma_start3A_785] : memref<8x2x80xi32, #tpu.memory_space<vmem>> -> memref<1x2x80xi32, #tpu.memory_space<vmem>>
      %dma_start3A_787 = tpu.memref_squeeze %dma_start3A_786 : memref<1x2x80xi32, #tpu.memory_space<vmem>> -> memref<2x80xi32, #tpu.memory_space<vmem>>
      %dma_start3A_788 = arith.constant 0 : i32
      %dma_start3A_789 = tpu.memref_slice %dma_start3A_787[%dma_start3A_779, %dma_start3A_788] : memref<2x80xi32, #tpu.memory_space<vmem>> -> memref<1x80xi32, #tpu.memory_space<vmem>>
      %dma_start3A_790 = tpu.memref_squeeze %dma_start3A_789 : memref<1x80xi32, #tpu.memory_space<vmem>> -> memref<80xi32, #tpu.memory_space<vmem>>
      %dma_start3A_791 = arith.constant 0 : i32
      %dma_start3A_792 = arith.constant 0 : i32
      %dma_start3A_793 = tpu.memref_slice %arg5[%dma_start3A_791, %dma_start3A_792] : memref<10112x128xf32, #tpu.memory_space<vmem_shared>> -> memref<10112x128xf32, #tpu.memory_space<vmem_shared>>
      tpu.enqueue_indirect_dma source(%dma_start3A_783 : memref<80x128xf32, #tpu.memory_space<vmem>>) target(%dma_start3A_793 : memref<10112x128xf32, #tpu.memory_space<vmem_shared>>) offsets(%dma_start3A_790 : memref<80xi32, #tpu.memory_space<vmem>>) semaphore(%arg23 : memref<!tpu.dma_semaphore, #tpu.memory_space<semaphore_mem>>) {add = true}
    }
    %scan3A_272 = arith.constant 16 : i32
    %dma_wait3A_273 = arith.constant 0 : i32
    %dma_wait3A_274 = arith.constant 4 : i32
    %dma_wait3A_275 = arith.constant 1 : i32
    %dma_wait3A_276 = arith.constant 0 : i32
    %dma_wait3A_277 = arith.constant 0 : i32
    %dma_wait3A_278 = tpu.memref_slice %arg7[%dma_wait3A_273, %dma_wait3A_276, %dma_wait3A_277] : memref<4x80x128xf32, #tpu.memory_space<vmem>> -> memref<1x80x128xf32, #tpu.memory_space<vmem>>
    %dma_wait3A_279 = tpu.memref_squeeze %dma_wait3A_278 : memref<1x80x128xf32, #tpu.memory_space<vmem>> -> memref<80x128xf32, #tpu.memory_space<vmem>>
    %dma_wait3A_280 = arith.constant 0 : i32
    %dma_wait3A_281 = arith.constant 0 : i32
    %dma_wait3A_282 = tpu.memref_slice %arg6[%dma_wait3A_274, %dma_wait3A_280, %dma_wait3A_281] : memref<8x2x80xi32, #tpu.memory_space<vmem>> -> memref<1x2x80xi32, #tpu.memory_space<vmem>>
    %dma_wait3A_283 = tpu.memref_squeeze %dma_wait3A_282 : memref<1x2x80xi32, #tpu.memory_space<vmem>> -> memref<2x80xi32, #tpu.memory_space<vmem>>
    %dma_wait3A_284 = arith.constant 0 : i32
    %dma_wait3A_285 = tpu.memref_slice %dma_wait3A_283[%dma_wait3A_275, %dma_wait3A_284] : memref<2x80xi32, #tpu.memory_space<vmem>> -> memref<1x80xi32, #tpu.memory_space<vmem>>
    %dma_wait3A_286 = tpu.memref_squeeze %dma_wait3A_285 : memref<1x80xi32, #tpu.memory_space<vmem>> -> memref<80xi32, #tpu.memory_space<vmem>>
    %dma_wait3A_287 = arith.constant 0 : i32
    %dma_wait3A_288 = arith.constant 0 : i32
    %dma_wait3A_289 = tpu.memref_slice %arg5[%dma_wait3A_287, %dma_wait3A_288] : memref<10112x128xf32, #tpu.memory_space<vmem_shared>> -> memref<10112x128xf32, #tpu.memory_space<vmem_shared>>
    tpu.wait_indirect_dma semaphore(%arg20 : memref<!tpu.dma_semaphore, #tpu.memory_space<semaphore_mem>>) src(%dma_wait3A_279 : memref<80x128xf32, #tpu.memory_space<vmem>>) dst(%dma_wait3A_289 : memref<10112x128xf32, #tpu.memory_space<vmem_shared>>)
    %dma_wait3A_290 = arith.constant 1 : i32
    %dma_wait3A_291 = arith.constant 5 : i32
    %dma_wait3A_292 = arith.constant 1 : i32
    %dma_wait3A_293 = arith.constant 0 : i32
    %dma_wait3A_294 = arith.constant 0 : i32
    %dma_wait3A_295 = tpu.memref_slice %arg7[%dma_wait3A_290, %dma_wait3A_293, %dma_wait3A_294] : memref<4x80x128xf32, #tpu.memory_space<vmem>> -> memref<1x80x128xf32, #tpu.memory_space<vmem>>
    %dma_wait3A_296 = tpu.memref_squeeze %dma_wait3A_295 : memref<1x80x128xf32, #tpu.memory_space<vmem>> -> memref<80x128xf32, #tpu.memory_space<vmem>>
    %dma_wait3A_297 = arith.constant 0 : i32
    %dma_wait3A_298 = arith.constant 0 : i32
    %dma_wait3A_299 = tpu.memref_slice %arg6[%dma_wait3A_291, %dma_wait3A_297, %dma_wait3A_298] : memref<8x2x80xi32, #tpu.memory_space<vmem>> -> memref<1x2x80xi32, #tpu.memory_space<vmem>>
    %dma_wait3A_300 = tpu.memref_squeeze %dma_wait3A_299 : memref<1x2x80xi32, #tpu.memory_space<vmem>> -> memref<2x80xi32, #tpu.memory_space<vmem>>
    %dma_wait3A_301 = arith.constant 0 : i32
    %dma_wait3A_302 = tpu.memref_slice %dma_wait3A_300[%dma_wait3A_292, %dma_wait3A_301] : memref<2x80xi32, #tpu.memory_space<vmem>> -> memref<1x80xi32, #tpu.memory_space<vmem>>
    %dma_wait3A_303 = tpu.memref_squeeze %dma_wait3A_302 : memref<1x80xi32, #tpu.memory_space<vmem>> -> memref<80xi32, #tpu.memory_space<vmem>>
    %dma_wait3A_304 = arith.constant 0 : i32
    %dma_wait3A_305 = arith.constant 0 : i32
    %dma_wait3A_306 = tpu.memref_slice %arg5[%dma_wait3A_304, %dma_wait3A_305] : memref<10112x128xf32, #tpu.memory_space<vmem_shared>> -> memref<10112x128xf32, #tpu.memory_space<vmem_shared>>
    tpu.wait_indirect_dma semaphore(%arg21 : memref<!tpu.dma_semaphore, #tpu.memory_space<semaphore_mem>>) src(%dma_wait3A_296 : memref<80x128xf32, #tpu.memory_space<vmem>>) dst(%dma_wait3A_306 : memref<10112x128xf32, #tpu.memory_space<vmem_shared>>)
    %dma_wait3A_307 = arith.constant 2 : i32
    %dma_wait3A_308 = arith.constant 6 : i32
    %dma_wait3A_309 = arith.constant 1 : i32
    %dma_wait3A_310 = arith.constant 0 : i32
    %dma_wait3A_311 = arith.constant 0 : i32
    %dma_wait3A_312 = tpu.memref_slice %arg7[%dma_wait3A_307, %dma_wait3A_310, %dma_wait3A_311] : memref<4x80x128xf32, #tpu.memory_space<vmem>> -> memref<1x80x128xf32, #tpu.memory_space<vmem>>
    %dma_wait3A_313 = tpu.memref_squeeze %dma_wait3A_312 : memref<1x80x128xf32, #tpu.memory_space<vmem>> -> memref<80x128xf32, #tpu.memory_space<vmem>>
    %dma_wait3A_314 = arith.constant 0 : i32
    %dma_wait3A_315 = arith.constant 0 : i32
    %dma_wait3A_316 = tpu.memref_slice %arg6[%dma_wait3A_308, %dma_wait3A_314, %dma_wait3A_315] : memref<8x2x80xi32, #tpu.memory_space<vmem>> -> memref<1x2x80xi32, #tpu.memory_space<vmem>>
    %dma_wait3A_317 = tpu.memref_squeeze %dma_wait3A_316 : memref<1x2x80xi32, #tpu.memory_space<vmem>> -> memref<2x80xi32, #tpu.memory_space<vmem>>
    %dma_wait3A_318 = arith.constant 0 : i32
    %dma_wait3A_319 = tpu.memref_slice %dma_wait3A_317[%dma_wait3A_309, %dma_wait3A_318] : memref<2x80xi32, #tpu.memory_space<vmem>> -> memref<1x80xi32, #tpu.memory_space<vmem>>
    %dma_wait3A_320 = tpu.memref_squeeze %dma_wait3A_319 : memref<1x80xi32, #tpu.memory_space<vmem>> -> memref<80xi32, #tpu.memory_space<vmem>>
    %dma_wait3A_321 = arith.constant 0 : i32
    %dma_wait3A_322 = arith.constant 0 : i32
    %dma_wait3A_323 = tpu.memref_slice %arg5[%dma_wait3A_321, %dma_wait3A_322] : memref<10112x128xf32, #tpu.memory_space<vmem_shared>> -> memref<10112x128xf32, #tpu.memory_space<vmem_shared>>
    tpu.wait_indirect_dma semaphore(%arg22 : memref<!tpu.dma_semaphore, #tpu.memory_space<semaphore_mem>>) src(%dma_wait3A_313 : memref<80x128xf32, #tpu.memory_space<vmem>>) dst(%dma_wait3A_323 : memref<10112x128xf32, #tpu.memory_space<vmem_shared>>)
    %dma_wait3A_324 = arith.constant 3 : i32
    %dma_wait3A_325 = arith.constant 7 : i32
    %dma_wait3A_326 = arith.constant 1 : i32
    %dma_wait3A_327 = arith.constant 0 : i32
    %dma_wait3A_328 = arith.constant 0 : i32
    %dma_wait3A_329 = tpu.memref_slice %arg7[%dma_wait3A_324, %dma_wait3A_327, %dma_wait3A_328] : memref<4x80x128xf32, #tpu.memory_space<vmem>> -> memref<1x80x128xf32, #tpu.memory_space<vmem>>
    %dma_wait3A_330 = tpu.memref_squeeze %dma_wait3A_329 : memref<1x80x128xf32, #tpu.memory_space<vmem>> -> memref<80x128xf32, #tpu.memory_space<vmem>>
    %dma_wait3A_331 = arith.constant 0 : i32
    %dma_wait3A_332 = arith.constant 0 : i32
    %dma_wait3A_333 = tpu.memref_slice %arg6[%dma_wait3A_325, %dma_wait3A_331, %dma_wait3A_332] : memref<8x2x80xi32, #tpu.memory_space<vmem>> -> memref<1x2x80xi32, #tpu.memory_space<vmem>>
    %dma_wait3A_334 = tpu.memref_squeeze %dma_wait3A_333 : memref<1x2x80xi32, #tpu.memory_space<vmem>> -> memref<2x80xi32, #tpu.memory_space<vmem>>
    %dma_wait3A_335 = arith.constant 0 : i32
    %dma_wait3A_336 = tpu.memref_slice %dma_wait3A_334[%dma_wait3A_326, %dma_wait3A_335] : memref<2x80xi32, #tpu.memory_space<vmem>> -> memref<1x80xi32, #tpu.memory_space<vmem>>
    %dma_wait3A_337 = tpu.memref_squeeze %dma_wait3A_336 : memref<1x80xi32, #tpu.memory_space<vmem>> -> memref<80xi32, #tpu.memory_space<vmem>>
    %dma_wait3A_338 = arith.constant 0 : i32
    %dma_wait3A_339 = arith.constant 0 : i32
    %dma_wait3A_340 = tpu.memref_slice %arg5[%dma_wait3A_338, %dma_wait3A_339] : memref<10112x128xf32, #tpu.memory_space<vmem_shared>> -> memref<10112x128xf32, #tpu.memory_space<vmem_shared>>
    tpu.wait_indirect_dma semaphore(%arg23 : memref<!tpu.dma_semaphore, #tpu.memory_space<semaphore_mem>>) src(%dma_wait3A_330 : memref<80x128xf32, #tpu.memory_space<vmem>>) dst(%dma_wait3A_340 : memref<10112x128xf32, #tpu.memory_space<vmem_shared>>)
    %barrier3A_341 = arith.constant 0 : index
    tpu.barrier barrier_id(%barrier3A_341)
    %mul3A_342 = arith.constant 632 : i32
    %mul3A_343 = arith.muli %arg1, %mul3A_342 : i32
    %mul3A_344 = arith.constant 10112 : i32
    %mul3A_345 = arith.muli %arg0, %mul3A_344 : i32
    %mul3A_346 = arith.constant 632 : i32
    %mul3A_347 = arith.muli %arg1, %mul3A_346 : i32
    %add3A_348 = arith.addi %mul3A_345, %mul3A_347 : i32
    "tpu.region"() ({
      %run_scoped3A_349 = tpu.sem_alloc : memref<!tpu.dma_semaphore, #tpu.memory_space<semaphore_mem>>
      %dma_start3A_350 = arith.constant 0 : i32
      %dma_start3A_351 = tpu.memref_slice %arg4[%add3A_348, %dma_start3A_350] : memref<20224x128xf32, #tpu.memory_space<hbm>> -> memref<632x128xf32, #tpu.memory_space<hbm>>
      %dma_start3A_352 = arith.constant 0 : i32
      %dma_start3A_353 = tpu.memref_slice %arg5[%mul3A_343, %dma_start3A_352] : memref<10112x128xf32, #tpu.memory_space<vmem_shared>> -> memref<632x128xf32, #tpu.memory_space<vmem_shared>>
      tpu.enqueue_dma source(%dma_start3A_353 : memref<632x128xf32, #tpu.memory_space<vmem_shared>>) target(%dma_start3A_351 : memref<632x128xf32, #tpu.memory_space<hbm>>) target_semaphore(%run_scoped3A_349 : memref<!tpu.dma_semaphore, #tpu.memory_space<semaphore_mem>>)
      %dma_wait3A_354 = arith.constant 0 : i32
      %dma_wait3A_355 = tpu.memref_slice %arg4[%add3A_348, %dma_wait3A_354] : memref<20224x128xf32, #tpu.memory_space<hbm>> -> memref<632x128xf32, #tpu.memory_space<hbm>>
      %dma_wait3A_356 = arith.constant 0 : i32
      %dma_wait3A_357 = tpu.memref_slice %arg5[%mul3A_343, %dma_wait3A_356] : memref<10112x128xf32, #tpu.memory_space<vmem_shared>> -> memref<632x128xf32, #tpu.memory_space<vmem_shared>>
      tpu.wait_dma2 semaphore(%run_scoped3A_349 : memref<!tpu.dma_semaphore, #tpu.memory_space<semaphore_mem>>) src(%dma_wait3A_357 : memref<632x128xf32, #tpu.memory_space<vmem_shared>>) dst(%dma_wait3A_355 : memref<632x128xf32, #tpu.memory_space<hbm>>)
      tpu.yield
    }) : () -> ()
    return
  }
}

module attributes {stable_mosaic.version = 14 : i64} {
  func.func @_tc_prescale_body(%arg0: i32, %arg1: memref<128x128xf32, #tpu.memory_space<vmem>>, %arg2: memref<128x128xf32, #tpu.memory_space<vmem>>, %arg3: memref<158x128xf32, #tpu.memory_space<vmem>>, %arg4: memref<128x128xf32, #tpu.memory_space<vmem>>) attributes {dimension_semantics = [#tpu.dimension_semantics<arbitrary>], iteration_bounds = array<i64: 79>, scalar_prefetch = 0 : i64, scratch_operands = 0 : i64, tpu.core_type = #tpu.core_type<tc>, window_params = [{transform_indices = @transform_0, window_bounds = array<i64: 128, 128>}, {pipeline_mode = #tpu.pipeline_mode<synchronous>, transform_indices = @transform_1, window_bounds = array<i64: 128, 128>}, {pipeline_mode = #tpu.pipeline_mode<synchronous>, transform_indices = @transform_2, window_bounds = array<i64: 158, 128>}, {transform_indices = @transform_3, window_bounds = array<i64: 128, 128>}]} {
    %iota3A = tpu.iota {dimensions = array<i32: 0>} : vector<128x128xi32>
    %mul3A = arith.constant 128 : i32
    %mul3A_0 = arith.muli %arg0, %mul3A : i32
    %add3A = vector.broadcast %mul3A_0 : i32 to vector<128x128xi32>
    %add3A_1 = arith.addi %iota3A, %add3A : vector<128x128xi32>
    %lt3A = arith.constant 10000 : i32
    %lt3A_2 = vector.broadcast %lt3A : i32 to vector<128x128xi32>
    %lt3A_3 = arith.cmpi slt, %add3A_1, %lt3A_2 : vector<128x128xi32>
    %get3A = arith.constant 0 : index
    %get3A_4 = arith.constant 0 : index
    %get3A_5 = vector.load %arg1[%get3A, %get3A_4] : memref<128x128xf32, #tpu.memory_space<vmem>>, vector<128x128xf32>
    %jit3A = arith.constant 0.000000e+00 : f32
    %broadcast_in_dim3A = vector.broadcast %jit3A : f32 to vector<128x128xf32>
    %select_n3A = arith.select %lt3A_3, %get3A_5, %broadcast_in_dim3A : vector<128x128xi1>, vector<128x128xf32>
    %get3A_6 = arith.constant 0 : index
    %get3A_7 = arith.constant 0 : index
    %get3A_8 = vector.load %arg2[%get3A_6, %get3A_7] : memref<128x128xf32, #tpu.memory_space<vmem>>, vector<128x128xf32>
    %dot_general3A = arith.constant dense<0.000000e+00> : vector<128x128xf32>
    %dot_general3A_9 = tpu.matmul %select_n3A, %get3A_8, %dot_general3A {dimension_numbers = #tpu.dot_dimension_numbers<[1], [0], [0], [1], [0, 0, 1, 1], [], []>, transpose_lhs_hint = false} : vector<128x128xf32>, vector<128x128xf32>, vector<128x128xf32> -> vector<128x128xf32>
    %get3A_10 = arith.index_cast %arg0 : i32 to index
    %get3A_11 = arith.constant 0 : index
    %get3A_12 = vector.load %arg3[%get3A_10, %get3A_11] : memref<158x128xf32, #tpu.memory_space<vmem>>, vector<1x128xf32>
    %add3A_13 = arith.constant 79 : i32
    %add3A_14 = arith.addi %add3A_13, %arg0 : i32
    %get3A_15 = arith.index_cast %add3A_14 : i32 to index
    %get3A_16 = arith.constant 0 : index
    %get3A_17 = vector.load %arg3[%get3A_15, %get3A_16] : memref<158x128xf32, #tpu.memory_space<vmem>>, vector<1x128xf32>
    %add3A_18 = arith.addf %get3A_12, %get3A_17 : vector<1x128xf32>
    %add3A_19 = arith.constant 1.000000e+00 : f32
    %add3A_20 = vector.broadcast %add3A_19 : f32 to vector<1x128xf32>
    %add3A_21 = arith.addf %add3A_18, %add3A_20 : vector<1x128xf32>
    %rsqrt3A = math.rsqrt %add3A_21 : vector<1x128xf32>
    %iota3A_22 = tpu.iota {dimensions = array<i32: 0>} : vector<128x128xi32>
    %iota3A_23 = tpu.iota {dimensions = array<i32: 1>} : vector<128x128xi32>
    %eq3A = arith.cmpi eq, %iota3A_22, %iota3A_23 : vector<128x128xi32>
    %jit3A_24 = arith.constant 0.000000e+00 : f32
    %broadcast_in_dim3A_25 = vector.shape_cast %rsqrt3A : vector<1x128xf32> to vector<1x128xf32>
    %broadcast_in_dim3A_26 = vector.broadcast %broadcast_in_dim3A_25 : vector<1x128xf32> to vector<128x128xf32>
    %broadcast_in_dim3A_27 = vector.broadcast %jit3A_24 : f32 to vector<128x128xf32>
    %select_n3A_28 = arith.select %eq3A, %broadcast_in_dim3A_26, %broadcast_in_dim3A_27 : vector<128x128xi1>, vector<128x128xf32>
    %dot_general3A_29 = arith.constant dense<0.000000e+00> : vector<128x128xf32>
    %dot_general3A_30 = tpu.matmul %select_n3A_28, %dot_general3A_9, %dot_general3A_29 {dimension_numbers = #tpu.dot_dimension_numbers<[1], [0], [0], [1], [0, 0, 1, 1], [], []>, transpose_lhs_hint = false} : vector<128x128xf32>, vector<128x128xf32>, vector<128x128xf32> -> vector<128x128xf32>
    %swap3A = arith.constant 0 : index
    %swap3A_31 = arith.constant 0 : index
    %swap3A_32 = vector.load %arg4[%swap3A, %swap3A_31] : memref<128x128xf32, #tpu.memory_space<vmem>>, vector<128x128xf32>
    tpu.vector_store %arg4[%swap3A, %swap3A_31], %dot_general3A_30 {strides = array<i32>} : memref<128x128xf32, #tpu.memory_space<vmem>>, vector<128x128xf32>,
    return
  }
  func.func @transform_0(%arg0: i32) -> (i32, i32) {
    %c0_i32 = arith.constant 0 : i32
    %c0_i32_0 = arith.constant 0 : i32
    return %arg0, %c0_i32 : i32, i32
  }
  func.func @transform_1(%arg0: i32) -> (i32, i32) {
    %c0_i32 = arith.constant 0 : i32
    %c0_i32_0 = arith.constant 0 : i32
    %c0_i32_1 = arith.constant 0 : i32
    return %c0_i32, %c0_i32_0 : i32, i32
  }
  func.func @transform_2(%arg0: i32) -> (i32, i32) {
    %c0_i32 = arith.constant 0 : i32
    %c0_i32_0 = arith.constant 0 : i32
    %c0_i32_1 = arith.constant 0 : i32
    return %c0_i32, %c0_i32_0 : i32, i32
  }
  func.func @transform_3(%arg0: i32) -> (i32, i32) {
    %c0_i32 = arith.constant 0 : i32
    %c0_i32_0 = arith.constant 0 : i32
    return %arg0, %c0_i32 : i32, i32
  }
}

module attributes {stable_mosaic.version = 14 : i64} {
  func.func @_tc_combine_body(%arg0: i32, %arg1: memref<2x128x128xf32, #tpu.memory_space<vmem>>, %arg2: memref<128x128xf32, #tpu.memory_space<vmem>>, %arg3: memref<158x128xf32, #tpu.memory_space<vmem>>, %arg4: memref<128x128xf32, #tpu.memory_space<vmem>>) attributes {dimension_semantics = [#tpu.dimension_semantics<arbitrary>], iteration_bounds = array<i64: 79>, scalar_prefetch = 0 : i64, scratch_operands = 0 : i64, tpu.core_type = #tpu.core_type<tc>, window_params = [{transform_indices = @transform_0, window_bounds = array<i64: 2, 128, 128>}, {transform_indices = @transform_1, window_bounds = array<i64: 128, 128>}, {pipeline_mode = #tpu.pipeline_mode<synchronous>, transform_indices = @transform_2, window_bounds = array<i64: 158, 128>}, {transform_indices = @transform_3, window_bounds = array<i64: 128, 128>}]} {
    %get3A = arith.constant 0 : index
    %get3A_0 = arith.constant 0 : index
    %get3A_1 = arith.constant 0 : index
    %get3A_2 = vector.load %arg1[%get3A, %get3A_0, %get3A_1] : memref<2x128x128xf32, #tpu.memory_space<vmem>>, vector<1x128x128xf32>
    %get3A_3 = vector.shape_cast %get3A_2 : vector<1x128x128xf32> to vector<128x128xf32>
    %get3A_4 = arith.constant 1 : index
    %get3A_5 = arith.constant 0 : index
    %get3A_6 = arith.constant 0 : index
    %get3A_7 = vector.load %arg1[%get3A_4, %get3A_5, %get3A_6] : memref<2x128x128xf32, #tpu.memory_space<vmem>>, vector<1x128x128xf32>
    %get3A_8 = vector.shape_cast %get3A_7 : vector<1x128x128xf32> to vector<128x128xf32>
    %add3A = arith.addf %get3A_3, %get3A_8 : vector<128x128xf32>
    %get3A_9 = arith.constant 0 : index
    %get3A_10 = arith.constant 0 : index
    %get3A_11 = vector.load %arg2[%get3A_9, %get3A_10] : memref<128x128xf32, #tpu.memory_space<vmem>>, vector<128x128xf32>
    %add3A_12 = arith.addf %add3A, %get3A_11 : vector<128x128xf32>
    %get3A_13 = arith.index_cast %arg0 : i32 to index
    %get3A_14 = arith.constant 0 : index
    %get3A_15 = vector.load %arg3[%get3A_13, %get3A_14] : memref<158x128xf32, #tpu.memory_space<vmem>>, vector<1x128xf32>
    %add3A_16 = arith.constant 79 : i32
    %add3A_17 = arith.addi %add3A_16, %arg0 : i32
    %get3A_18 = arith.index_cast %add3A_17 : i32 to index
    %get3A_19 = arith.constant 0 : index
    %get3A_20 = vector.load %arg3[%get3A_18, %get3A_19] : memref<158x128xf32, #tpu.memory_space<vmem>>, vector<1x128xf32>
    %add3A_21 = arith.addf %get3A_15, %get3A_20 : vector<1x128xf32>
    %add3A_22 = arith.constant 1.000000e+00 : f32
    %add3A_23 = vector.broadcast %add3A_22 : f32 to vector<1x128xf32>
    %add3A_24 = arith.addf %add3A_21, %add3A_23 : vector<1x128xf32>
    %rsqrt3A = math.rsqrt %add3A_24 : vector<1x128xf32>
    %iota3A = tpu.iota {dimensions = array<i32: 0>} : vector<128x128xi32>
    %iota3A_25 = tpu.iota {dimensions = array<i32: 1>} : vector<128x128xi32>
    %eq3A = arith.cmpi eq, %iota3A, %iota3A_25 : vector<128x128xi32>
    %jit3A = arith.constant 0.000000e+00 : f32
    %broadcast_in_dim3A = vector.shape_cast %rsqrt3A : vector<1x128xf32> to vector<1x128xf32>
    %broadcast_in_dim3A_26 = vector.broadcast %broadcast_in_dim3A : vector<1x128xf32> to vector<128x128xf32>
    %broadcast_in_dim3A_27 = vector.broadcast %jit3A : f32 to vector<128x128xf32>
    %select_n3A = arith.select %eq3A, %broadcast_in_dim3A_26, %broadcast_in_dim3A_27 : vector<128x128xi1>, vector<128x128xf32>
    %dot_general3A = arith.constant dense<0.000000e+00> : vector<128x128xf32>
    %dot_general3A_28 = tpu.matmul %select_n3A, %add3A_12, %dot_general3A {dimension_numbers = #tpu.dot_dimension_numbers<[1], [0], [0], [1], [0, 0, 1, 1], [], []>, transpose_lhs_hint = false} : vector<128x128xf32>, vector<128x128xf32>, vector<128x128xf32> -> vector<128x128xf32>
    %swap3A = arith.constant 0 : index
    %swap3A_29 = arith.constant 0 : index
    %swap3A_30 = vector.load %arg4[%swap3A, %swap3A_29] : memref<128x128xf32, #tpu.memory_space<vmem>>, vector<128x128xf32>
    tpu.vector_store %arg4[%swap3A, %swap3A_29], %dot_general3A_28 {strides = array<i32>} : memref<128x128xf32, #tpu.memory_space<vmem>>, vector<128x128xf32>,
    return
  }
  func.func @transform_0(%arg0: i32) -> (i32, i32, i32) {
    %c0_i32 = arith.constant 0 : i32
    %c0_i32_0 = arith.constant 0 : i32
    %c0_i32_1 = arith.constant 0 : i32
    return %c0_i32, %arg0, %c0_i32_0 : i32, i32, i32
  }
  func.func @transform_1(%arg0: i32) -> (i32, i32) {
    %c0_i32 = arith.constant 0 : i32
    %c0_i32_0 = arith.constant 0 : i32
    return %arg0, %c0_i32 : i32, i32
  }
  func.func @transform_2(%arg0: i32) -> (i32, i32) {
    %c0_i32 = arith.constant 0 : i32
    %c0_i32_0 = arith.constant 0 : i32
    %c0_i32_1 = arith.constant 0 : i32
    return %c0_i32, %c0_i32_0 : i32, i32
  }
  func.func @transform_3(%arg0: i32) -> (i32, i32) {
    %c0_i32 = arith.constant 0 : i32
    %c0_i32_0 = arith.constant 0 : i32
    return %arg0, %c0_i32 : i32, i32
  }
}

</mosaic_0001>

<sc_bundles>
// kernel: kernel.6.cloned.1.call-start
scs
__scs_entry_jumppad:
0x0: {  	(pc) =	sbr.rel $0x88, $3  }
0x1: {  	(tag) =	ssettag $0x0;
	lr =	simm.s32 $0x1  }
0x2: {  	[smem:$0x3F9E] =	sst lr;
	_ =	strace $0xD0000000  }
0x3: {  	_ = 	snop  }
0x4: {  	_ = 	snop  }
0x5: {  	_ = 	snop  }
0x6: {  	_ = 	snop  }
0x7: {  	_ = 	snop  }
__scs_overlays_trampoline_lowered:
0x8: {  	[smem:$0x3FAD] =	sst s0  }
0x9: {  	[smem:$0x3FAE] =	sst s1  }
0xa: {  	[smem:$0x3FAF] =	sst s2  }
0xb: {  	[smem:$0x3FB0] =	sst s3  }
0xc: {  	[smem:$0x3FB1] =	sst s4  }
0xd: {  	[smem:$0x3FB2] =	sst s5  }
0xe: {  	[smem:$0x3FB3] =	sst s6  }
0xf: {  	[smem:$0x3FB4] =	sst s7  }
0x10: {  	[smem:$0x3FB5] =	sst s8  }
0x11: {  	[smem:$0x3FB6] =	sst s9;
	s0 =	simm.s32 @!p0 $0x0  }
0x12: {  	s1 =	sld [smem:$0x3F9C];
	s0 =	simm.s32 @p0 $0x1  }
0x13: {  	[smem:$0x3FB7] =	sst s0;
	s0 =	simm.s32 @!p1 $0x0  }
0x14: {  	s2 =	sld [smem:$0x3F9B];
	s0 =	simm.s32 @p1 $0x1  }
0x15: {  	[smem:$0x3FB8] =	sst s0;
	s0 =	simm.s32 @!p2 $0x0  }
0x16: {  	s3 =	sld [smem:$0x3FDB];
	s0 =	simm.s32 @p2 $0x1  }
0x17: {  	s4 =	simm.s32 $0x1BF5;
	[smem:$0x3FBA] =	sst s0  }
0x18: {  	s0 =	sld [smem:$0x3F9D];
	_ =	swait.ge [sflag:s4], $0x0  }
0x19: {  	s7 =	sld [smem:$0x3F9E]  }
0x1a: {  	s8 =	sadd.s32 $0xFFFFE003, lr  }
0x1b: {  	s9 =	sadd.s32 $0xFFFFFEF7, lr;
	s5 =	simm.s32 $0xFFFFFFFF;
	p2 =	slt.u32 s8, $0xFFFFF086  }
0x1c: {  	p1 =	slt.u32 s9, $0xF7A;
	s5 =	simm.s32 @!p2 $0x0  }
0x1d: {  	s5 =	simm.s32 @p1 $0x1;
	p0 =	seq.s32 s7, s2  }
0x1e: {  	s7 =	smul.u32 @!p0 $0xF7A, s2;
	p2 =	seq.s32 @!p0 s5, $0x0  }
0x1f: {  	s9 =	smul.u32 $0xF7A, s1;
	s8 =	simm.s32 @!p0 $0x1BF5;
	p2 =	por !p2, p0  }
0x20: {  	[sflag:s8] =	ssyncset.s32 @!p0 $0xFFFFF086;
	s6 =	sadd.s32 @!p0 s3, s7;
	s7 =	simm.s32 @!p0 $0x108  }
0x21: {  	s3 =	sadd.s32 s3, s9;
	s6 =	sadd.s32 @!p0 $0x88, s6;
	s7 =	simm.s32 @p2 $0x1082  }
0x22: {  	[simem:s7], [sflag:s8] =	dma.local @!p0 [hbm:s6], $0xF7A  }
0x23: {  	s9 =	sor.u32 $0xD0000000, s2;
	s6 =	simm.s32 $0x108;
	_ =	swait.ge @!p0 [sflag:s8], $0x0  }
0x24: {  	s3 =	sadd.s32 $0x88, s3;
	s6 =	simm.s32 @!p1 $0x1082;
	[sflag:s4] =	ssyncset.s32 $0xFFFFF086  }
0x25: {  	[simem:s6], [sflag:s4] =	dma.local [hbm:s3], $0xF7A  }
0x26: {  	[smem:$0x3F9E] =	sst s1;
	(tag) =	ssettag s2;
	_ =	strace s9  }
0x27: {  	s1 =	sld [smem:$0x3FAE]  }
0x28: {  	s2 =	sld [smem:$0x3FAF]  }
0x29: {  	s4 =	sld [smem:$0x3FB1]  }
0x2a: {  	p0 =	seq.s32 s5, $0x0;
	s5 =	sld [smem:$0x3FB2]  }
0x2b: {  	s6 =	sld [smem:$0x3FB3]  }
0x2c: {  	s7 =	sld [smem:$0x3FB4]  }
0x2d: {  	s3 =	simm.s32 $0x108;
	s8 =	sld [smem:$0x3FB5]  }
0x2e: {  	s3 =	simm.s32 @!p0 $0x1082;
	s9 =	sld [smem:$0x3FB6]  }
0x2f: {  	lr =	sadd.s32 s0, s3;
	s0 =	sld [smem:$0x3FAD]  }
0x30: {  	s3 =	sld [smem:$0x3FB0]  }
0x31: {  	[smem:$0x3FB9] =	sst s10  }
0x32: {  	s10 =	sld [smem:$0x3FB7];
	_ =	sdelay $0x3  }
0x33: {  	p0 =	seq.s32 s10, $0x1;
	s10 =	sld [smem:$0x3FB9];
	_ =	sdelay $0x3  }
0x34: {  	[smem:$0x3FB9] =	sst s10  }
0x35: {  	s10 =	sld [smem:$0x3FB8];
	_ =	sdelay $0x3  }
0x36: {  	p1 =	seq.s32 s10, $0x1;
	s10 =	sld [smem:$0x3FB9];
	_ =	sdelay $0x3  }
0x37: {  	[smem:$0x3FB9] =	sst s10  }
0x38: {  	s10 =	sld [smem:$0x3FBA]  }
0x39: {  	_ = 	snop;
	(pc) =	sbr.ind lr, $3  }
0x3a: {  	_ = 	snop  }
0x3b: {  	_ = 	snop  }
0x3c: {  	p2 =	seq.s32 s10, $0x1;
	s10 =	sld [smem:$0x3FB9]  }
0x3d: {  	_ =	shalt  }
0x3e: {  	_ =	shalt  }
0x3f: {  	_ =	shalt  }
0x40: {  	_ =	shalt  }
0x41: {  	_ =	shalt  }
0x42: {  	_ =	shalt  }
0x43: {  	_ =	shalt  }
0x44: {  	_ =	shalt  }
0x45: {  	_ =	shalt  }
0x46: {  	_ =	shalt  }
0x47: {  	_ =	shalt  }
0x48: {  	_ =	shalt  }
0x49: {  	_ =	shalt  }
0x4a: {  	_ =	shalt  }
0x4b: {  	_ =	shalt  }
0x4c: {  	_ =	shalt  }
0x4d: {  	_ =	shalt  }
0x4e: {  	_ =	shalt  }
0x4f: {  	_ =	shalt  }
0x50: {  	_ =	shalt  }
0x51: {  	_ =	shalt  }
0x52: {  	_ =	shalt  }
0x53: {  	_ =	shalt  }
0x54: {  	_ =	shalt  }
0x55: {  	_ =	shalt  }
0x56: {  	_ =	shalt  }
0x57: {  	_ =	shalt  }
0x58: {  	_ =	shalt  }
0x59: {  	_ =	shalt  }
0x5a: {  	_ =	shalt  }
0x5b: {  	_ =	shalt  }
0x5c: {  	_ =	shalt  }
0x5d: {  	_ =	shalt  }
0x5e: {  	_ =	shalt  }
0x5f: {  	_ =	shalt  }
0x60: {  	_ =	shalt  }
0x61: {  	_ =	shalt  }
0x62: {  	_ =	shalt  }
0x63: {  	_ =	shalt  }
0x64: {  	_ =	shalt  }
0x65: {  	_ =	shalt  }
0x66: {  	_ =	shalt  }
0x67: {  	_ =	shalt  }
0x68: {  	_ =	shalt  }
0x69: {  	_ =	shalt  }
0x6a: {  	_ =	shalt  }
0x6b: {  	_ =	shalt  }
0x6c: {  	_ =	shalt  }
0x6d: {  	_ =	shalt  }
0x6e: {  	_ =	shalt  }
0x6f: {  	_ =	shalt  }
0x70: {  	_ =	shalt  }
0x71: {  	_ =	shalt  }
0x72: {  	_ =	shalt  }
0x73: {  	_ =	shalt  }
0x74: {  	_ =	shalt  }
0x75: {  	_ =	shalt  }
0x76: {  	_ =	shalt  }
0x77: {  	_ =	shalt  }
0x78: {  	_ =	shalt  }
0x79: {  	_ =	shalt  }
0x7a: {  	_ =	shalt  }
0x7b: {  	_ =	shalt  }
0x7c: {  	_ =	shalt  }
0x7d: {  	_ =	shalt  }
0x7e: {  	_ =	shalt  }
0x7f: {  	_ =	shalt  }
0x80: {  	_ =	shalt  }
0x81: {  	_ =	shalt  }
0x82: {  	_ =	shalt  }
0x83: {  	_ =	shalt  }
0x84: {  	_ =	shalt  }
0x85: {  	_ =	shalt  }
0x86: {  	_ =	shalt  }
0x87: {  	_ =	shalt  }
.Lfunc_end0:
.L_simem_size_0:
called_computation_lowered:
.L_overlay_start_0:
0x88: {  	s2 =	sld [smem:$0x3FD9]  }
0x89: {  	s3 =	sld [smem:$0x3FFE];
	_ =	sdelay $0x1  }
0x8a: {  	s1 =	srdreg.scid  }
0x8b: {  	s0 =	sand.u32 $0x1, s1  }
0x8c: {  	s17 =	sshll.u32 s0, $0xA;
	s2 =	sadd.s32 s3, s2  }
0x8d: {  	s2 =	sadd.s32 s2, s17  }
0x8e: {  	[smem:$0x3FC5] =	sst s2  }
0x8f: {  	_ = 	snop  }
0x90: {  	s2 =	sld [smem:$0x3FD0];
	(tm) =	ssettm $0x1  }
0x91: {  	s18 =	sld [smem:$0x3FFB];
	_ =	sdelay $0x3  }
0x92: {  	_ =	strace s18  }
0x93: {  	s3 =	sld [smem:$0x3FFC];
	_ =	sdelay $0x3  }
0x94: {  	_ =	strace s3  }
0x95: {  	s3 =	sld [smem:$0x3FFD];
	_ =	sdelay $0x3  }
0x96: {  	_ =	strace s3  }
0x97: {  	_ =	strace $0x8FFFFFFF  }
0x98: {  	s19 =	sld [smem:$0x3FDB];
	_ =	sdelay $0x1  }
0x99: {  	s4 =	simm.s32 $_scs_section_size  }
0x9a: {  	s5 =	simm.s32 $_size__tile_overlayer_lowered;
	s6 =	simm.s32 $_tile_overlayer_lowered  }
0x9b: {  	s22 =	simm.s32 $0x1BFF;
	s21 =	sshll.u32 s6, $0x1;
	s3 =	sadd.s32 s4, s19  }
0x9c: {  	s7 =	simm.s32 $0x0;
	s20 =	sshll.u32 s5, $0x1;
	s5 =	sadd.s32 s21, s3  }
0x9d: {  	[timem:s7], [sflag:s22] =	dma.local [hbm:s5], s20  }
0x9e: {  	_ =	swait.ge [sflag:s22], s20  }
0x9f: {  	s4 =	ssub.s32 $0x0, s20;
	[sflag:s22] =	ssyncset.done $0x0  }
0xa0: {  	[sflag:s22] =	ssyncadd.s32 s4;
	_ =	sdelay $0x1  }
0xa1: {  	s23 =	simm.s32 $0x1B8B  }
0xa2: {  	_ =	swait.ge [sflag:s23], $0x1  }
0xa3: {  	[sflag:s23] =	ssyncset.done $0x0  }
0xa4: {  	s25 =	simm.s32 $0x1B8E;
	s24 =	sld [smem:$0x3FFE];
	[sflag:s23] =	ssyncadd.s32 $0xFFFFFFFF  }
0xa5: {  	s26 =	simm.s32 $execute0_lowered;
	[smem:$0x3FD2] =	sst s25  }
0xa6: {  	s5 =	sshll.u32 s26, $0x1;
	_ =	strace $0x80000046;
	[dreg:$0x1] =	wrdreg $0xFFFFFFFF  }
0xa7: {  	s28 =	simm.s32 $_size_execute0_lowered;
	s3 =	sadd.s32 s3, s5;
	[dreg:$0x0] =	wrdreg $0x0  }
0xa8: {  	s5 =	sshll.u32 s28, $0x1;
	[dreg:$0x2] =	wrdreg s3  }
0xa9: {  	[dreg:$0x3] =	wrdreg s5  }
0xaa: {  	[dreg:$0x4] =	wrdreg $0xC0  }
0xab: {  	_ =	task [dreg:s7], $0x5FFFF  }
0xac: {  	[dreg:$0x1] =	wrdreg $0xFFFFFFFF  }
0xad: {  	[dreg:$0x0] =	wrdreg $0x60  }
0xae: {  	[dreg:$0x2] =	wrdreg s2  }
0xaf: {  	[dreg:$0x3] =	wrdreg s24  }
0xb0: {  	[dreg:$0x4] =	wrdreg $0x0  }
0xb1: {  	[dreg:$0x5] =	wrdreg $0x9  }
0xb2: {  	_ =	task.clear_ibuf [dreg:s7], $0x6FFFF;
	_ =	strace $0x90000046  }
0xb3: {  	s29 =	simm.s32 $0x9;
	_ =	strace $0x80000048  }
0xb4: {  	_ =	swait.ge [sflag:s29], $0x1  }
0xb5: {  	[sflag:s29] =	ssyncadd.s32 $0xFFFFFFFF  }
0xb6: {  	_ =	strace $0x90000048  }
0xb7: {  	_ =	sfence  }
0xb8: {  	s30 =	sld [smem:$0x0];
	_ =	sdelay $0x2  }
0xb9: {  	s31 =	sshll.u32 s1, $0xD;
	s1 =	sshrl.u32 s1, $0x2  }
0xba: {  	s3 =	sand.u32 $0x4000, s31;
	s1 =	sadd.s32 s1, s30  }
0xbb: {  	s0 =	sor.u32 s3, s0;
	s1 =	sshll.u32 s1, $0x11  }
0xbc: {  	s0 =	sor.u32 s1, s0  }
0xbd: {  	s0 =	sadd.s32 $0x8F2B, s0  }
0xbe: {  	[sflag:s0] =	ssyncadd.remote.s32 $0x1  }
0xbf: {  	_ =	sfence.sel $0xFFFF  }
0xc0: {  	[dreg:$0x0] =	wrdreg $0xFFFFFFFF;
	(pc) =	sbr.abs _section_cstart, $3  }
0xc1: {  	[dreg:$0x1] =	wrdreg $0xFFFFFFFF  }
0xc2: {  	_ =	task.clear_ibuf [dreg:s7], $0x2FFFF;
	_ =	strace $0x9FFFFFFF  }
0xc3: {  	(tm) =	ssettm $0x7FFFFFFF  }
tec
execute0_lowered:
.L_overlay_start_1:
0x0: {  	(tag) =	ssettag $0x1  }
0x1: {  	s5 =	rddreg [dreg:$0x0]  }
0x2: {  	s1 =	srdreg.scid;
	s6 =	rddreg [dreg:$0x1]  }
0x3: {  	s0 =	stileid.u32;
	s2 =	rddreg [dreg:$0x2];
	s3 =	simm.s32 $0x0  }
0x4: {  	s12 =	simm.s32 $0x50;
	s13 =	simm.s32 $0x2F8;
	s14 =	simm.s32 $0x8278  }
0x5: {  	s15 =	simm.s32 $0x1;
	s16 =	simm.s32 $0x2;
	s17 =	simm.s32 $0x81F8  }
0x6: {  	s18 =	simm.s32 $0x0;
	s7 =	sand.u32 $0x1, s1;
	s1 =	rddreg [dreg:$0x3]  }
0x7: {  	s8 =	smul.u32 $0x278, s0;
	[smem:$0x7FF] =	sst s3;
	s10 =	sshll.u32 s0, $0xC  }
0x8: {  	s4 =	smul.u32 $0x2780, s7;
	_ =	strace $0x80000047;
	s30 =	ssub.s32 $0x2, s7  }
0x9: {  	s7 =	sshll.u32 s7, $0x10;
	s5 =	sadd.s32 s5, s10;
	s10 =	simm.s32 $0x3  }
0xa: {  	s11 =	sshrl.u32 s30, $0x1;
	s5 =	sadd.s32 s7, s5;
	s9 =	sadd.s32 s8, s4  }
0xb: {  	s4 =	sadd.s32 $0x1400, s6;
	s31 =	ssub.s32 s30, s11;
	s9 =	sshrl.u32 s9, $0x3  }
0xc: {  	s11 =	simm.s32 $0x82F8;
	s9 =	sadd.s32 s9, s6;
	s6 =	sadd.s32 s8, s2  }
0xd: {  	v0 =	vimm.f32 $1.000000000e+00;
	s8 =	smax.u32 s31, $0x1;
	s7 =	sadd.s32 $0x1600, s9;
	s9 =	simm.s32 $0x278  }
.LBB2_1:
0xe: {  	[tilespmem:s9], [sflag:$0x3] =	stream.linear.gather [hbm4b:s5+s3], $0x8000, $0x38;
	[tilespmem:$0x8578] =	vst v63  }
0xf: {  	_ =	swait.ge [sflag:s10], $0x8000  }
0x10: {  	[sflag:s10] =	ssyncset.done $0x0  }
0x11: {  	[sflag:s10] =	ssyncadd.s32 $0xFFFF8000  }
0x12: {  	[tilespmem:$0x8278] =	vst v0  }
0x13: {  	[tilespmem:$0x8288] =	vst v0  }
0x14: {  	[tilespmem:$0x8298] =	vst v0  }
0x15: {  	[tilespmem:$0x82A8] =	vst v0  }
0x16: {  	[tilespmem:$0x82B8] =	vst v0  }
0x17: {  	[tilespmem:s11], [sflag:$0x3] =	stream.linear.gather [hbm4b:s4+s3], $0x280, $0x38;
	[tilespmem:$0x8578] =	vst v63  }
0x18: {  	_ =	swait.ge [sflag:s10], $0x280  }
0x19: {  	[sflag:s10] =	ssyncset.done $0x0  }
0x1a: {  	[sflag:s10] =	ssyncadd.s32 $0xFFFFFD80  }
0x1b: {  	[spmem:s6] =	stream.linear.scatter [tilespmem:s11], [sflag:$0x3], $0x278, $0x38;
	[tilespmem:$0x8578] =	vst v63  }
0x1c: {  	_ =	swait.ge [sflag:s10], $0x278  }
0x1d: {  	[sflag:s10] =	ssyncset.done $0x0  }
0x1e: {  	[sflag:s10] =	ssyncadd.s32 $0xFFFFFD88  }
0x1f: {  	[bflag:$0x0] =	sbarrier.arrive $0xFFFF  }
0x20: {  	[spmem:s2] =	stream.indirect.scatter.add.f32 [tilespmem:s14], [sflag:$0x1], $0x1, s13, s12, $0xb8;
	[tilespmem:$0x8578] =	vst v63  }
0x21: {  	s19 =	simm.s32 $0x3F8  }
0x22: {  	[spmem:s2] =	stream.indirect.scatter.add.f32 [tilespmem:s14], [sflag:$0x2], $0x1, s19, s12, $0xb8;
	[tilespmem:$0x8578] =	vst v63  }
0x23: {  	_ =	swait.ge [sflag:s15], $0x50  }
0x24: {  	[sflag:s15] =	ssyncset.done $0x0  }
0x25: {  	s31 =	simm.s32 $0x4F8;
	[sflag:s15] =	ssyncadd.s32 $0xFFFFFFB0  }
0x26: {  	[spmem:s2] =	stream.indirect.scatter.add.f32 [tilespmem:s14], [sflag:$0x1], $0x1, s31, s12, $0xb8;
	[tilespmem:$0x8578] =	vst v63  }
0x27: {  	_ =	swait.ge [sflag:s16], $0x50  }
0x28: {  	s20 =	simm.s32 $0xFFFE1800;
	s19 =	simm.s32 $0xFFFF8400;
	[sflag:s16] =	ssyncset.done $0x0  }
.LBB2_2:
0x29: {  	s21 =	sadd.s32 $0x81F8, s19  }
0x2a: {  	[sflag:s16] =	ssyncadd.s32 $0xFFFFFFB0;
	s22 =	smov.u32 s20;
	s23 =	sadd.s32 $0x800, s20  }
0x2b: {  	[spmem:s2] =	stream.indirect.scatter.add.f32 [tilespmem:s14], [sflag:$0x2], $0x1, s21, s12, $0xb8;
	[tilespmem:$0x8578] =	vst v63  }
0x2c: {  	p0 =	sne.s32 s20, $0xFFFFF800;
	_ =	swait.ge [sflag:s15], $0x50  }
.Ltmp0:
0x2d: {  	[sflag:s15] =	ssyncset.done $0x0;
	(pc) =	sbr.rel @p0 .LBB2_2-.Ltmp0, $4  }
0x2e: {  	s19 =	sadd.s32 $0x82F8, s19;
	[sflag:s15] =	ssyncadd.s32 $0xFFFFFFB0  }
0x2f: {  	[spmem:s2] =	stream.indirect.scatter.add.f32 [tilespmem:s14], [sflag:$0x1], $0x1, s19, s12, $0xb8;
	[tilespmem:$0x8578] =	vst v63  }
0x30: {  	_ =	swait.ge [sflag:s16], $0x50  }
0x31: {  	s20 =	smov.u32 s23;
	s19 =	sshra.s32 s22, $0x2;
	[sflag:s16] =	ssyncset.done $0x0  }
0x32: {  	s20 =	sadd.s32 $0x81F8, s19;
	[sflag:s16] =	ssyncadd.s32 $0xFFFFFFB0  }
0x33: {  	[spmem:s2] =	stream.indirect.scatter.add.f32 [tilespmem:s14], [sflag:$0x2], $0x1, s20, s12, $0xb8;
	[tilespmem:$0x8578] =	vst v63  }
0x34: {  	_ =	swait.ge [sflag:s15], $0x50  }
0x35: {  	[sflag:s15] =	ssyncset.done $0x0  }
0x36: {  	s31 =	sadd.s32 $0x82F8, s19;
	[sflag:s15] =	ssyncadd.s32 $0xFFFFFFB0  }
0x37: {  	[spmem:s2] =	stream.indirect.scatter.add.f32 [tilespmem:s14], [sflag:$0x1], $0x1, s31, s12, $0xb8;
	[tilespmem:$0x8578] =	vst v63  }
0x38: {  	_ =	swait.ge [sflag:s16], $0x50  }
0x39: {  	[sflag:s16] =	ssyncset.done $0x0  }
0x3a: {  	[sflag:s16] =	ssyncadd.s32 $0xFFFFFFB0  }
0x3b: {  	[spmem:s2] =	stream.indirect.scatter.add.f32 [tilespmem:s14], [sflag:$0x2], $0x1, s17, s12, $0xb8;
	[tilespmem:$0x8578] =	vst v63  }
0x3c: {  	_ =	swait.ge [sflag:s15], $0x50  }
0x3d: {  	[sflag:s15] =	ssyncset.done $0x0  }
0x3e: {  	[sflag:s15] =	ssyncadd.s32 $0xFFFFFFB0  }
0x3f: {  	_ =	swait.ge [sflag:s16], $0x50  }
0x40: {  	[sflag:s16] =	ssyncset.done $0x0  }
0x41: {  	[sflag:s16] =	ssyncadd.s32 $0xFFFFFFB0  }
0x42: {  	[bflag:$0x0] =	sbarrier.arrive $0xFFFF  }
0x43: {  	[tilespmem:s11], [sflag:$0x3] =	stream.linear.gather [spmem:s6], $0x278, $0x38;
	[tilespmem:$0x8578] =	vst v63  }
0x44: {  	s18 =	sadd.s32 $0x1, s18;
	_ =	swait.ge [sflag:s10], $0x278  }
0x45: {  	p0 =	sne.s32 s18, s8;
	[sflag:s10] =	ssyncset.done $0x0  }
.Ltmp1:
0x46: {  	[sflag:s10] =	ssyncadd.s32 $0xFFFFFD88;
	(pc) =	sbr.rel @p0 .LBB2_1-.Ltmp1, $4  }
0x47: {  	[hbm4b:s7+s3] =	stream.linear.scatter [tilespmem:s11], [sflag:$0x3], $0x278, $0x38;
	[tilespmem:$0x8578] =	vst v63  }
0x48: {  	_ =	swait.ge [sflag:s10], $0x278  }
0x49: {  	[sflag:s10] =	ssyncset.done $0x0  }
0x4a: {  	[sflag:s10] =	ssyncadd.s32 $0xFFFFFD88  }
0x4b: {  	_ =	sfence.sel $0x180000  }
0x4c: {  	[bflag:$0x0] =	sbarrier.arrive $0xFFFF  }
0x4d: {  	p0 =	sne.s32 s0, $0x0;
	_ =	strace $0x90000047  }
0x4e: {  	s0 =	sadd.s32 @!p0 $0x100000, s1;
	[bflag:$0x2] =	sbarrier.arrive $0xFFFF  }
0x4f: {  	[sflag:s0] =	ssyncadd.tile.s32 @!p0 $0x1;
	_ =	shalt  }
.Lfunc_end2:
_tile_overlayer_lowered:
.L_overlay_start_2:
0x50: {  	(tag) =	ssettag $0x2  }
0x51: {  	s0 =	rddreg [dreg:$0x0];
	s2 =	stileid.u32  }
0x52: {  	s1 =	rddreg [dreg:$0x1];
	p0 =	sne.s32 s2, $0x0  }
0x53: {  	s3 =	rddreg [dreg:$0x2];
	[bflag:$0x3] =	sbarrier.arrive $0xFFFF;
	s2 =	simm.s32 @!p0 $0x1C03  }
0x54: {  	[timem:s3], [sflag:s2] =	dma.local @!p0 [hbm:s0], s1  }
0x55: {  	s0 =	simm.s32 @!p0 $0x3  }
0x56: {  	_ =	swait.ge @!p0 [sflag:s0], s1  }
0x57: {  	s1 =	ssub.s32 @!p0 $0x0, s1;
	[sflag:s0] =	ssyncset.done @!p0 $0x0  }
0x58: {  	[sflag:s0] =	ssyncadd.s32 @!p0 s1  }
0x59: {  	[bflag:$0x3] =	sbarrier.arrive $0xFFFF  }
0x5a: {  	_ =	shalt  }

// kernel: kernel.9.cloned.1.call-start
scs
__scs_entry_jumppad:
0x0: {  	(pc) =	sbr.rel $0x88, $3  }
0x1: {  	(tag) =	ssettag $0x0;
	lr =	simm.s32 $0x1  }
0x2: {  	[smem:$0x3F9E] =	sst lr;
	_ =	strace $0xD0000000  }
0x3: {  	_ = 	snop  }
0x4: {  	_ = 	snop  }
0x5: {  	_ = 	snop  }
0x6: {  	_ = 	snop  }
0x7: {  	_ = 	snop  }
__scs_overlays_trampoline_lowered:
0x8: {  	[smem:$0x3FAD] =	sst s0  }
0x9: {  	[smem:$0x3FAE] =	sst s1  }
0xa: {  	[smem:$0x3FAF] =	sst s2  }
0xb: {  	[smem:$0x3FB0] =	sst s3  }
0xc: {  	[smem:$0x3FB1] =	sst s4  }
0xd: {  	[smem:$0x3FB2] =	sst s5  }
0xe: {  	[smem:$0x3FB3] =	sst s6  }
0xf: {  	[smem:$0x3FB4] =	sst s7  }
0x10: {  	[smem:$0x3FB5] =	sst s8  }
0x11: {  	[smem:$0x3FB6] =	sst s9;
	s0 =	simm.s32 @!p0 $0x0  }
0x12: {  	s1 =	sld [smem:$0x3F9C];
	s0 =	simm.s32 @p0 $0x1  }
0x13: {  	[smem:$0x3FB7] =	sst s0;
	s0 =	simm.s32 @!p1 $0x0  }
0x14: {  	s2 =	sld [smem:$0x3F9B];
	s0 =	simm.s32 @p1 $0x1  }
0x15: {  	[smem:$0x3FB8] =	sst s0;
	s0 =	simm.s32 @!p2 $0x0  }
0x16: {  	s3 =	sld [smem:$0x3FDB];
	s0 =	simm.s32 @p2 $0x1  }
0x17: {  	s4 =	simm.s32 $0x1BF5;
	[smem:$0x3FBA] =	sst s0  }
0x18: {  	s0 =	sld [smem:$0x3F9D];
	_ =	swait.ge [sflag:s4], $0x0  }
0x19: {  	s7 =	sld [smem:$0x3F9E]  }
0x1a: {  	s8 =	sadd.s32 $0xFFFFE003, lr  }
0x1b: {  	s9 =	sadd.s32 $0xFFFFFEF7, lr;
	s5 =	simm.s32 $0xFFFFFFFF;
	p2 =	slt.u32 s8, $0xFFFFF086  }
0x1c: {  	p1 =	slt.u32 s9, $0xF7A;
	s5 =	simm.s32 @!p2 $0x0  }
0x1d: {  	s5 =	simm.s32 @p1 $0x1;
	p0 =	seq.s32 s7, s2  }
0x1e: {  	s7 =	smul.u32 @!p0 $0xF7A, s2;
	p2 =	seq.s32 @!p0 s5, $0x0  }
0x1f: {  	s9 =	smul.u32 $0xF7A, s1;
	s8 =	simm.s32 @!p0 $0x1BF5;
	p2 =	por !p2, p0  }
0x20: {  	[sflag:s8] =	ssyncset.s32 @!p0 $0xFFFFF086;
	s6 =	sadd.s32 @!p0 s3, s7;
	s7 =	simm.s32 @!p0 $0x108  }
0x21: {  	s3 =	sadd.s32 s3, s9;
	s6 =	sadd.s32 @!p0 $0x88, s6;
	s7 =	simm.s32 @p2 $0x1082  }
0x22: {  	[simem:s7], [sflag:s8] =	dma.local @!p0 [hbm:s6], $0xF7A  }
0x23: {  	s9 =	sor.u32 $0xD0000000, s2;
	s6 =	simm.s32 $0x108;
	_ =	swait.ge @!p0 [sflag:s8], $0x0  }
0x24: {  	s3 =	sadd.s32 $0x88, s3;
	s6 =	simm.s32 @!p1 $0x1082;
	[sflag:s4] =	ssyncset.s32 $0xFFFFF086  }
0x25: {  	[simem:s6], [sflag:s4] =	dma.local [hbm:s3], $0xF7A  }
0x26: {  	[smem:$0x3F9E] =	sst s1;
	(tag) =	ssettag s2;
	_ =	strace s9  }
0x27: {  	s1 =	sld [smem:$0x3FAE]  }
0x28: {  	s2 =	sld [smem:$0x3FAF]  }
0x29: {  	s4 =	sld [smem:$0x3FB1]  }
0x2a: {  	p0 =	seq.s32 s5, $0x0;
	s5 =	sld [smem:$0x3FB2]  }
0x2b: {  	s6 =	sld [smem:$0x3FB3]  }
0x2c: {  	s7 =	sld [smem:$0x3FB4]  }
0x2d: {  	s3 =	simm.s32 $0x108;
	s8 =	sld [smem:$0x3FB5]  }
0x2e: {  	s3 =	simm.s32 @!p0 $0x1082;
	s9 =	sld [smem:$0x3FB6]  }
0x2f: {  	lr =	sadd.s32 s0, s3;
	s0 =	sld [smem:$0x3FAD]  }
0x30: {  	s3 =	sld [smem:$0x3FB0]  }
0x31: {  	[smem:$0x3FB9] =	sst s10  }
0x32: {  	s10 =	sld [smem:$0x3FB7];
	_ =	sdelay $0x3  }
0x33: {  	p0 =	seq.s32 s10, $0x1;
	s10 =	sld [smem:$0x3FB9];
	_ =	sdelay $0x3  }
0x34: {  	[smem:$0x3FB9] =	sst s10  }
0x35: {  	s10 =	sld [smem:$0x3FB8];
	_ =	sdelay $0x3  }
0x36: {  	p1 =	seq.s32 s10, $0x1;
	s10 =	sld [smem:$0x3FB9];
	_ =	sdelay $0x3  }
0x37: {  	[smem:$0x3FB9] =	sst s10  }
0x38: {  	s10 =	sld [smem:$0x3FBA]  }
0x39: {  	_ = 	snop;
	(pc) =	sbr.ind lr, $3  }
0x3a: {  	_ = 	snop  }
0x3b: {  	_ = 	snop  }
0x3c: {  	p2 =	seq.s32 s10, $0x1;
	s10 =	sld [smem:$0x3FB9]  }
0x3d: {  	_ =	shalt  }
0x3e: {  	_ =	shalt  }
0x3f: {  	_ =	shalt  }
0x40: {  	_ =	shalt  }
0x41: {  	_ =	shalt  }
0x42: {  	_ =	shalt  }
0x43: {  	_ =	shalt  }
0x44: {  	_ =	shalt  }
0x45: {  	_ =	shalt  }
0x46: {  	_ =	shalt  }
0x47: {  	_ =	shalt  }
0x48: {  	_ =	shalt  }
0x49: {  	_ =	shalt  }
0x4a: {  	_ =	shalt  }
0x4b: {  	_ =	shalt  }
0x4c: {  	_ =	shalt  }
0x4d: {  	_ =	shalt  }
0x4e: {  	_ =	shalt  }
0x4f: {  	_ =	shalt  }
0x50: {  	_ =	shalt  }
0x51: {  	_ =	shalt  }
0x52: {  	_ =	shalt  }
0x53: {  	_ =	shalt  }
0x54: {  	_ =	shalt  }
0x55: {  	_ =	shalt  }
0x56: {  	_ =	shalt  }
0x57: {  	_ =	shalt  }
0x58: {  	_ =	shalt  }
0x59: {  	_ =	shalt  }
0x5a: {  	_ =	shalt  }
0x5b: {  	_ =	shalt  }
0x5c: {  	_ =	shalt  }
0x5d: {  	_ =	shalt  }
0x5e: {  	_ =	shalt  }
0x5f: {  	_ =	shalt  }
0x60: {  	_ =	shalt  }
0x61: {  	_ =	shalt  }
0x62: {  	_ =	shalt  }
0x63: {  	_ =	shalt  }
0x64: {  	_ =	shalt  }
0x65: {  	_ =	shalt  }
0x66: {  	_ =	shalt  }
0x67: {  	_ =	shalt  }
0x68: {  	_ =	shalt  }
0x69: {  	_ =	shalt  }
0x6a: {  	_ =	shalt  }
0x6b: {  	_ =	shalt  }
0x6c: {  	_ =	shalt  }
0x6d: {  	_ =	shalt  }
0x6e: {  	_ =	shalt  }
0x6f: {  	_ =	shalt  }
0x70: {  	_ =	shalt  }
0x71: {  	_ =	shalt  }
0x72: {  	_ =	shalt  }
0x73: {  	_ =	shalt  }
0x74: {  	_ =	shalt  }
0x75: {  	_ =	shalt  }
0x76: {  	_ =	shalt  }
0x77: {  	_ =	shalt  }
0x78: {  	_ =	shalt  }
0x79: {  	_ =	shalt  }
0x7a: {  	_ =	shalt  }
0x7b: {  	_ =	shalt  }
0x7c: {  	_ =	shalt  }
0x7d: {  	_ =	shalt  }
0x7e: {  	_ =	shalt  }
0x7f: {  	_ =	shalt  }
0x80: {  	_ =	shalt  }
0x81: {  	_ =	shalt  }
0x82: {  	_ =	shalt  }
0x83: {  	_ =	shalt  }
0x84: {  	_ =	shalt  }
0x85: {  	_ =	shalt  }
0x86: {  	_ =	shalt  }
0x87: {  	_ =	shalt  }
.Lfunc_end0:
.L_simem_size_0:
called_computation.1_lowered:
.L_overlay_start_0:
0x88: {  	s2 =	sld [smem:$0x3FD9]  }
0x89: {  	s3 =	sld [smem:$0x3FFE];
	_ =	sdelay $0x1  }
0x8a: {  	s1 =	srdreg.scid  }
0x8b: {  	s0 =	sand.u32 $0x1, s1  }
0x8c: {  	s17 =	sshll.u32 s0, $0xA;
	s2 =	sadd.s32 s3, s2  }
0x8d: {  	s2 =	sadd.s32 s2, s17  }
0x8e: {  	[smem:$0x3FC5] =	sst s2  }
0x8f: {  	_ = 	snop  }
0x90: {  	s2 =	sld [smem:$0x3FD0];
	(tm) =	ssettm $0x1  }
0x91: {  	s18 =	sld [smem:$0x3FFB];
	_ =	sdelay $0x3  }
0x92: {  	_ =	strace s18  }
0x93: {  	s3 =	sld [smem:$0x3FFC];
	_ =	sdelay $0x3  }
0x94: {  	_ =	strace s3  }
0x95: {  	s3 =	sld [smem:$0x3FFD];
	_ =	sdelay $0x3  }
0x96: {  	_ =	strace s3  }
0x97: {  	_ =	strace $0x8FFFFFFF  }
0x98: {  	s19 =	sld [smem:$0x3FDB];
	_ =	sdelay $0x1  }
0x99: {  	s4 =	simm.s32 $_scs_section_size  }
0x9a: {  	s5 =	simm.s32 $_size__tile_overlayer_lowered;
	s6 =	simm.s32 $_tile_overlayer_lowered  }
0x9b: {  	s22 =	simm.s32 $0x1BFF;
	s21 =	sshll.u32 s6, $0x1;
	s3 =	sadd.s32 s4, s19  }
0x9c: {  	s7 =	simm.s32 $0x0;
	s20 =	sshll.u32 s5, $0x1;
	s5 =	sadd.s32 s21, s3  }
0x9d: {  	[timem:s7], [sflag:s22] =	dma.local [hbm:s5], s20  }
0x9e: {  	_ =	swait.ge [sflag:s22], s20  }
0x9f: {  	s4 =	ssub.s32 $0x0, s20;
	[sflag:s22] =	ssyncset.done $0x0  }
0xa0: {  	[sflag:s22] =	ssyncadd.s32 s4;
	_ =	sdelay $0x1  }
0xa1: {  	s23 =	simm.s32 $0x1B8B  }
0xa2: {  	_ =	swait.ge [sflag:s23], $0x1  }
0xa3: {  	[sflag:s23] =	ssyncset.done $0x0  }
0xa4: {  	s25 =	simm.s32 $0x1B8E;
	s24 =	sld [smem:$0x3FFE];
	[sflag:s23] =	ssyncadd.s32 $0xFFFFFFFF  }
0xa5: {  	s26 =	simm.s32 $execute0_lowered;
	[smem:$0x3FD2] =	sst s25  }
0xa6: {  	s5 =	sshll.u32 s26, $0x1;
	_ =	strace $0x80000049;
	[dreg:$0x1] =	wrdreg $0xFFFFFFFF  }
0xa7: {  	s28 =	simm.s32 $_size_execute0_lowered;
	s3 =	sadd.s32 s3, s5;
	[dreg:$0x0] =	wrdreg $0x0  }
0xa8: {  	s5 =	sshll.u32 s28, $0x1;
	[dreg:$0x2] =	wrdreg s3  }
0xa9: {  	[dreg:$0x3] =	wrdreg s5  }
0xaa: {  	[dreg:$0x4] =	wrdreg $0xC0  }
0xab: {  	_ =	task [dreg:s7], $0x5FFFF  }
0xac: {  	[dreg:$0x1] =	wrdreg $0xFFFFFFFF  }
0xad: {  	[dreg:$0x0] =	wrdreg $0x60  }
0xae: {  	[dreg:$0x2] =	wrdreg s2  }
0xaf: {  	[dreg:$0x3] =	wrdreg s24  }
0xb0: {  	[dreg:$0x4] =	wrdreg $0x0  }
0xb1: {  	[dreg:$0x5] =	wrdreg $0x9  }
0xb2: {  	_ =	task.clear_ibuf [dreg:s7], $0x6FFFF;
	_ =	strace $0x90000049  }
0xb3: {  	s29 =	simm.s32 $0x9;
	_ =	strace $0x8000004B  }
0xb4: {  	_ =	swait.ge [sflag:s29], $0x1  }
0xb5: {  	[sflag:s29] =	ssyncadd.s32 $0xFFFFFFFF  }
0xb6: {  	_ =	strace $0x9000004B  }
0xb7: {  	_ =	sfence  }
0xb8: {  	s30 =	sld [smem:$0x0];
	_ =	sdelay $0x2  }
0xb9: {  	s31 =	sshll.u32 s1, $0xD;
	s1 =	sshrl.u32 s1, $0x2  }
0xba: {  	s3 =	sand.u32 $0x4000, s31;
	s1 =	sadd.s32 s1, s30  }
0xbb: {  	s0 =	sor.u32 s3, s0;
	s1 =	sshll.u32 s1, $0x11  }
0xbc: {  	s0 =	sor.u32 s1, s0  }
0xbd: {  	s0 =	sadd.s32 $0x8F2B, s0  }
0xbe: {  	[sflag:s0] =	ssyncadd.remote.s32 $0x1  }
0xbf: {  	_ =	sfence.sel $0xFFFF  }
0xc0: {  	[dreg:$0x0] =	wrdreg $0xFFFFFFFF;
	(pc) =	sbr.abs _section_cstart, $3  }
0xc1: {  	[dreg:$0x1] =	wrdreg $0xFFFFFFFF  }
0xc2: {  	_ =	task.clear_ibuf [dreg:s7], $0x2FFFF;
	_ =	strace $0x9FFFFFFF  }
0xc3: {  	(tm) =	ssettm $0x7FFFFFFF  }
tec
execute0_lowered:
.L_overlay_start_1:
0x0: {  	(tag) =	ssettag $0x1  }
0x1: {  	s0 =	rddreg [dreg:$0x0]  }
0x2: {  	s1 =	rddreg [dreg:$0x1];
	s3 =	srdreg.scid  }
0x3: {  	s8 =	stileid.u32;
	s2 =	rddreg [dreg:$0x2];
	s9 =	simm.s32 $0x0  }
0x4: {  	s20 =	simm.s32 $0x13C80;
	s21 =	simm.s32 $0x13D80;
	s22 =	simm.s32 $0x13E80  }
0x5: {  	s28 =	simm.s32 $0x14000;
	s29 =	simm.s32 $0x14100;
	s30 =	simm.s32 $0x10  }
0x6: {  	s31 =	simm.s32 $0x8;
	s3 =	sand.u32 $0x1, s3;
	s5 =	smul.u32 $0x2780, s8  }
0x7: {  	[smem:$0x7FF] =	sst s9;
	s7 =	smul.u32 $0x4F000, s8;
	s4 =	sadd.s32 $0x1400, s1  }
0x8: {  	s10 =	sshll.u32 s8, $0xC;
	s8 =	simm.s32 $0x16C00;
	s6 =	smul.u32 $0x27800, s3  }
0x9: {  	_ =	strace $0x8000004A;
	s23 =	ssub.s32 $0x2, s3;
	[dreg:$0x4] =	wrdreg s20  }
0xa: {  	s3 =	sshll.u32 s3, $0x10;
	[dreg:$0x5] =	wrdreg s21;
	s7 =	sshrl.u32 s7, $0x2  }
0xb: {  	[dreg:$0x6] =	wrdreg s22;
	s22 =	simm.s32 $0x14400;
	s14 =	sadd.s32 s7, s2  }
0xc: {  	s20 =	simm.s32 $0xB;
	s25 =	sadd.s32 $0x2800, s14;
	[dreg:$0xb] =	wrdreg s14  }
0xd: {  	s24 =	sshrl.u32 s23, $0x1;
	s26 =	sadd.s32 $0x5000, s14;
	[dreg:$0xc] =	wrdreg s25  }
0xe: {  	s12 =	sor.u32 s10, s3;
	s7 =	sadd.s32 $0x7800, s14;
	[dreg:$0xd] =	wrdreg s26  }
0xf: {  	s5 =	sadd.s32 s5, s6;
	s11 =	sadd.s32 $0xC800, s14;
	[dreg:$0xe] =	wrdreg s7  }
0x10: {  	s1 =	sadd.s32 s5, s1;
	s13 =	sadd.s32 $0xF000, s14;
	[dreg:$0x10] =	wrdreg s11  }
0x11: {  	s5 =	ssub.s32 s23, s24;
	s15 =	sadd.s32 $0x11800, s14;
	[dreg:$0x11] =	wrdreg s13  }
0x12: {  	s23 =	simm.s32 $0x13F80;
	s24 =	simm.s32 $0x14080;
	[dreg:$0x12] =	wrdreg s15  }
0x13: {  	s7 =	sadd.s32 $0xA000, s14;
	s1 =	sadd.s32 $0x28C00, s1;
	[dreg:$0x7] =	wrdreg s23  }
0x14: {  	s5 =	smax.u32 s5, $0x1;
	[dreg:$0x8] =	wrdreg s24;
	s25 =	simm.s32 $0x14280  }
0x15: {  	s26 =	simm.s32 $0x14380;
	s23 =	simm.s32 $0x13F00;
	[dreg:$0xf] =	wrdreg s7  }
0x16: {  	s11 =	simm.s32 $0x1BC00;
	s15 =	simm.s32 $0x14300;
	[dreg:$0x19] =	wrdreg s1  }
0x17: {  	s24 =	simm.s32 $0x6;
	s13 =	simm.s32 $0x7;
	[dreg:$0x1a] =	wrdreg s5  }
0x18: {  	s7 =	sadd.s32 s0, s12;
	s0 =	sadd.s32 s3, s0;
	[dreg:$0x9] =	wrdreg s25  }
0x19: {  	s5 =	simm.s32 $0x11;
	[dreg:$0xa] =	wrdreg s26;
	s1 =	simm.s32 $0x50  }
0x1a: {  	s12 =	simm.s32 $0x9;
	s16 =	sadd.s32 $0x20, s7;
	[dreg:$0x13] =	wrdreg s7  }
0x1b: {  	s25 =	simm.s32 $0xF;
	s17 =	sadd.s32 $0x40, s7;
	[dreg:$0x14] =	wrdreg s16  }
0x1c: {  	s26 =	simm.s32 $0xC;
	s18 =	sadd.s32 $0x60, s7;
	[dreg:$0x15] =	wrdreg s17  }
0x1d: {  	s3 =	simm.s32 $0x0;
	s19 =	sadd.s32 $0x80, s7;
	[dreg:$0x16] =	wrdreg s18  }
0x1e: {  	s7 =	sadd.s32 $0xA0, s7;
	s21 =	sadd.s32 s10, s0;
	[dreg:$0x17] =	wrdreg s19  }
0x1f: {  	s10 =	simm.s32 $0x4;
	[dreg:$0x18] =	wrdreg s7;
	s16 =	simm.s32 $0xD  }
0x20: {  	v0 =	vimm.f32 $0.0e+00;
	s17 =	simm.s32 $0x5;
	s18 =	simm.s32 $0xA;
	s19 =	simm.s32 $0xE  }
.LBB2_1:
0x21: {  	[dreg:$0x1b] =	wrdreg s3;
	s0 =	simm.s32 $0x0;
	s3 =	simm.s32 $0x200  }
.LBB2_2:
0x22: {  	p0 =	sne.s32 s3, $0x9E00;
	[tilespmem:s0+$0x14470] =	vst v0  }
0x23: {  	[tilespmem:s0+$0x14400] =	vst v0  }
0x24: {  	[tilespmem:s0+$0x14410] =	vst v0  }
.Ltmp0:
0x25: {  	[tilespmem:s0+$0x14420] =	vst v0;
	(pc) =	sbr.rel @p0 .LBB2_2-.Ltmp0, $4  }
0x26: {  	[tilespmem:s0+$0x14430] =	vst v0  }
0x27: {  	[tilespmem:s0+$0x14440] =	vst v0  }
0x28: {  	[tilespmem:s0+$0x14450] =	vst v0  }
0x29: {  	[tilespmem:s0+$0x14460] =	vst v0;
	s0 =	sshra.s32 s3, $0x2;
	s3 =	sadd.s32 $0x200, s3  }
0x2a: {  	[tilespmem:s0+$0x14470] =	vst v0  }
0x2b: {  	[tilespmem:s0+$0x14400] =	vst v0  }
0x2c: {  	[tilespmem:s0+$0x14410] =	vst v0  }
0x2d: {  	[tilespmem:s0+$0x14420] =	vst v0  }
0x2e: {  	[tilespmem:s0+$0x14430] =	vst v0  }
0x2f: {  	[tilespmem:s0+$0x14440] =	vst v0  }
0x30: {  	[tilespmem:s0+$0x14450] =	vst v0  }
0x31: {  	[tilespmem:s0+$0x14460] =	vst v0  }
0x32: {  	[spmem:s14] =	stream.linear.scatter [tilespmem:s22], [sflag:$0x11], $0x2800, $0x38;
	[tilespmem:$0x1E400] =	vst v63  }
0x33: {  	_ =	swait.ge [sflag:s5], $0x2800  }
0x34: {  	[sflag:s5] =	ssyncset.done $0x0  }
0x35: {  	s14 =	rddreg [dreg:$0xc];
	[sflag:s5] =	ssyncadd.s32 $0xFFFFD800  }
0x36: {  	[spmem:s14] =	stream.linear.scatter [tilespmem:s22], [sflag:$0x11], $0x2800, $0x38;
	[tilespmem:$0x1E400] =	vst v63  }
0x37: {  	_ =	swait.ge [sflag:s5], $0x2800  }
0x38: {  	[sflag:s5] =	ssyncset.done $0x0  }
0x39: {  	s3 =	rddreg [dreg:$0xd];
	[sflag:s5] =	ssyncadd.s32 $0xFFFFD800  }
0x3a: {  	[spmem:s3] =	stream.linear.scatter [tilespmem:s22], [sflag:$0x11], $0x2800, $0x38;
	[tilespmem:$0x1E400] =	vst v63  }
0x3b: {  	_ =	swait.ge [sflag:s5], $0x2800  }
0x3c: {  	[sflag:s5] =	ssyncset.done $0x0  }
0x3d: {  	s6 =	rddreg [dreg:$0xe];
	[sflag:s5] =	ssyncadd.s32 $0xFFFFD800  }
0x3e: {  	[spmem:s6] =	stream.linear.scatter [tilespmem:s22], [sflag:$0x11], $0x2800, $0x38;
	[tilespmem:$0x1E400] =	vst v63  }
0x3f: {  	_ =	swait.ge [sflag:s5], $0x2800  }
0x40: {  	[sflag:s5] =	ssyncset.done $0x0  }
0x41: {  	s7 =	rddreg [dreg:$0xf];
	[sflag:s5] =	ssyncadd.s32 $0xFFFFD800  }
0x42: {  	[spmem:s7] =	stream.linear.scatter [tilespmem:s22], [sflag:$0x11], $0x2800, $0x38;
	[tilespmem:$0x1E400] =	vst v63  }
0x43: {  	_ =	swait.ge [sflag:s5], $0x2800  }
0x44: {  	[sflag:s5] =	ssyncset.done $0x0  }
0x45: {  	s14 =	rddreg [dreg:$0x10];
	[sflag:s5] =	ssyncadd.s32 $0xFFFFD800  }
0x46: {  	[spmem:s14] =	stream.linear.scatter [tilespmem:s22], [sflag:$0x11], $0x2800, $0x38;
	[tilespmem:$0x1E400] =	vst v63  }
0x47: {  	_ =	swait.ge [sflag:s5], $0x2800  }
0x48: {  	[sflag:s5] =	ssyncset.done $0x0  }
0x49: {  	s3 =	rddreg [dreg:$0x11];
	[sflag:s5] =	ssyncadd.s32 $0xFFFFD800  }
0x4a: {  	[spmem:s3] =	stream.linear.scatter [tilespmem:s22], [sflag:$0x11], $0x2800, $0x38;
	[tilespmem:$0x1E400] =	vst v63  }
0x4b: {  	_ =	swait.ge [sflag:s5], $0x2800  }
0x4c: {  	[sflag:s5] =	ssyncset.done $0x0  }
0x4d: {  	s6 =	rddreg [dreg:$0x12];
	[sflag:s5] =	ssyncadd.s32 $0xFFFFD800  }
0x4e: {  	[spmem:s6] =	stream.linear.scatter [tilespmem:s22], [sflag:$0x11], $0x2400, $0x38;
	[tilespmem:$0x1E400] =	vst v63  }
0x4f: {  	_ =	swait.ge [sflag:s5], $0x2400  }
0x50: {  	[sflag:s5] =	ssyncset.done $0x0  }
0x51: {  	[sflag:s5] =	ssyncadd.s32 $0xFFFFDC00  }
0x52: {  	[bflag:$0x0] =	sbarrier.arrive $0xFFFF  }
0x53: {  	s0 =	simm.s32 $0x0;
	s5 =	simm.s32 $0x13C00;
	s3 =	rddreg [dreg:$0x13]  }
0x54: {  	[tilespmem:s5], [sflag:$0x1] =	stream.linear.gather [hbm4b:s3+s0], $0x100, $0x38;
	[tilespmem:$0x1E400] =	vst v63  }
0x55: {  	s6 =	simm.s32 $0x13D00;
	s7 =	rddreg [dreg:$0x14]  }
0x56: {  	[tilespmem:s6], [sflag:$0x2] =	stream.linear.gather [hbm4b:s7+s0], $0x100, $0x38;
	[tilespmem:$0x1E400] =	vst v63  }
0x57: {  	s14 =	rddreg [dreg:$0x15];
	s7 =	simm.s32 $0x13E00  }
0x58: {  	[tilespmem:s7], [sflag:$0x3] =	stream.linear.gather [hbm4b:s14+s0], $0x100, $0x38;
	[tilespmem:$0x1E400] =	vst v63  }
0x59: {  	s14 =	rddreg [dreg:$0x16]  }
0x5a: {  	[tilespmem:s23], [sflag:$0x4] =	stream.linear.gather [hbm4b:s14+s0], $0x100, $0x38;
	[tilespmem:$0x1E400] =	vst v63  }
0x5b: {  	s14 =	rddreg [dreg:$0x17]  }
0x5c: {  	[tilespmem:s28], [sflag:$0x5] =	stream.linear.gather [hbm4b:s14+s0], $0x100, $0x38;
	[tilespmem:$0x1E400] =	vst v63  }
0x5d: {  	s3 =	simm.s32 $0x1;
	s14 =	rddreg [dreg:$0x18]  }
0x5e: {  	[tilespmem:s29], [sflag:$0x6] =	stream.linear.gather [hbm4b:s14+s0], $0x100, $0x38;
	[tilespmem:$0x1E400] =	vst v63  }
0x5f: {  	_ =	swait.ge [sflag:s3], $0x100  }
0x60: {  	[sflag:s3] =	ssyncset.done $0x0  }
0x61: {  	s14 =	simm.s32 $0x2;
	[sflag:s3] =	ssyncadd.s32 $0xFFFFFF00  }
0x62: {  	[tilespmem:s22], [sflag:$0x9] =	stream.indirect.gather [hbm4b:s4+s1], $0x80, s5, s1, $0xb8;
	[tilespmem:$0x1E400] =	vst v63  }
0x63: {  	_ =	swait.ge [sflag:s14], $0x100  }
0x64: {  	[sflag:s14] =	ssyncset.done $0x0  }
0x65: {  	s3 =	simm.s32 $0x3;
	[sflag:s14] =	ssyncadd.s32 $0xFFFFFF00  }
0x66: {  	[tilespmem:s8], [sflag:$0xA] =	stream.indirect.gather [hbm4b:s4+s1], $0x80, s6, s1, $0xb8;
	[tilespmem:$0x1E400] =	vst v63  }
0x67: {  	_ =	swait.ge [sflag:s3], $0x100  }
0x68: {  	p0 =	por $0x1, $0x1;
	[sflag:s3] =	ssyncset.done $0x0  }
0x69: {  	s0 =	sadd.s32 $0x0, s21;
	s14 =	simm.s32 $0x19400;
	[sflag:s3] =	ssyncadd.s32 $0xFFFFFF00  }
0x6a: {  	[tilespmem:s14], [sflag:$0xB] =	stream.indirect.gather [hbm4b:s4+s1], $0x80, s7, s1, $0xb8;
	[tilespmem:$0x1E400] =	vst v63  }
0x6b: {  	s5 =	sadd.s32 $0xC0, s0;
	s6 =	simm.s32 $0x14200;
	s3 =	simm.s32 @!p0 $0x10  }
0x6c: {  	[tilespmem:s6], [sflag:$0x7] =	stream.linear.gather [hbm4b:s5+s9], $0x100, $0x38;
	[tilespmem:$0x1E400] =	vst v63  }
0x6d: {  	_ =	swait.ge @!p0 [sflag:s3], $0x2800  }
0x6e: {  	[sflag:s3] =	ssyncset.done @!p0 $0x0  }
0x6f: {  	[sflag:s3] =	ssyncadd.s32 @!p0 $0xFFFFD800  }
0x70: {  	_ =	swait.ge [sflag:s10], $0x100  }
0x71: {  	[sflag:s10] =	ssyncset.done $0x0  }
0x72: {  	[sflag:s10] =	ssyncadd.s32 $0xFFFFFF00  }
0x73: {  	[tilespmem:s11], [sflag:$0xC] =	stream.indirect.gather [hbm4b:s4+s1], $0x80, s23, s1, $0xb8;
	[tilespmem:$0x1E400] =	vst v63  }
0x74: {  	_ =	swait.ge [sflag:s12], $0x2800  }
0x75: {  	[sflag:s12] =	ssyncset.done $0x0  }
0x76: {  	s7 =	rddreg [dreg:$0x4];
	[sflag:s12] =	ssyncadd.s32 $0xFFFFD800  }
0x77: {  	[spmem:s2] =	stream.indirect.scatter.add.f32 [tilespmem:s22], [sflag:$0xD], $0x80, s7, s1, $0xb8;
	[tilespmem:$0x1E400] =	vst v63  }
0x78: {  	s0 =	sadd.s32 $0xE0, s0  }
0x79: {  	[tilespmem:s15], [sflag:$0x8] =	stream.linear.gather [hbm4b:s0+s9], $0x100, $0x38;
	[tilespmem:$0x1E400] =	vst v63  }
0x7a: {  	_ =	swait.ge [sflag:s16], $0x2800  }
0x7b: {  	[sflag:s16] =	ssyncset.done $0x0  }
0x7c: {  	[sflag:s16] =	ssyncadd.s32 $0xFFFFD800  }
0x7d: {  	_ =	swait.ge [sflag:s17], $0x100  }
0x7e: {  	[sflag:s17] =	ssyncset.done $0x0  }
0x7f: {  	[sflag:s17] =	ssyncadd.s32 $0xFFFFFF00  }
0x80: {  	[tilespmem:s22], [sflag:$0x9] =	stream.indirect.gather [hbm4b:s4+s1], $0x80, s28, s1, $0xb8;
	[tilespmem:$0x1E400] =	vst v63  }
0x81: {  	_ =	swait.ge [sflag:s18], $0x2800  }
0x82: {  	p0 =	por $0x0, $0x0;
	[sflag:s18] =	ssyncset.done $0x0  }
0x83: {  	s0 =	sadd.s32 @!p0 $0x0, s21;
	s17 =	rddreg [dreg:$0x5];
	[sflag:s18] =	ssyncadd.s32 $0xFFFFD800  }
0x84: {  	[spmem:s2] =	stream.indirect.scatter.add.f32 [tilespmem:s8], [sflag:$0xE], $0x80, s17, s1, $0xb8;
	[tilespmem:$0x1E400] =	vst v63  }
0x85: {  	s3 =	simm.s32 @!p0 $0x0;
	s23 =	simm.s32 @!p0 $0x13C00;
	s5 =	sadd.s32 @!p0 $0x100, s0  }
0x86: {  	[tilespmem:s23], [sflag:$0x1] =	stream.linear.gather @!p0 [hbm4b:s5+s3], $0x100, $0x38;
	[tilespmem:$0x1E400] =	vst v63  }
0x87: {  	_ =	swait.ge [sflag:s19], $0x2800  }
0x88: {  	[sflag:s19] =	ssyncset.done $0x0  }
0x89: {  	[sflag:s19] =	ssyncadd.s32 $0xFFFFD800  }
0x8a: {  	_ =	swait.ge [sflag:s24], $0x100  }
0x8b: {  	[sflag:s24] =	ssyncset.done $0x0  }
0x8c: {  	[sflag:s24] =	ssyncadd.s32 $0xFFFFFF00  }
0x8d: {  	[tilespmem:s8], [sflag:$0xA] =	stream.indirect.gather [hbm4b:s4+s1], $0x80, s29, s1, $0xb8;
	[tilespmem:$0x1E400] =	vst v63  }
0x8e: {  	_ =	swait.ge [sflag:s20], $0x2800  }
0x8f: {  	[sflag:s20] =	ssyncset.done $0x0  }
0x90: {  	s19 =	rddreg [dreg:$0x6];
	[sflag:s20] =	ssyncadd.s32 $0xFFFFD800  }
0x91: {  	[spmem:s2] =	stream.indirect.scatter.add.f32 [tilespmem:s14], [sflag:$0xF], $0x80, s19, s1, $0xb8;
	[tilespmem:$0x1E400] =	vst v63  }
0x92: {  	s7 =	simm.s32 @!p0 $0x13D00;
	s5 =	sadd.s32 @!p0 $0x120, s0  }
0x93: {  	[tilespmem:s7], [sflag:$0x2] =	stream.linear.gather @!p0 [hbm4b:s5+s3], $0x100, $0x38;
	[tilespmem:$0x1E400] =	vst v63  }
0x94: {  	_ =	swait.ge [sflag:s25], $0x2800  }
0x95: {  	[sflag:s25] =	ssyncset.done $0x0  }
0x96: {  	[sflag:s25] =	ssyncadd.s32 $0xFFFFD800  }
0x97: {  	_ =	swait.ge [sflag:s13], $0x100  }
0x98: {  	[sflag:s13] =	ssyncset.done $0x0  }
0x99: {  	[sflag:s13] =	ssyncadd.s32 $0xFFFFFF00  }
0x9a: {  	[tilespmem:s14], [sflag:$0xB] =	stream.indirect.gather [hbm4b:s4+s1], $0x80, s6, s1, $0xb8;
	[tilespmem:$0x1E400] =	vst v63  }
0x9b: {  	_ =	swait.ge [sflag:s26], $0x2800  }
0x9c: {  	[sflag:s26] =	ssyncset.done $0x0  }
0x9d: {  	s24 =	rddreg [dreg:$0x7];
	[sflag:s26] =	ssyncadd.s32 $0xFFFFD800  }
0x9e: {  	[spmem:s2] =	stream.indirect.scatter.add.f32 [tilespmem:s11], [sflag:$0x10], $0x80, s24, s1, $0xb8;
	[tilespmem:$0x1E400] =	vst v63  }
0x9f: {  	s28 =	sadd.s32 @!p0 $0x140, s0;
	s5 =	simm.s32 @!p0 $0x13E00  }
0xa0: {  	[tilespmem:s5], [sflag:$0x3] =	stream.linear.gather @!p0 [hbm4b:s28+s3], $0x100, $0x38;
	[tilespmem:$0x1E400] =	vst v63  }
0xa1: {  	_ =	swait.ge [sflag:s30], $0x2800  }
0xa2: {  	[sflag:s30] =	ssyncset.done $0x0  }
0xa3: {  	[sflag:s30] =	ssyncadd.s32 $0xFFFFD800  }
0xa4: {  	_ =	swait.ge [sflag:s31], $0x100  }
0xa5: {  	[sflag:s31] =	ssyncset.done $0x0  }
0xa6: {  	[sflag:s31] =	ssyncadd.s32 $0xFFFFFF00  }
0xa7: {  	[tilespmem:s11], [sflag:$0xC] =	stream.indirect.gather [hbm4b:s4+s1], $0x80, s15, s1, $0xb8;
	[tilespmem:$0x1E400] =	vst v63  }
0xa8: {  	_ =	swait.ge [sflag:s12], $0x2800  }
0xa9: {  	[sflag:s12] =	ssyncset.done $0x0  }
0xaa: {  	s29 =	simm.s32 @p0 $0xA;
	s25 =	rddreg [dreg:$0x8];
	[sflag:s12] =	ssyncadd.s32 $0xFFFFD800  }
0xab: {  	[spmem:s2] =	stream.indirect.scatter.add.f32 [tilespmem:s22], [sflag:$0xD], $0x80, s25, s1, $0xb8;
	[tilespmem:$0x1E400] =	vst v63  }
0xac: {  	_ =	swait.ge @p0 [sflag:s29], $0x2800  }
0xad: {  	s28 =	simm.s32 @p0 $0x16C00;
	[sflag:s29] =	ssyncset.done @p0 $0x0  }
0xae: {  	s30 =	simm.s32 @p0 $0x50;
	[sflag:s29] =	ssyncadd.s32 @p0 $0xFFFFD800;
	s29 =	simm.s32 @p0 $0x14180  }
0xaf: {  	[spmem:s2] =	stream.indirect.scatter.add.f32 @p0 [tilespmem:s28], [sflag:$0xE], $0x80, s29, s30, $0xb8;
	[tilespmem:$0x1E400] =	vst v63  }
0xb0: {  	s28 =	sadd.s32 @!p0 $0x160, s0;
	s29 =	simm.s32 @!p0 $0x13F00;
	s30 =	simm.s32 @!p0 $0xD  }
0xb1: {  	[tilespmem:s29], [sflag:$0x4] =	stream.linear.gather @!p0 [hbm4b:s28+s3], $0x100, $0x38;
	[tilespmem:$0x1E400] =	vst v63  }
0xb2: {  	_ =	swait.ge @!p0 [sflag:s30], $0x2800  }
0xb3: {  	[sflag:s30] =	ssyncset.done @!p0 $0x0  }
0xb4: {  	s28 =	simm.s32 @!p0 $0x1;
	[sflag:s30] =	ssyncadd.s32 @!p0 $0xFFFFD800  }
0xb5: {  	_ =	swait.ge @!p0 [sflag:s28], $0x100  }
0xb6: {  	s29 =	simm.s32 @!p0 $0x50;
	[sflag:s28] =	ssyncset.done @!p0 $0x0  }
0xb7: {  	s30 =	simm.s32 @!p0 $0x14400;
	[sflag:s28] =	ssyncadd.s32 @!p0 $0xFFFFFF00;
	s28 =	simm.s32 @!p0 $0xA  }
0xb8: {  	[tilespmem:s30], [sflag:$0x9] =	stream.indirect.gather @!p0 [hbm4b:s4+s29], $0x80, s23, s29, $0xb8;
	[tilespmem:$0x1E400] =	vst v63  }
0xb9: {  	_ =	swait.ge @!p0 [sflag:s28], $0x2800  }
0xba: {  	[sflag:s28] =	ssyncset.done @!p0 $0x0  }
0xbb: {  	s23 =	simm.s32 @!p0 $0x14180;
	s30 =	simm.s32 @!p0 $0x16C00;
	[sflag:s28] =	ssyncadd.s32 @!p0 $0xFFFFD800  }
0xbc: {  	[spmem:s2] =	stream.indirect.scatter.add.f32 @!p0 [tilespmem:s30], [sflag:$0xE], $0x80, s23, s29, $0xb8;
	[tilespmem:$0x1E400] =	vst v63  }
0xbd: {  	s28 =	simm.s32 @!p0 $0x14000;
	s23 =	sadd.s32 @!p0 $0x180, s0  }
0xbe: {  	[tilespmem:s28], [sflag:$0x5] =	stream.linear.gather @!p0 [hbm4b:s23+s3], $0x100, $0x38;
	[tilespmem:$0x1E400] =	vst v63  }
0xbf: {  	s23 =	simm.s32 @!p0 $0xE  }
0xc0: {  	_ =	swait.ge @!p0 [sflag:s23], $0x2800  }
0xc1: {  	[sflag:s23] =	ssyncset.done @!p0 $0x0  }
0xc2: {  	[sflag:s23] =	ssyncadd.s32 @!p0 $0xFFFFD800;
	s23 =	simm.s32 @!p0 $0x2  }
0xc3: {  	_ =	swait.ge @!p0 [sflag:s23], $0x100  }
0xc4: {  	[sflag:s23] =	ssyncset.done @!p0 $0x0  }
0xc5: {  	[sflag:s23] =	ssyncadd.s32 @!p0 $0xFFFFFF00  }
0xc6: {  	[tilespmem:s30], [sflag:$0xA] =	stream.indirect.gather @!p0 [hbm4b:s4+s29], $0x80, s7, s29, $0xb8;
	[tilespmem:$0x1E400] =	vst v63  }
0xc7: {  	_ =	swait.ge [sflag:s20], $0x2800  }
0xc8: {  	[sflag:s20] =	ssyncset.done $0x0  }
0xc9: {  	s30 =	rddreg [dreg:$0x9];
	[sflag:s20] =	ssyncadd.s32 $0xFFFFD800  }
0xca: {  	[spmem:s2] =	stream.indirect.scatter.add.f32 [tilespmem:s14], [sflag:$0xF], $0x80, s30, s1, $0xb8;
	[tilespmem:$0x1E400] =	vst v63  }
0xcb: {  	s0 =	sadd.s32 @!p0 $0x1A0, s0;
	s7 =	simm.s32 @!p0 $0x14100  }
0xcc: {  	[tilespmem:s7], [sflag:$0x6] =	stream.linear.gather @!p0 [hbm4b:s0+s3], $0x100, $0x38;
	[tilespmem:$0x1E400] =	vst v63  }
0xcd: {  	s0 =	simm.s32 @!p0 $0xF  }
0xce: {  	_ =	swait.ge @!p0 [sflag:s0], $0x2800  }
0xcf: {  	[sflag:s0] =	ssyncset.done @!p0 $0x0  }
0xd0: {  	s16 =	simm.s32 $0xD;
	[sflag:s0] =	ssyncadd.s32 @!p0 $0xFFFFD800;
	s0 =	simm.s32 @!p0 $0x3  }
0xd1: {  	s18 =	simm.s32 $0xA;
	s17 =	simm.s32 $0x5;
	_ =	swait.ge @!p0 [sflag:s0], $0x100  }
0xd2: {  	s8 =	simm.s32 $0x8;
	s19 =	simm.s32 $0xE;
	[sflag:s0] =	ssyncset.done @!p0 $0x0  }
0xd3: {  	s13 =	simm.s32 $0x7;
	[sflag:s0] =	ssyncadd.s32 @!p0 $0xFFFFFF00;
	s0 =	simm.s32 @!p0 $0x19400  }
0xd4: {  	[tilespmem:s0], [sflag:$0xB] =	stream.indirect.gather @!p0 [hbm4b:s4+s29], $0x80, s5, s29, $0xb8;
	[tilespmem:$0x1E400] =	vst v63  }
0xd5: {  	s24 =	simm.s32 $0x6;
	s31 =	simm.s32 $0x10;
	_ =	swait.ge [sflag:s26], $0x2800  }
0xd6: {  	s15 =	simm.s32 $0x14300;
	s25 =	simm.s32 $0xF;
	[sflag:s26] =	ssyncset.done $0x0  }
0xd7: {  	s7 =	simm.s32 $0x100;
	s3 =	rddreg [dreg:$0xa];
	[sflag:s26] =	ssyncadd.s32 $0xFFFFD800  }
.LBB2_4:
0xd8: {  	s5 =	sadd.s32 s7, s21;
	s0 =	smov.u32 s7  }
0xd9: {  	[spmem:s2] =	stream.indirect.scatter.add.f32 [tilespmem:s11], [sflag:$0x10], $0x80, s3, s1, $0xb8;
	[tilespmem:$0x1E400] =	vst v63  }
0xda: {  	s29 =	sadd.s32 $0xC0, s5;
	p1 =	seq.s32 s0, $0x0  }
0xdb: {  	[tilespmem:s6], [sflag:$0x7] =	stream.linear.gather [hbm4b:s29+s9], $0x100, $0x38;
	[tilespmem:$0x1E400] =	vst v63  }
0xdc: {  	s3 =	simm.s32 @!p1 $0x10  }
0xdd: {  	_ =	swait.ge @!p1 [sflag:s3], $0x2800  }
0xde: {  	[sflag:s3] =	ssyncset.done @!p1 $0x0  }
0xdf: {  	[sflag:s3] =	ssyncadd.s32 @!p1 $0xFFFFD800  }
0xe0: {  	_ =	swait.ge [sflag:s10], $0x100  }
0xe1: {  	[sflag:s10] =	ssyncset.done $0x0  }
0xe2: {  	s30 =	simm.s32 $0x13F00;
	[sflag:s10] =	ssyncadd.s32 $0xFFFFFF00  }
0xe3: {  	[tilespmem:s11], [sflag:$0xC] =	stream.indirect.gather [hbm4b:s4+s1], $0x80, s30, s1, $0xb8;
	[tilespmem:$0x1E400] =	vst v63  }
0xe4: {  	_ =	swait.ge [sflag:s12], $0x2800  }
0xe5: {  	[sflag:s12] =	ssyncset.done $0x0  }
0xe6: {  	s6 =	rddreg [dreg:$0x4];
	[sflag:s12] =	ssyncadd.s32 $0xFFFFD800  }
0xe7: {  	[spmem:s2] =	stream.indirect.scatter.add.f32 [tilespmem:s22], [sflag:$0xD], $0x80, s6, s1, $0xb8;
	[tilespmem:$0x1E400] =	vst v63  }
0xe8: {  	s5 =	sadd.s32 $0xE0, s5  }
0xe9: {  	[tilespmem:s15], [sflag:$0x8] =	stream.linear.gather [hbm4b:s5+s9], $0x100, $0x38;
	[tilespmem:$0x1E400] =	vst v63  }
0xea: {  	_ =	swait.ge [sflag:s16], $0x2800  }
0xeb: {  	[sflag:s16] =	ssyncset.done $0x0  }
0xec: {  	[sflag:s16] =	ssyncadd.s32 $0xFFFFD800  }
0xed: {  	_ =	swait.ge [sflag:s17], $0x100  }
0xee: {  	[sflag:s17] =	ssyncset.done $0x0  }
0xef: {  	s9 =	simm.s32 $0x14000;
	[sflag:s17] =	ssyncadd.s32 $0xFFFFFF00  }
0xf0: {  	[tilespmem:s22], [sflag:$0x9] =	stream.indirect.gather [hbm4b:s4+s1], $0x80, s9, s1, $0xb8;
	[tilespmem:$0x1E400] =	vst v63  }
0xf1: {  	p1 =	seq.s32 s0, $0xF00;
	_ =	swait.ge [sflag:s18], $0x2800  }
0xf2: {  	s0 =	sadd.s32 @!p1 s0, s21;
	[sflag:s18] =	ssyncset.done $0x0  }
0xf3: {  	s30 =	simm.s32 $0x16C00;
	s10 =	rddreg [dreg:$0x5];
	[sflag:s18] =	ssyncadd.s32 $0xFFFFD800  }
0xf4: {  	[spmem:s2] =	stream.indirect.scatter.add.f32 [tilespmem:s30], [sflag:$0xE], $0x80, s10, s1, $0xb8;
	[tilespmem:$0x1E400] =	vst v63  }
0xf5: {  	s28 =	simm.s32 @!p1 $0x13C00;
	s3 =	sadd.s32 @!p1 $0x100, s0;
	s5 =	simm.s32 @!p1 $0x0  }
0xf6: {  	[tilespmem:s28], [sflag:$0x1] =	stream.linear.gather @!p1 [hbm4b:s3+s5], $0x100, $0x38;
	[tilespmem:$0x1E400] =	vst v63  }
0xf7: {  	_ =	swait.ge [sflag:s19], $0x2800  }
0xf8: {  	[sflag:s19] =	ssyncset.done $0x0  }
0xf9: {  	[sflag:s19] =	ssyncadd.s32 $0xFFFFD800  }
0xfa: {  	_ =	swait.ge [sflag:s24], $0x100  }
0xfb: {  	[sflag:s24] =	ssyncset.done $0x0  }
0xfc: {  	s9 =	simm.s32 $0x14100;
	[sflag:s24] =	ssyncadd.s32 $0xFFFFFF00  }
0xfd: {  	[tilespmem:s30], [sflag:$0xA] =	stream.indirect.gather [hbm4b:s4+s1], $0x80, s9, s1, $0xb8;
	[tilespmem:$0x1E400] =	vst v63  }
0xfe: {  	_ =	swait.ge [sflag:s20], $0x2800  }
0xff: {  	[sflag:s20] =	ssyncset.done $0x0  }
0x100: {  	s9 =	rddreg [dreg:$0x6];
	[sflag:s20] =	ssyncadd.s32 $0xFFFFD800  }
0x101: {  	[spmem:s2] =	stream.indirect.scatter.add.f32 [tilespmem:s14], [sflag:$0xF], $0x80, s9, s1, $0xb8;
	[tilespmem:$0x1E400] =	vst v63  }
0x102: {  	s29 =	sadd.s32 @!p1 $0x120, s0;
	s30 =	simm.s32 @!p1 $0x13D00  }
0x103: {  	[tilespmem:s30], [sflag:$0x2] =	stream.linear.gather @!p1 [hbm4b:s29+s5], $0x100, $0x38;
	[tilespmem:$0x1E400] =	vst v63  }
0x104: {  	_ =	swait.ge [sflag:s25], $0x2800  }
0x105: {  	[sflag:s25] =	ssyncset.done $0x0  }
0x106: {  	[sflag:s25] =	ssyncadd.s32 $0xFFFFD800  }
0x107: {  	_ =	swait.ge [sflag:s13], $0x100  }
0x108: {  	[sflag:s13] =	ssyncset.done $0x0  }
0x109: {  	s10 =	simm.s32 $0x14200;
	[sflag:s13] =	ssyncadd.s32 $0xFFFFFF00  }
0x10a: {  	[tilespmem:s14], [sflag:$0xB] =	stream.indirect.gather [hbm4b:s4+s1], $0x80, s10, s1, $0xb8;
	[tilespmem:$0x1E400] =	vst v63  }
0x10b: {  	_ =	swait.ge [sflag:s26], $0x2800  }
0x10c: {  	[sflag:s26] =	ssyncset.done $0x0  }
0x10d: {  	s14 =	rddreg [dreg:$0x7];
	[sflag:s26] =	ssyncadd.s32 $0xFFFFD800  }
0x10e: {  	[spmem:s2] =	stream.indirect.scatter.add.f32 [tilespmem:s11], [sflag:$0x10], $0x80, s14, s1, $0xb8;
	[tilespmem:$0x1E400] =	vst v63  }
0x10f: {  	s6 =	sadd.s32 @!p1 $0x140, s0;
	s29 =	simm.s32 @!p1 $0x13E00  }
0x110: {  	[tilespmem:s29], [sflag:$0x3] =	stream.linear.gather @!p1 [hbm4b:s6+s5], $0x100, $0x38;
	[tilespmem:$0x1E400] =	vst v63  }
0x111: {  	_ =	swait.ge [sflag:s31], $0x2800  }
0x112: {  	[sflag:s31] =	ssyncset.done $0x0  }
0x113: {  	[sflag:s31] =	ssyncadd.s32 $0xFFFFD800  }
0x114: {  	_ =	swait.ge [sflag:s8], $0x100  }
0x115: {  	[sflag:s8] =	ssyncset.done $0x0  }
0x116: {  	[sflag:s8] =	ssyncadd.s32 $0xFFFFFF00  }
0x117: {  	[tilespmem:s11], [sflag:$0xC] =	stream.indirect.gather [hbm4b:s4+s1], $0x80, s15, s1, $0xb8;
	[tilespmem:$0x1E400] =	vst v63  }
0x118: {  	_ =	swait.ge [sflag:s12], $0x2800  }
0x119: {  	[sflag:s12] =	ssyncset.done $0x0  }
0x11a: {  	s9 =	simm.s32 @p1 $0xA;
	s14 =	rddreg [dreg:$0x8];
	[sflag:s12] =	ssyncadd.s32 $0xFFFFD800  }
0x11b: {  	[spmem:s2] =	stream.indirect.scatter.add.f32 [tilespmem:s22], [sflag:$0xD], $0x80, s14, s1, $0xb8;
	[tilespmem:$0x1E400] =	vst v63  }
0x11c: {  	_ =	swait.ge @p1 [sflag:s9], $0x2800  }
0x11d: {  	s6 =	simm.s32 @p1 $0x16C00;
	[sflag:s9] =	ssyncset.done @p1 $0x0  }
0x11e: {  	s14 =	simm.s32 @p1 $0x50;
	s22 =	simm.s32 @p1 $0x14180;
	[sflag:s9] =	ssyncadd.s32 @p1 $0xFFFFD800  }
0x11f: {  	[spmem:s2] =	stream.indirect.scatter.add.f32 @p1 [tilespmem:s6], [sflag:$0xE], $0x80, s22, s14, $0xb8;
	[tilespmem:$0x1E400] =	vst v63  }
0x120: {  	s3 =	sadd.s32 @!p1 $0x160, s0;
	s9 =	simm.s32 @!p1 $0x13F00;
	s6 =	simm.s32 @!p1 $0xD  }
0x121: {  	[tilespmem:s9], [sflag:$0x4] =	stream.linear.gather @!p1 [hbm4b:s3+s5], $0x100, $0x38;
	[tilespmem:$0x1E400] =	vst v63  }
0x122: {  	_ =	swait.ge @!p1 [sflag:s6], $0x2800  }
0x123: {  	[sflag:s6] =	ssyncset.done @!p1 $0x0  }
0x124: {  	s9 =	simm.s32 @!p1 $0x1;
	[sflag:s6] =	ssyncadd.s32 @!p1 $0xFFFFD800  }
0x125: {  	_ =	swait.ge @!p1 [sflag:s9], $0x100  }
0x126: {  	s3 =	simm.s32 @!p1 $0x50;
	[sflag:s9] =	ssyncset.done @!p1 $0x0  }
0x127: {  	s6 =	simm.s32 @!p1 $0x14400;
	[sflag:s9] =	ssyncadd.s32 @!p1 $0xFFFFFF00;
	s9 =	simm.s32 @!p1 $0xA  }
0x128: {  	[tilespmem:s6], [sflag:$0x9] =	stream.indirect.gather @!p1 [hbm4b:s4+s3], $0x80, s28, s3, $0xb8;
	[tilespmem:$0x1E400] =	vst v63  }
0x129: {  	_ =	swait.ge @!p1 [sflag:s9], $0x2800  }
0x12a: {  	[sflag:s9] =	ssyncset.done @!p1 $0x0  }
0x12b: {  	s14 =	simm.s32 @!p1 $0x16C00;
	s6 =	simm.s32 @!p1 $0x14180;
	[sflag:s9] =	ssyncadd.s32 @!p1 $0xFFFFD800  }
0x12c: {  	[spmem:s2] =	stream.indirect.scatter.add.f32 @!p1 [tilespmem:s14], [sflag:$0xE], $0x80, s6, s3, $0xb8;
	[tilespmem:$0x1E400] =	vst v63  }
0x12d: {  	s23 =	sadd.s32 @!p1 $0x180, s0;
	s9 =	simm.s32 @!p1 $0x14000;
	s6 =	simm.s32 @!p1 $0xE  }
0x12e: {  	[tilespmem:s9], [sflag:$0x5] =	stream.linear.gather @!p1 [hbm4b:s23+s5], $0x100, $0x38;
	[tilespmem:$0x1E400] =	vst v63  }
0x12f: {  	_ =	swait.ge @!p1 [sflag:s6], $0x2800  }
0x130: {  	[sflag:s6] =	ssyncset.done @!p1 $0x0  }
0x131: {  	s9 =	simm.s32 @!p1 $0x2;
	[sflag:s6] =	ssyncadd.s32 @!p1 $0xFFFFD800  }
0x132: {  	_ =	swait.ge @!p1 [sflag:s9], $0x100  }
0x133: {  	[sflag:s9] =	ssyncset.done @!p1 $0x0  }
0x134: {  	[sflag:s9] =	ssyncadd.s32 @!p1 $0xFFFFFF00  }
0x135: {  	[tilespmem:s14], [sflag:$0xA] =	stream.indirect.gather @!p1 [hbm4b:s4+s3], $0x80, s30, s3, $0xb8;
	[tilespmem:$0x1E400] =	vst v63  }
0x136: {  	_ =	swait.ge [sflag:s20], $0x2800  }
0x137: {  	[sflag:s20] =	ssyncset.done $0x0  }
0x138: {  	s14 =	simm.s32 $0x19400;
	s30 =	rddreg [dreg:$0x9];
	[sflag:s20] =	ssyncadd.s32 $0xFFFFD800  }
0x139: {  	[spmem:s2] =	stream.indirect.scatter.add.f32 [tilespmem:s14], [sflag:$0xF], $0x80, s30, s1, $0xb8;
	[tilespmem:$0x1E400] =	vst v63  }
0x13a: {  	s0 =	sadd.s32 @!p1 $0x1A0, s0;
	s6 =	simm.s32 @!p1 $0xF;
	s9 =	simm.s32 @!p1 $0x14100  }
0x13b: {  	[tilespmem:s9], [sflag:$0x6] =	stream.linear.gather @!p1 [hbm4b:s0+s5], $0x100, $0x38;
	[tilespmem:$0x1E400] =	vst v63  }
0x13c: {  	_ =	swait.ge @!p1 [sflag:s6], $0x2800  }
0x13d: {  	[sflag:s6] =	ssyncset.done @!p1 $0x0  }
0x13e: {  	s0 =	simm.s32 @!p1 $0x3;
	[sflag:s6] =	ssyncadd.s32 @!p1 $0xFFFFD800  }
0x13f: {  	s7 =	sadd.s32 $0x100, s7;
	_ =	swait.ge @!p1 [sflag:s0], $0x100  }
0x140: {  	p0 =	sne.s32 s7, $0x1000;
	[sflag:s0] =	ssyncset.done @!p1 $0x0  }
.Ltmp1:
0x141: {  	s5 =	simm.s32 @!p1 $0x19400;
	[sflag:s0] =	ssyncadd.s32 @!p1 $0xFFFFFF00;
	(pc) =	sbr.rel @p0 .LBB2_4-.Ltmp1, $4  }
0x142: {  	[tilespmem:s5], [sflag:$0xB] =	stream.indirect.gather @!p1 [hbm4b:s4+s3], $0x80, s29, s3, $0xb8;
	[tilespmem:$0x1E400] =	vst v63  }
0x143: {  	s10 =	simm.s32 $0x4;
	_ =	swait.ge [sflag:s26], $0x2800  }
0x144: {  	s22 =	simm.s32 $0x14400;
	s9 =	simm.s32 $0x0;
	[sflag:s26] =	ssyncset.done $0x0  }
0x145: {  	s6 =	simm.s32 $0x14200;
	s3 =	rddreg [dreg:$0xa];
	[sflag:s26] =	ssyncadd.s32 $0xFFFFD800  }
0x146: {  	[spmem:s2] =	stream.indirect.scatter.add.f32 [tilespmem:s11], [sflag:$0x10], $0x80, s3, s1, $0xb8;
	[tilespmem:$0x1E400] =	vst v63  }
0x147: {  	_ =	swait.ge [sflag:s16], $0x2800  }
0x148: {  	[sflag:s16] =	ssyncset.done $0x0  }
0x149: {  	[sflag:s16] =	ssyncadd.s32 $0xFFFFD800  }
0x14a: {  	_ =	swait.ge [sflag:s19], $0x2800  }
0x14b: {  	[sflag:s19] =	ssyncset.done $0x0  }
0x14c: {  	[sflag:s19] =	ssyncadd.s32 $0xFFFFD800  }
0x14d: {  	_ =	swait.ge [sflag:s25], $0x2800  }
0x14e: {  	[sflag:s25] =	ssyncset.done $0x0  }
0x14f: {  	[sflag:s25] =	ssyncadd.s32 $0xFFFFD800  }
0x150: {  	_ =	swait.ge [sflag:s31], $0x2800  }
0x151: {  	[sflag:s31] =	ssyncset.done $0x0  }
0x152: {  	[sflag:s31] =	ssyncadd.s32 $0xFFFFD800  }
0x153: {  	s0 =	stileid.u32;
	[bflag:$0x0] =	sbarrier.arrive $0xFFFF  }
0x154: {  	s0 =	sshll.u32 s0, $0x6;
	s14 =	rddreg [dreg:$0xb]  }
0x155: {  	s0 =	sor.u32 $0x1C11, s0;
	s5 =	rddreg [dreg:$0x19];
	s23 =	sshrl.u32 s14, $0x3  }
0x156: {  	[hbm:s5], [sflag:s0] =	dma.local [spmem:s23], $0x2780  }
0x157: {  	s5 =	simm.s32 $0x11  }
0x158: {  	_ =	swait.ge [sflag:s5], $0x2780  }
0x159: {  	s24 =	rddreg [dreg:$0x1b]  }
0x15a: {  	s25 =	rddreg [dreg:$0x1a];
	s3 =	sadd.s32 $0x1, s24  }
0x15b: {  	s28 =	simm.s32 $0x14000;
	s29 =	simm.s32 $0x14100;
	p0 =	sne.s32 s3, s25  }
.Ltmp2:
0x15c: {  	s8 =	simm.s32 $0x16C00;
	s15 =	simm.s32 $0x14300;
	(pc) =	sbr.rel @p0 .LBB2_1-.Ltmp2, $4  }
0x15d: {  	s17 =	simm.s32 $0x5;
	s18 =	simm.s32 $0xA;
	s13 =	simm.s32 $0x7  }
0x15e: {  	s30 =	simm.s32 $0x10;
	s16 =	simm.s32 $0xD;
	s19 =	simm.s32 $0xE  }
0x15f: {  	s31 =	simm.s32 $0x8;
	s23 =	simm.s32 $0x13F00;
	[sflag:s5] =	ssyncset.done $0x0  }
0x160: {  	[sflag:s5] =	ssyncadd.s32 $0xFFFFD880;
	s24 =	simm.s32 $0x6;
	s25 =	simm.s32 $0xF  }
0x161: {  	_ =	sfence.sel $0x180000  }
0x162: {  	[bflag:$0x0] =	sbarrier.arrive $0xFFFF  }
0x163: {  	_ =	strace $0x9000004A  }
0x164: {  	s0 =	stileid.u32;
	[bflag:$0x2] =	sbarrier.arrive $0xFFFF  }
0x165: {  	p0 =	sne.s32 s0, $0x0;
	s0 =	rddreg [dreg:$0x3]  }
0x166: {  	s0 =	sadd.s32 @!p0 $0x100000, s0  }
0x167: {  	[sflag:s0] =	ssyncadd.tile.s32 @!p0 $0x1;
	_ =	shalt  }
.Lfunc_end2:
_tile_overlayer_lowered:
.L_overlay_start_2:
0x168: {  	(tag) =	ssettag $0x2  }
0x169: {  	s0 =	rddreg [dreg:$0x0];
	s2 =	stileid.u32  }
0x16a: {  	s1 =	rddreg [dreg:$0x1];
	p0 =	sne.s32 s2, $0x0  }
0x16b: {  	s3 =	rddreg [dreg:$0x2];
	[bflag:$0x3] =	sbarrier.arrive $0xFFFF;
	s2 =	simm.s32 @!p0 $0x1C11  }
0x16c: {  	[timem:s3], [sflag:s2] =	dma.local @!p0 [hbm:s0], s1  }
0x16d: {  	s0 =	simm.s32 @!p0 $0x11  }
0x16e: {  	_ =	swait.ge @!p0 [sflag:s0], s1  }
0x16f: {  	s1 =	ssub.s32 @!p0 $0x0, s1;
	[sflag:s0] =	ssyncset.done @!p0 $0x0  }
0x170: {  	[sflag:s0] =	ssyncadd.s32 @!p0 s1  }
0x171: {  	[bflag:$0x3] =	sbarrier.arrive $0xFFFF  }
0x172: {  	_ =	shalt  }

</sc_bundles>
